<compile_context>
chip_gen: v7x
topology: tpu7x:2x2x1
jax: 0.10.2.dev20260603
libtpu: 0.0.44.dev20260713+nightly
codegen_flags: <defaults>
</compile_context>

<pallas_src>
import functools

import jax
import jax.numpy as jnp
from jax import lax
from jax.experimental import pallas as pl
from jax.experimental.pallas import tpu as pltpu
from jax.experimental.pallas import tpu_sc as plsc

BATCH = 16384
EMBED = 32
HIDDEN = 128
PACK = 128 // EMBED
W = 8192
MLP_BLOCK = 4096

NUM_CORES = 2
NUM_SUBCORES = 16
NUM_WORKERS = NUM_CORES * NUM_SUBCORES
PER_WORKER = BATCH // NUM_WORKERS
CHUNK = 128


def _transpose_pack_body(x0_ref, x1_ref, x2_ref, x3_ref, e_ref, o_ref):
    his, los = [], []
    for xr in (x0_ref, x1_ref, x2_ref, x3_ref):
        xk = xr[...]
        hi = xk.astype(jnp.bfloat16)
        lo = (xk - hi.astype(jnp.float32)).astype(jnp.bfloat16)
        his.append(hi)
        los.append(lo)
    x_all = jnp.concatenate(his + los, axis=0)
    o_ref[...] = lax.dot_general(x_all, e_ref[...],
                                 (((0,), (0,)), ((), ())),
                                 preferred_element_type=jnp.float32)


def _transpose_pack(table_t, eye_pack, n_rows):
    grid_n = pl.cdiv(n_rows, PACK * W)
    out_rows = grid_n * W
    last_block = n_rows // W

    def mk_spec(k):
        return pl.BlockSpec(
            (EMBED, W),
            lambda i, k=k: (0, jnp.minimum(PACK * i + k, last_block)))

    return pl.pallas_call(
        _transpose_pack_body,
        grid=(grid_n,),
        in_specs=[mk_spec(0), mk_spec(1), mk_spec(2), mk_spec(3),
                  pl.BlockSpec((2 * PACK * EMBED, PACK * EMBED),
                               lambda i: (0, 0))],
        out_specs=pl.BlockSpec((W, PACK * EMBED), lambda i: (i, 0)),
        out_shape=jax.ShapeDtypeStruct((out_rows, PACK * EMBED), jnp.float32),
    )(table_t, table_t, table_t, table_t, eye_pack)


def _sc_gather(table, ids):
    mesh = plsc.VectorSubcoreMesh(core_axis_name="c", subcore_axis_name="s")
    out_t = jax.ShapeDtypeStruct((BATCH, PACK * EMBED), jnp.float32)

    n_chunks = PER_WORKER // CHUNK

    @functools.partial(
        pl.kernel, mesh=mesh, out_type=out_t,
        scratch_types=[
            pltpu.VMEM((PER_WORKER,), jnp.int32),
            pltpu.VMEM((CHUNK, PACK * EMBED), jnp.float32),
            pltpu.VMEM((CHUNK, PACK * EMBED), jnp.float32),
            pltpu.SemaphoreType.DMA,
            pltpu.SemaphoreType.DMA,
            pltpu.SemaphoreType.DMA,
            pltpu.SemaphoreType.DMA,
        ],
    )
    def gather_kernel(e_hbm, i_hbm, o_hbm, ix, rows0, rows1,
                      gs0, gs1, ws0, ws1):
        wid = lax.axis_index("s") * NUM_CORES + lax.axis_index("c")
        base = wid * PER_WORKER
        pltpu.sync_copy(i_hbm.at[pl.ds(base, PER_WORKER)], ix)
        for j in range(PER_WORKER // 16):
            sl = pl.ds(j * 16, 16)
            v = ix[sl]
            ix[sl] = ((v >> (_SEL_SHIFT + 2)) << _SEL_SHIFT) | (v & (W - 1))

        bufs = (rows0, rows1)
        gsems = (gs0, gs1)
        wsems = (ws0, ws1)

        def start_gather(c):
            return pltpu.async_copy(
                e_hbm.at[ix.at[pl.ds(c * CHUNK, CHUNK)]], bufs[c % 2],
                gsems[c % 2])

        def start_write(c):
            return pltpu.async_copy(
                bufs[c % 2], o_hbm.at[pl.ds(base + c * CHUNK, CHUNK)],
                wsems[c % 2])

        gathers = [start_gather(0), start_gather(1)]
        writes = [None, None]
        for c in range(n_chunks):
            gathers[c % 2].wait()
            writes[c % 2] = start_write(c)
            nxt = c + 2
            if nxt < n_chunks:
                writes[c % 2].wait()
                gathers[c % 2] = start_gather(nxt)
        for c in (n_chunks - 2, n_chunks - 1):
            writes[c % 2].wait()

    return gather_kernel(table, ids)


_SEL_SHIFT = (W - 1).bit_length()


def _mask_group(rows, ids):
    sel = (ids >> _SEL_SHIFT) & (PACK - 1)
    lane_group = jax.lax.broadcasted_iota(
        jnp.int32, (1, PACK * EMBED), 1) // EMBED
    return jnp.where(lane_group == sel[:, None], rows, 0.0)


def _mlp_body(u4_ref, a4_ref, uid_ref, aid_ref, w1_ref, b1_ref,
              w2_ref, b2_ref, o_ref):
    um = _mask_group(u4_ref[...], uid_ref[...])
    am = _mask_group(a4_ref[...], aid_ref[...])
    x = jnp.concatenate([um, am], axis=1)
    w_all = jnp.concatenate([w1_ref[:EMBED, :]] * PACK
                            + [w1_ref[EMBED:, :]] * PACK, axis=0)
    h = jnp.dot(x, w_all, preferred_element_type=jnp.float32)
    h = jnp.maximum(h + b1_ref[...], 0.0)
    o_ref[...] = jnp.sum(h * w2_ref[...], axis=1) + b2_ref[0, 0]


def _mlp(u4, a4, user_ids, anime_ids, W1, b1, W2, b2):
    b1r = b1.reshape(1, HIDDEN)
    w2r = W2.reshape(1, HIDDEN)
    b2r = b2.reshape(1, 1)
    grid = (BATCH // MLP_BLOCK,)
    return pl.pallas_call(
        _mlp_body,
        grid=grid,
        in_specs=[
            pl.BlockSpec((MLP_BLOCK, PACK * EMBED), lambda i: (i, 0)),
            pl.BlockSpec((MLP_BLOCK, PACK * EMBED), lambda i: (i, 0)),
            pl.BlockSpec((MLP_BLOCK,), lambda i: (i,)),
            pl.BlockSpec((MLP_BLOCK,), lambda i: (i,)),
            pl.BlockSpec((2 * EMBED, HIDDEN), lambda i: (0, 0)),
            pl.BlockSpec((1, HIDDEN), lambda i: (0, 0)),
            pl.BlockSpec((1, HIDDEN), lambda i: (0, 0)),
            pl.BlockSpec((1, 1), lambda i: (0, 0)),
        ],
        out_specs=pl.BlockSpec((MLP_BLOCK,), lambda i: (i,)),
        out_shape=jax.ShapeDtypeStruct((BATCH,), jnp.float32),
    )(u4, a4, user_ids, anime_ids, W1, b1r, w2r, b2r)


@jax.jit
def kernel(user_ids, anime_ids, user_emb, anime_emb, W1, b1, W2, b2):
    eye1 = jnp.eye(PACK * EMBED, dtype=jnp.bfloat16)
    eye_pack = jnp.concatenate([eye1, eye1], axis=0)
    up = _transpose_pack(user_emb.T, eye_pack, user_emb.shape[0])
    u4 = _sc_gather(up, user_ids)
    ap = _transpose_pack(anime_emb.T, eye_pack, anime_emb.shape[0])
    a4 = _sc_gather(ap, anime_ids)
    return _mlp(u4, a4, user_ids, anime_ids, W1, b1, W2, b2)

# --- scband reference (transcript-rebuilt; emitter-appended) ---
"""Pipeline reference for scband-collab-fnet-27522150433458 (READ-ONLY COPY).

The authoritative reference and input builder live on the scoring server;
editing this copy changes nothing except your own understanding.
"""

import jax, jax.numpy as jnp
import numpy as np

N_USERS = 1000000
N_ANIMES = 100000
EMBED_DIM = 32
HIDDEN_DIM = 128
BATCH = 16384


def setup_inputs(seed: int = 0) -> dict:
    key = jax.random.key(seed)
    ks = jax.random.split(key, 8)
    user_ids = jax.random.randint(ks[0], (BATCH,), 0, N_USERS, dtype=jnp.int64 if jax.config.jax_enable_x64 else jnp.int32)
    anime_ids = jax.random.randint(ks[1], (BATCH,), 0, N_ANIMES, dtype=jnp.int64 if jax.config.jax_enable_x64 else jnp.int32)
    user_emb = jax.random.normal(ks[2], (N_USERS, EMBED_DIM), dtype=jnp.float32) * 0.02
    anime_emb = jax.random.normal(ks[3], (N_ANIMES, EMBED_DIM), dtype=jnp.float32) * 0.02
    W1 = jax.random.normal(ks[4], (EMBED_DIM * 2, HIDDEN_DIM), dtype=jnp.float32) * (1.0 / np.sqrt(EMBED_DIM * 2))
    b1 = jnp.zeros((HIDDEN_DIM,), dtype=jnp.float32)
    W2 = jax.random.normal(ks[5], (HIDDEN_DIM, 1), dtype=jnp.float32) * (1.0 / np.sqrt(HIDDEN_DIM))
    b2 = jnp.zeros((1,), dtype=jnp.float32)
    return {
        "user_ids": user_ids,
        "anime_ids": anime_ids,
        "user_emb": user_emb,
        "anime_emb": anime_emb,
        "W1": W1,
        "b1": b1,
        "W2": W2,
        "b2": b2,
    }


def reference(user_ids, anime_ids, user_emb, anime_emb, W1, b1, W2, b2):
    # embedding lookups (SparseCore gather)
    u = jnp.take(user_emb, user_ids, axis=0)      # [B, E]
    a = jnp.take(anime_emb, anime_ids, axis=0)    # [B, E]
    x = jnp.concatenate([u, a], axis=1)           # [B, 2E]
    x = jax.nn.relu(x @ W1 + b1)                  # [B, H]
    x = x @ W2 + b2                               # [B, 1]
    return jnp.squeeze(x, axis=-1)                # [B]

if __name__ == "__main__":
    import jax
    _d = setup_inputs()
    print(jax.jit(kernel)(*tuple(_d.values())))

</pallas_src>

<mosaic_0001>
#map = affine_map<(d0, d1) -> (0, 0)>
#map1 = affine_map<(d0, d1) -> (0)>
module attributes {stable_mosaic.version = 14 : i64} {
  func.func @gather_kernel(%arg0: i32, %arg1: i32, %arg2: memref<253952x128xf32, #tpu.memory_space<hbm>>, %arg3: memref<16384xi32, #tpu.memory_space<hbm>>, %arg4: memref<16384x128xf32, #tpu.memory_space<hbm>>, %arg5: memref<512xi32, #tpu.memory_space<vmem>>, %arg6: memref<128x128xf32, #tpu.memory_space<vmem>>, %arg7: memref<128x128xf32, #tpu.memory_space<vmem>>, %arg8: memref<!tpu.dma_semaphore, #tpu.memory_space<semaphore_mem>>, %arg9: memref<!tpu.dma_semaphore, #tpu.memory_space<semaphore_mem>>, %arg10: memref<!tpu.dma_semaphore, #tpu.memory_space<semaphore_mem>>, %arg11: memref<!tpu.dma_semaphore, #tpu.memory_space<semaphore_mem>>) attributes {dimension_semantics = [#tpu.dimension_semantics<core_parallel>, #tpu.dimension_semantics<subcore_parallel>], iteration_bounds = array<i64: 2, 16>, scalar_prefetch = 0 : i64, scratch_operands = 7 : i64, tpu.core_type = #tpu.core_type<sc_vector_subcore>, window_params = [{transform_indices = #map}, {transform_indices = #map1}, {transform_indices = #map}]} {
    %mul3A = arith.constant 2 : i32
    %mul3A_0 = arith.muli %arg1, %mul3A : i32
    %add3A = arith.addi %mul3A_0, %arg0 : i32
    %mul3A_1 = arith.constant 512 : i32
    %mul3A_2 = arith.muli %add3A, %mul3A_1 : i32
    "tpu.region"() ({
      %run_scoped3A = tpu.sem_alloc : memref<!tpu.dma_semaphore, #tpu.memory_space<semaphore_mem>>
      %dma_start3A_619 = tpu.memref_slice %arg3[%mul3A_2] : memref<16384xi32, #tpu.memory_space<hbm>> -> memref<512xi32, #tpu.memory_space<hbm>>
      %dma_start3A_620 = tpu.memref_slice %arg3[%mul3A_2] : memref<16384xi32, #tpu.memory_space<hbm>> -> memref<512xi32, #tpu.memory_space<hbm>>
      tpu.enqueue_dma source(%dma_start3A_620 : memref<512xi32, #tpu.memory_space<hbm>>) target(%arg5 : memref<512xi32, #tpu.memory_space<vmem>>) target_semaphore(%run_scoped3A : memref<!tpu.dma_semaphore, #tpu.memory_space<semaphore_mem>>)
      %dma_wait3A_621 = tpu.memref_slice %arg3[%mul3A_2] : memref<16384xi32, #tpu.memory_space<hbm>> -> memref<512xi32, #tpu.memory_space<hbm>>
      %dma_wait3A_622 = tpu.memref_slice %arg3[%mul3A_2] : memref<16384xi32, #tpu.memory_space<hbm>> -> memref<512xi32, #tpu.memory_space<hbm>>
      tpu.wait_dma2 semaphore(%run_scoped3A : memref<!tpu.dma_semaphore, #tpu.memory_space<semaphore_mem>>) src(%dma_wait3A_622 : memref<512xi32, #tpu.memory_space<hbm>>) dst(%arg5 : memref<512xi32, #tpu.memory_space<vmem>>)
      tpu.yield
    }) : () -> ()
    %get3A = arith.constant 0 : index
    %get3A_3 = tpu.vector_load %arg5[%get3A] {strides = array<i32>} : memref<512xi32, #tpu.memory_space<vmem>>, vector<16xi32>,
    %get3A_4 = vector.shape_cast %get3A_3 : vector<16xi32> to vector<16xi32>
    %shift_right_arithmetic3A = arith.constant 15 : i32
    %shift_right_arithmetic3A_5 = vector.broadcast %shift_right_arithmetic3A : i32 to vector<16xi32>
    %shift_right_arithmetic3A_6 = arith.shrsi %get3A_4, %shift_right_arithmetic3A_5 : vector<16xi32>
    %shift_left3A = arith.constant 13 : i32
    %shift_left3A_7 = vector.broadcast %shift_left3A : i32 to vector<16xi32>
    %shift_left3A_8 = arith.shli %shift_right_arithmetic3A_6, %shift_left3A_7 : vector<16xi32>
    %and3A = arith.constant 8191 : i32
    %and3A_9 = vector.broadcast %and3A : i32 to vector<16xi32>
    %and3A_10 = arith.andi %get3A_4, %and3A_9 : vector<16xi32>
    %or3A = arith.ori %shift_left3A_8, %and3A_10 : vector<16xi32>
    %swap3A = arith.constant 0 : index
    %swap3A_11 = tpu.vector_load %arg5[%swap3A] {strides = array<i32>} : memref<512xi32, #tpu.memory_space<vmem>>, vector<16xi32>,
    %swap3A_12 = vector.shape_cast %swap3A_11 : vector<16xi32> to vector<16xi32>
    %swap3A_13 = vector.shape_cast %or3A : vector<16xi32> to vector<16xi32>
    tpu.vector_store %arg5[%swap3A], %swap3A_13 {strides = array<i32>} : memref<512xi32, #tpu.memory_space<vmem>>, vector<16xi32>,
    %get3A_14 = arith.constant 16 : index
    %get3A_15 = tpu.vector_load %arg5[%get3A_14] {strides = array<i32>} : memref<512xi32, #tpu.memory_space<vmem>>, vector<16xi32>,
    %get3A_16 = vector.shape_cast %get3A_15 : vector<16xi32> to vector<16xi32>
    %shift_right_arithmetic3A_17 = arith.constant 15 : i32
    %shift_right_arithmetic3A_18 = vector.broadcast %shift_right_arithmetic3A_17 : i32 to vector<16xi32>
    %shift_right_arithmetic3A_19 = arith.shrsi %get3A_16, %shift_right_arithmetic3A_18 : vector<16xi32>
    %shift_left3A_20 = arith.constant 13 : i32
    %shift_left3A_21 = vector.broadcast %shift_left3A_20 : i32 to vector<16xi32>
    %shift_left3A_22 = arith.shli %shift_right_arithmetic3A_19, %shift_left3A_21 : vector<16xi32>
    %and3A_23 = arith.constant 8191 : i32
    %and3A_24 = vector.broadcast %and3A_23 : i32 to vector<16xi32>
    %and3A_25 = arith.andi %get3A_16, %and3A_24 : vector<16xi32>
    %or3A_26 = arith.ori %shift_left3A_22, %and3A_25 : vector<16xi32>
    %swap3A_27 = arith.constant 16 : index
    %swap3A_28 = tpu.vector_load %arg5[%swap3A_27] {strides = array<i32>} : memref<512xi32, #tpu.memory_space<vmem>>, vector<16xi32>,
    %swap3A_29 = vector.shape_cast %swap3A_28 : vector<16xi32> to vector<16xi32>
    %swap3A_30 = vector.shape_cast %or3A_26 : vector<16xi32> to vector<16xi32>
    tpu.vector_store %arg5[%swap3A_27], %swap3A_30 {strides = array<i32>} : memref<512xi32, #tpu.memory_space<vmem>>, vector<16xi32>,
    %get3A_31 = arith.constant 32 : index
    %get3A_32 = tpu.vector_load %arg5[%get3A_31] {strides = array<i32>} : memref<512xi32, #tpu.memory_space<vmem>>, vector<16xi32>,
    %get3A_33 = vector.shape_cast %get3A_32 : vector<16xi32> to vector<16xi32>
    %shift_right_arithmetic3A_34 = arith.constant 15 : i32
    %shift_right_arithmetic3A_35 = vector.broadcast %shift_right_arithmetic3A_34 : i32 to vector<16xi32>
    %shift_right_arithmetic3A_36 = arith.shrsi %get3A_33, %shift_right_arithmetic3A_35 : vector<16xi32>
    %shift_left3A_37 = arith.constant 13 : i32
    %shift_left3A_38 = vector.broadcast %shift_left3A_37 : i32 to vector<16xi32>
    %shift_left3A_39 = arith.shli %shift_right_arithmetic3A_36, %shift_left3A_38 : vector<16xi32>
    %and3A_40 = arith.constant 8191 : i32
    %and3A_41 = vector.broadcast %and3A_40 : i32 to vector<16xi32>
    %and3A_42 = arith.andi %get3A_33, %and3A_41 : vector<16xi32>
    %or3A_43 = arith.ori %shift_left3A_39, %and3A_42 : vector<16xi32>
    %swap3A_44 = arith.constant 32 : index
    %swap3A_45 = tpu.vector_load %arg5[%swap3A_44] {strides = array<i32>} : memref<512xi32, #tpu.memory_space<vmem>>, vector<16xi32>,
    %swap3A_46 = vector.shape_cast %swap3A_45 : vector<16xi32> to vector<16xi32>
    %swap3A_47 = vector.shape_cast %or3A_43 : vector<16xi32> to vector<16xi32>
    tpu.vector_store %arg5[%swap3A_44], %swap3A_47 {strides = array<i32>} : memref<512xi32, #tpu.memory_space<vmem>>, vector<16xi32>,
    %get3A_48 = arith.constant 48 : index
    %get3A_49 = tpu.vector_load %arg5[%get3A_48] {strides = array<i32>} : memref<512xi32, #tpu.memory_space<vmem>>, vector<16xi32>,
    %get3A_50 = vector.shape_cast %get3A_49 : vector<16xi32> to vector<16xi32>
    %shift_right_arithmetic3A_51 = arith.constant 15 : i32
    %shift_right_arithmetic3A_52 = vector.broadcast %shift_right_arithmetic3A_51 : i32 to vector<16xi32>
    %shift_right_arithmetic3A_53 = arith.shrsi %get3A_50, %shift_right_arithmetic3A_52 : vector<16xi32>
    %shift_left3A_54 = arith.constant 13 : i32
    %shift_left3A_55 = vector.broadcast %shift_left3A_54 : i32 to vector<16xi32>
    %shift_left3A_56 = arith.shli %shift_right_arithmetic3A_53, %shift_left3A_55 : vector<16xi32>
    %and3A_57 = arith.constant 8191 : i32
    %and3A_58 = vector.broadcast %and3A_57 : i32 to vector<16xi32>
    %and3A_59 = arith.andi %get3A_50, %and3A_58 : vector<16xi32>
    %or3A_60 = arith.ori %shift_left3A_56, %and3A_59 : vector<16xi32>
    %swap3A_61 = arith.constant 48 : index
    %swap3A_62 = tpu.vector_load %arg5[%swap3A_61] {strides = array<i32>} : memref<512xi32, #tpu.memory_space<vmem>>, vector<16xi32>,
    %swap3A_63 = vector.shape_cast %swap3A_62 : vector<16xi32> to vector<16xi32>
    %swap3A_64 = vector.shape_cast %or3A_60 : vector<16xi32> to vector<16xi32>
    tpu.vector_store %arg5[%swap3A_61], %swap3A_64 {strides = array<i32>} : memref<512xi32, #tpu.memory_space<vmem>>, vector<16xi32>,
    %get3A_65 = arith.constant 64 : index
    %get3A_66 = tpu.vector_load %arg5[%get3A_65] {strides = array<i32>} : memref<512xi32, #tpu.memory_space<vmem>>, vector<16xi32>,
    %get3A_67 = vector.shape_cast %get3A_66 : vector<16xi32> to vector<16xi32>
    %shift_right_arithmetic3A_68 = arith.constant 15 : i32
    %shift_right_arithmetic3A_69 = vector.broadcast %shift_right_arithmetic3A_68 : i32 to vector<16xi32>
    %shift_right_arithmetic3A_70 = arith.shrsi %get3A_67, %shift_right_arithmetic3A_69 : vector<16xi32>
    %shift_left3A_71 = arith.constant 13 : i32
    %shift_left3A_72 = vector.broadcast %shift_left3A_71 : i32 to vector<16xi32>
    %shift_left3A_73 = arith.shli %shift_right_arithmetic3A_70, %shift_left3A_72 : vector<16xi32>
    %and3A_74 = arith.constant 8191 : i32
    %and3A_75 = vector.broadcast %and3A_74 : i32 to vector<16xi32>
    %and3A_76 = arith.andi %get3A_67, %and3A_75 : vector<16xi32>
    %or3A_77 = arith.ori %shift_left3A_73, %and3A_76 : vector<16xi32>
    %swap3A_78 = arith.constant 64 : index
    %swap3A_79 = tpu.vector_load %arg5[%swap3A_78] {strides = array<i32>} : memref<512xi32, #tpu.memory_space<vmem>>, vector<16xi32>,
    %swap3A_80 = vector.shape_cast %swap3A_79 : vector<16xi32> to vector<16xi32>
    %swap3A_81 = vector.shape_cast %or3A_77 : vector<16xi32> to vector<16xi32>
    tpu.vector_store %arg5[%swap3A_78], %swap3A_81 {strides = array<i32>} : memref<512xi32, #tpu.memory_space<vmem>>, vector<16xi32>,
    %get3A_82 = arith.constant 80 : index
    %get3A_83 = tpu.vector_load %arg5[%get3A_82] {strides = array<i32>} : memref<512xi32, #tpu.memory_space<vmem>>, vector<16xi32>,
    %get3A_84 = vector.shape_cast %get3A_83 : vector<16xi32> to vector<16xi32>
    %shift_right_arithmetic3A_85 = arith.constant 15 : i32
    %shift_right_arithmetic3A_86 = vector.broadcast %shift_right_arithmetic3A_85 : i32 to vector<16xi32>
    %shift_right_arithmetic3A_87 = arith.shrsi %get3A_84, %shift_right_arithmetic3A_86 : vector<16xi32>
    %shift_left3A_88 = arith.constant 13 : i32
    %shift_left3A_89 = vector.broadcast %shift_left3A_88 : i32 to vector<16xi32>
    %shift_left3A_90 = arith.shli %shift_right_arithmetic3A_87, %shift_left3A_89 : vector<16xi32>
    %and3A_91 = arith.constant 8191 : i32
    %and3A_92 = vector.broadcast %and3A_91 : i32 to vector<16xi32>
    %and3A_93 = arith.andi %get3A_84, %and3A_92 : vector<16xi32>
    %or3A_94 = arith.ori %shift_left3A_90, %and3A_93 : vector<16xi32>
    %swap3A_95 = arith.constant 80 : index
    %swap3A_96 = tpu.vector_load %arg5[%swap3A_95] {strides = array<i32>} : memref<512xi32, #tpu.memory_space<vmem>>, vector<16xi32>,
    %swap3A_97 = vector.shape_cast %swap3A_96 : vector<16xi32> to vector<16xi32>
    %swap3A_98 = vector.shape_cast %or3A_94 : vector<16xi32> to vector<16xi32>
    tpu.vector_store %arg5[%swap3A_95], %swap3A_98 {strides = array<i32>} : memref<512xi32, #tpu.memory_space<vmem>>, vector<16xi32>,
    %get3A_99 = arith.constant 96 : index
    %get3A_100 = tpu.vector_load %arg5[%get3A_99] {strides = array<i32>} : memref<512xi32, #tpu.memory_space<vmem>>, vector<16xi32>,
    %get3A_101 = vector.shape_cast %get3A_100 : vector<16xi32> to vector<16xi32>
    %shift_right_arithmetic3A_102 = arith.constant 15 : i32
    %shift_right_arithmetic3A_103 = vector.broadcast %shift_right_arithmetic3A_102 : i32 to vector<16xi32>
    %shift_right_arithmetic3A_104 = arith.shrsi %get3A_101, %shift_right_arithmetic3A_103 : vector<16xi32>
    %shift_left3A_105 = arith.constant 13 : i32
    %shift_left3A_106 = vector.broadcast %shift_left3A_105 : i32 to vector<16xi32>
    %shift_left3A_107 = arith.shli %shift_right_arithmetic3A_104, %shift_left3A_106 : vector<16xi32>
    %and3A_108 = arith.constant 8191 : i32
    %and3A_109 = vector.broadcast %and3A_108 : i32 to vector<16xi32>
    %and3A_110 = arith.andi %get3A_101, %and3A_109 : vector<16xi32>
    %or3A_111 = arith.ori %shift_left3A_107, %and3A_110 : vector<16xi32>
    %swap3A_112 = arith.constant 96 : index
    %swap3A_113 = tpu.vector_load %arg5[%swap3A_112] {strides = array<i32>} : memref<512xi32, #tpu.memory_space<vmem>>, vector<16xi32>,
    %swap3A_114 = vector.shape_cast %swap3A_113 : vector<16xi32> to vector<16xi32>
    %swap3A_115 = vector.shape_cast %or3A_111 : vector<16xi32> to vector<16xi32>
    tpu.vector_store %arg5[%swap3A_112], %swap3A_115 {strides = array<i32>} : memref<512xi32, #tpu.memory_space<vmem>>, vector<16xi32>,
    %get3A_116 = arith.constant 112 : index
    %get3A_117 = tpu.vector_load %arg5[%get3A_116] {strides = array<i32>} : memref<512xi32, #tpu.memory_space<vmem>>, vector<16xi32>,
    %get3A_118 = vector.shape_cast %get3A_117 : vector<16xi32> to vector<16xi32>
    %shift_right_arithmetic3A_119 = arith.constant 15 : i32
    %shift_right_arithmetic3A_120 = vector.broadcast %shift_right_arithmetic3A_119 : i32 to vector<16xi32>
    %shift_right_arithmetic3A_121 = arith.shrsi %get3A_118, %shift_right_arithmetic3A_120 : vector<16xi32>
    %shift_left3A_122 = arith.constant 13 : i32
    %shift_left3A_123 = vector.broadcast %shift_left3A_122 : i32 to vector<16xi32>
    %shift_left3A_124 = arith.shli %shift_right_arithmetic3A_121, %shift_left3A_123 : vector<16xi32>
    %and3A_125 = arith.constant 8191 : i32
    %and3A_126 = vector.broadcast %and3A_125 : i32 to vector<16xi32>
    %and3A_127 = arith.andi %get3A_118, %and3A_126 : vector<16xi32>
    %or3A_128 = arith.ori %shift_left3A_124, %and3A_127 : vector<16xi32>
    %swap3A_129 = arith.constant 112 : index
    %swap3A_130 = tpu.vector_load %arg5[%swap3A_129] {strides = array<i32>} : memref<512xi32, #tpu.memory_space<vmem>>, vector<16xi32>,
    %swap3A_131 = vector.shape_cast %swap3A_130 : vector<16xi32> to vector<16xi32>
    %swap3A_132 = vector.shape_cast %or3A_128 : vector<16xi32> to vector<16xi32>
    tpu.vector_store %arg5[%swap3A_129], %swap3A_132 {strides = array<i32>} : memref<512xi32, #tpu.memory_space<vmem>>, vector<16xi32>,
    %get3A_133 = arith.constant 128 : index
    %get3A_134 = tpu.vector_load %arg5[%get3A_133] {strides = array<i32>} : memref<512xi32, #tpu.memory_space<vmem>>, vector<16xi32>,
    %get3A_135 = vector.shape_cast %get3A_134 : vector<16xi32> to vector<16xi32>
    %shift_right_arithmetic3A_136 = arith.constant 15 : i32
    %shift_right_arithmetic3A_137 = vector.broadcast %shift_right_arithmetic3A_136 : i32 to vector<16xi32>
    %shift_right_arithmetic3A_138 = arith.shrsi %get3A_135, %shift_right_arithmetic3A_137 : vector<16xi32>
    %shift_left3A_139 = arith.constant 13 : i32
    %shift_left3A_140 = vector.broadcast %shift_left3A_139 : i32 to vector<16xi32>
    %shift_left3A_141 = arith.shli %shift_right_arithmetic3A_138, %shift_left3A_140 : vector<16xi32>
    %and3A_142 = arith.constant 8191 : i32
    %and3A_143 = vector.broadcast %and3A_142 : i32 to vector<16xi32>
    %and3A_144 = arith.andi %get3A_135, %and3A_143 : vector<16xi32>
    %or3A_145 = arith.ori %shift_left3A_141, %and3A_144 : vector<16xi32>
    %swap3A_146 = arith.constant 128 : index
    %swap3A_147 = tpu.vector_load %arg5[%swap3A_146] {strides = array<i32>} : memref<512xi32, #tpu.memory_space<vmem>>, vector<16xi32>,
    %swap3A_148 = vector.shape_cast %swap3A_147 : vector<16xi32> to vector<16xi32>
    %swap3A_149 = vector.shape_cast %or3A_145 : vector<16xi32> to vector<16xi32>
    tpu.vector_store %arg5[%swap3A_146], %swap3A_149 {strides = array<i32>} : memref<512xi32, #tpu.memory_space<vmem>>, vector<16xi32>,
    %get3A_150 = arith.constant 144 : index
    %get3A_151 = tpu.vector_load %arg5[%get3A_150] {strides = array<i32>} : memref<512xi32, #tpu.memory_space<vmem>>, vector<16xi32>,
    %get3A_152 = vector.shape_cast %get3A_151 : vector<16xi32> to vector<16xi32>
    %shift_right_arithmetic3A_153 = arith.constant 15 : i32
    %shift_right_arithmetic3A_154 = vector.broadcast %shift_right_arithmetic3A_153 : i32 to vector<16xi32>
    %shift_right_arithmetic3A_155 = arith.shrsi %get3A_152, %shift_right_arithmetic3A_154 : vector<16xi32>
    %shift_left3A_156 = arith.constant 13 : i32
    %shift_left3A_157 = vector.broadcast %shift_left3A_156 : i32 to vector<16xi32>
    %shift_left3A_158 = arith.shli %shift_right_arithmetic3A_155, %shift_left3A_157 : vector<16xi32>
    %and3A_159 = arith.constant 8191 : i32
    %and3A_160 = vector.broadcast %and3A_159 : i32 to vector<16xi32>
    %and3A_161 = arith.andi %get3A_152, %and3A_160 : vector<16xi32>
    %or3A_162 = arith.ori %shift_left3A_158, %and3A_161 : vector<16xi32>
    %swap3A_163 = arith.constant 144 : index
    %swap3A_164 = tpu.vector_load %arg5[%swap3A_163] {strides = array<i32>} : memref<512xi32, #tpu.memory_space<vmem>>, vector<16xi32>,
    %swap3A_165 = vector.shape_cast %swap3A_164 : vector<16xi32> to vector<16xi32>
    %swap3A_166 = vector.shape_cast %or3A_162 : vector<16xi32> to vector<16xi32>
    tpu.vector_store %arg5[%swap3A_163], %swap3A_166 {strides = array<i32>} : memref<512xi32, #tpu.memory_space<vmem>>, vector<16xi32>,
    %get3A_167 = arith.constant 160 : index
    %get3A_168 = tpu.vector_load %arg5[%get3A_167] {strides = array<i32>} : memref<512xi32, #tpu.memory_space<vmem>>, vector<16xi32>,
    %get3A_169 = vector.shape_cast %get3A_168 : vector<16xi32> to vector<16xi32>
    %shift_right_arithmetic3A_170 = arith.constant 15 : i32
    %shift_right_arithmetic3A_171 = vector.broadcast %shift_right_arithmetic3A_170 : i32 to vector<16xi32>
    %shift_right_arithmetic3A_172 = arith.shrsi %get3A_169, %shift_right_arithmetic3A_171 : vector<16xi32>
    %shift_left3A_173 = arith.constant 13 : i32
    %shift_left3A_174 = vector.broadcast %shift_left3A_173 : i32 to vector<16xi32>
    %shift_left3A_175 = arith.shli %shift_right_arithmetic3A_172, %shift_left3A_174 : vector<16xi32>
    %and3A_176 = arith.constant 8191 : i32
    %and3A_177 = vector.broadcast %and3A_176 : i32 to vector<16xi32>
    %and3A_178 = arith.andi %get3A_169, %and3A_177 : vector<16xi32>
    %or3A_179 = arith.ori %shift_left3A_175, %and3A_178 : vector<16xi32>
    %swap3A_180 = arith.constant 160 : index
    %swap3A_181 = tpu.vector_load %arg5[%swap3A_180] {strides = array<i32>} : memref<512xi32, #tpu.memory_space<vmem>>, vector<16xi32>,
    %swap3A_182 = vector.shape_cast %swap3A_181 : vector<16xi32> to vector<16xi32>
    %swap3A_183 = vector.shape_cast %or3A_179 : vector<16xi32> to vector<16xi32>
    tpu.vector_store %arg5[%swap3A_180], %swap3A_183 {strides = array<i32>} : memref<512xi32, #tpu.memory_space<vmem>>, vector<16xi32>,
    %get3A_184 = arith.constant 176 : index
    %get3A_185 = tpu.vector_load %arg5[%get3A_184] {strides = array<i32>} : memref<512xi32, #tpu.memory_space<vmem>>, vector<16xi32>,
    %get3A_186 = vector.shape_cast %get3A_185 : vector<16xi32> to vector<16xi32>
    %shift_right_arithmetic3A_187 = arith.constant 15 : i32
    %shift_right_arithmetic3A_188 = vector.broadcast %shift_right_arithmetic3A_187 : i32 to vector<16xi32>
    %shift_right_arithmetic3A_189 = arith.shrsi %get3A_186, %shift_right_arithmetic3A_188 : vector<16xi32>
    %shift_left3A_190 = arith.constant 13 : i32
    %shift_left3A_191 = vector.broadcast %shift_left3A_190 : i32 to vector<16xi32>
    %shift_left3A_192 = arith.shli %shift_right_arithmetic3A_189, %shift_left3A_191 : vector<16xi32>
    %and3A_193 = arith.constant 8191 : i32
    %and3A_194 = vector.broadcast %and3A_193 : i32 to vector<16xi32>
    %and3A_195 = arith.andi %get3A_186, %and3A_194 : vector<16xi32>
    %or3A_196 = arith.ori %shift_left3A_192, %and3A_195 : vector<16xi32>
    %swap3A_197 = arith.constant 176 : index
    %swap3A_198 = tpu.vector_load %arg5[%swap3A_197] {strides = array<i32>} : memref<512xi32, #tpu.memory_space<vmem>>, vector<16xi32>,
    %swap3A_199 = vector.shape_cast %swap3A_198 : vector<16xi32> to vector<16xi32>
    %swap3A_200 = vector.shape_cast %or3A_196 : vector<16xi32> to vector<16xi32>
    tpu.vector_store %arg5[%swap3A_197], %swap3A_200 {strides = array<i32>} : memref<512xi32, #tpu.memory_space<vmem>>, vector<16xi32>,
    %get3A_201 = arith.constant 192 : index
    %get3A_202 = tpu.vector_load %arg5[%get3A_201] {strides = array<i32>} : memref<512xi32, #tpu.memory_space<vmem>>, vector<16xi32>,
    %get3A_203 = vector.shape_cast %get3A_202 : vector<16xi32> to vector<16xi32>
    %shift_right_arithmetic3A_204 = arith.constant 15 : i32
    %shift_right_arithmetic3A_205 = vector.broadcast %shift_right_arithmetic3A_204 : i32 to vector<16xi32>
    %shift_right_arithmetic3A_206 = arith.shrsi %get3A_203, %shift_right_arithmetic3A_205 : vector<16xi32>
    %shift_left3A_207 = arith.constant 13 : i32
    %shift_left3A_208 = vector.broadcast %shift_left3A_207 : i32 to vector<16xi32>
    %shift_left3A_209 = arith.shli %shift_right_arithmetic3A_206, %shift_left3A_208 : vector<16xi32>
    %and3A_210 = arith.constant 8191 : i32
    %and3A_211 = vector.broadcast %and3A_210 : i32 to vector<16xi32>
    %and3A_212 = arith.andi %get3A_203, %and3A_211 : vector<16xi32>
    %or3A_213 = arith.ori %shift_left3A_209, %and3A_212 : vector<16xi32>
    %swap3A_214 = arith.constant 192 : index
    %swap3A_215 = tpu.vector_load %arg5[%swap3A_214] {strides = array<i32>} : memref<512xi32, #tpu.memory_space<vmem>>, vector<16xi32>,
    %swap3A_216 = vector.shape_cast %swap3A_215 : vector<16xi32> to vector<16xi32>
    %swap3A_217 = vector.shape_cast %or3A_213 : vector<16xi32> to vector<16xi32>
    tpu.vector_store %arg5[%swap3A_214], %swap3A_217 {strides = array<i32>} : memref<512xi32, #tpu.memory_space<vmem>>, vector<16xi32>,
    %get3A_218 = arith.constant 208 : index
    %get3A_219 = tpu.vector_load %arg5[%get3A_218] {strides = array<i32>} : memref<512xi32, #tpu.memory_space<vmem>>, vector<16xi32>,
    %get3A_220 = vector.shape_cast %get3A_219 : vector<16xi32> to vector<16xi32>
    %shift_right_arithmetic3A_221 = arith.constant 15 : i32
    %shift_right_arithmetic3A_222 = vector.broadcast %shift_right_arithmetic3A_221 : i32 to vector<16xi32>
    %shift_right_arithmetic3A_223 = arith.shrsi %get3A_220, %shift_right_arithmetic3A_222 : vector<16xi32>
    %shift_left3A_224 = arith.constant 13 : i32
    %shift_left3A_225 = vector.broadcast %shift_left3A_224 : i32 to vector<16xi32>
    %shift_left3A_226 = arith.shli %shift_right_arithmetic3A_223, %shift_left3A_225 : vector<16xi32>
    %and3A_227 = arith.constant 8191 : i32
    %and3A_228 = vector.broadcast %and3A_227 : i32 to vector<16xi32>
    %and3A_229 = arith.andi %get3A_220, %and3A_228 : vector<16xi32>
    %or3A_230 = arith.ori %shift_left3A_226, %and3A_229 : vector<16xi32>
    %swap3A_231 = arith.constant 208 : index
    %swap3A_232 = tpu.vector_load %arg5[%swap3A_231] {strides = array<i32>} : memref<512xi32, #tpu.memory_space<vmem>>, vector<16xi32>,
    %swap3A_233 = vector.shape_cast %swap3A_232 : vector<16xi32> to vector<16xi32>
    %swap3A_234 = vector.shape_cast %or3A_230 : vector<16xi32> to vector<16xi32>
    tpu.vector_store %arg5[%swap3A_231], %swap3A_234 {strides = array<i32>} : memref<512xi32, #tpu.memory_space<vmem>>, vector<16xi32>,
    %get3A_235 = arith.constant 224 : index
    %get3A_236 = tpu.vector_load %arg5[%get3A_235] {strides = array<i32>} : memref<512xi32, #tpu.memory_space<vmem>>, vector<16xi32>,
    %get3A_237 = vector.shape_cast %get3A_236 : vector<16xi32> to vector<16xi32>
    %shift_right_arithmetic3A_238 = arith.constant 15 : i32
    %shift_right_arithmetic3A_239 = vector.broadcast %shift_right_arithmetic3A_238 : i32 to vector<16xi32>
    %shift_right_arithmetic3A_240 = arith.shrsi %get3A_237, %shift_right_arithmetic3A_239 : vector<16xi32>
    %shift_left3A_241 = arith.constant 13 : i32
    %shift_left3A_242 = vector.broadcast %shift_left3A_241 : i32 to vector<16xi32>
    %shift_left3A_243 = arith.shli %shift_right_arithmetic3A_240, %shift_left3A_242 : vector<16xi32>
    %and3A_244 = arith.constant 8191 : i32
    %and3A_245 = vector.broadcast %and3A_244 : i32 to vector<16xi32>
    %and3A_246 = arith.andi %get3A_237, %and3A_245 : vector<16xi32>
    %or3A_247 = arith.ori %shift_left3A_243, %and3A_246 : vector<16xi32>
    %swap3A_248 = arith.constant 224 : index
    %swap3A_249 = tpu.vector_load %arg5[%swap3A_248] {strides = array<i32>} : memref<512xi32, #tpu.memory_space<vmem>>, vector<16xi32>,
    %swap3A_250 = vector.shape_cast %swap3A_249 : vector<16xi32> to vector<16xi32>
    %swap3A_251 = vector.shape_cast %or3A_247 : vector<16xi32> to vector<16xi32>
    tpu.vector_store %arg5[%swap3A_248], %swap3A_251 {strides = array<i32>} : memref<512xi32, #tpu.memory_space<vmem>>, vector<16xi32>,
    %get3A_252 = arith.constant 240 : index
    %get3A_253 = tpu.vector_load %arg5[%get3A_252] {strides = array<i32>} : memref<512xi32, #tpu.memory_space<vmem>>, vector<16xi32>,
    %get3A_254 = vector.shape_cast %get3A_253 : vector<16xi32> to vector<16xi32>
    %shift_right_arithmetic3A_255 = arith.constant 15 : i32
    %shift_right_arithmetic3A_256 = vector.broadcast %shift_right_arithmetic3A_255 : i32 to vector<16xi32>
    %shift_right_arithmetic3A_257 = arith.shrsi %get3A_254, %shift_right_arithmetic3A_256 : vector<16xi32>
    %shift_left3A_258 = arith.constant 13 : i32
    %shift_left3A_259 = vector.broadcast %shift_left3A_258 : i32 to vector<16xi32>
    %shift_left3A_260 = arith.shli %shift_right_arithmetic3A_257, %shift_left3A_259 : vector<16xi32>
    %and3A_261 = arith.constant 8191 : i32
    %and3A_262 = vector.broadcast %and3A_261 : i32 to vector<16xi32>
    %and3A_263 = arith.andi %get3A_254, %and3A_262 : vector<16xi32>
    %or3A_264 = arith.ori %shift_left3A_260, %and3A_263 : vector<16xi32>
    %swap3A_265 = arith.constant 240 : index
    %swap3A_266 = tpu.vector_load %arg5[%swap3A_265] {strides = array<i32>} : memref<512xi32, #tpu.memory_space<vmem>>, vector<16xi32>,
    %swap3A_267 = vector.shape_cast %swap3A_266 : vector<16xi32> to vector<16xi32>
    %swap3A_268 = vector.shape_cast %or3A_264 : vector<16xi32> to vector<16xi32>
    tpu.vector_store %arg5[%swap3A_265], %swap3A_268 {strides = array<i32>} : memref<512xi32, #tpu.memory_space<vmem>>, vector<16xi32>,
    %get3A_269 = arith.constant 256 : index
    %get3A_270 = tpu.vector_load %arg5[%get3A_269] {strides = array<i32>} : memref<512xi32, #tpu.memory_space<vmem>>, vector<16xi32>,
    %get3A_271 = vector.shape_cast %get3A_270 : vector<16xi32> to vector<16xi32>
    %shift_right_arithmetic3A_272 = arith.constant 15 : i32
    %shift_right_arithmetic3A_273 = vector.broadcast %shift_right_arithmetic3A_272 : i32 to vector<16xi32>
    %shift_right_arithmetic3A_274 = arith.shrsi %get3A_271, %shift_right_arithmetic3A_273 : vector<16xi32>
    %shift_left3A_275 = arith.constant 13 : i32
    %shift_left3A_276 = vector.broadcast %shift_left3A_275 : i32 to vector<16xi32>
    %shift_left3A_277 = arith.shli %shift_right_arithmetic3A_274, %shift_left3A_276 : vector<16xi32>
    %and3A_278 = arith.constant 8191 : i32
    %and3A_279 = vector.broadcast %and3A_278 : i32 to vector<16xi32>
    %and3A_280 = arith.andi %get3A_271, %and3A_279 : vector<16xi32>
    %or3A_281 = arith.ori %shift_left3A_277, %and3A_280 : vector<16xi32>
    %swap3A_282 = arith.constant 256 : index
    %swap3A_283 = tpu.vector_load %arg5[%swap3A_282] {strides = array<i32>} : memref<512xi32, #tpu.memory_space<vmem>>, vector<16xi32>,
    %swap3A_284 = vector.shape_cast %swap3A_283 : vector<16xi32> to vector<16xi32>
    %swap3A_285 = vector.shape_cast %or3A_281 : vector<16xi32> to vector<16xi32>
    tpu.vector_store %arg5[%swap3A_282], %swap3A_285 {strides = array<i32>} : memref<512xi32, #tpu.memory_space<vmem>>, vector<16xi32>,
    %get3A_286 = arith.constant 272 : index
    %get3A_287 = tpu.vector_load %arg5[%get3A_286] {strides = array<i32>} : memref<512xi32, #tpu.memory_space<vmem>>, vector<16xi32>,
    %get3A_288 = vector.shape_cast %get3A_287 : vector<16xi32> to vector<16xi32>
    %shift_right_arithmetic3A_289 = arith.constant 15 : i32
    %shift_right_arithmetic3A_290 = vector.broadcast %shift_right_arithmetic3A_289 : i32 to vector<16xi32>
    %shift_right_arithmetic3A_291 = arith.shrsi %get3A_288, %shift_right_arithmetic3A_290 : vector<16xi32>
    %shift_left3A_292 = arith.constant 13 : i32
    %shift_left3A_293 = vector.broadcast %shift_left3A_292 : i32 to vector<16xi32>
    %shift_left3A_294 = arith.shli %shift_right_arithmetic3A_291, %shift_left3A_293 : vector<16xi32>
    %and3A_295 = arith.constant 8191 : i32
    %and3A_296 = vector.broadcast %and3A_295 : i32 to vector<16xi32>
    %and3A_297 = arith.andi %get3A_288, %and3A_296 : vector<16xi32>
    %or3A_298 = arith.ori %shift_left3A_294, %and3A_297 : vector<16xi32>
    %swap3A_299 = arith.constant 272 : index
    %swap3A_300 = tpu.vector_load %arg5[%swap3A_299] {strides = array<i32>} : memref<512xi32, #tpu.memory_space<vmem>>, vector<16xi32>,
    %swap3A_301 = vector.shape_cast %swap3A_300 : vector<16xi32> to vector<16xi32>
    %swap3A_302 = vector.shape_cast %or3A_298 : vector<16xi32> to vector<16xi32>
    tpu.vector_store %arg5[%swap3A_299], %swap3A_302 {strides = array<i32>} : memref<512xi32, #tpu.memory_space<vmem>>, vector<16xi32>,
    %get3A_303 = arith.constant 288 : index
    %get3A_304 = tpu.vector_load %arg5[%get3A_303] {strides = array<i32>} : memref<512xi32, #tpu.memory_space<vmem>>, vector<16xi32>,
    %get3A_305 = vector.shape_cast %get3A_304 : vector<16xi32> to vector<16xi32>
    %shift_right_arithmetic3A_306 = arith.constant 15 : i32
    %shift_right_arithmetic3A_307 = vector.broadcast %shift_right_arithmetic3A_306 : i32 to vector<16xi32>
    %shift_right_arithmetic3A_308 = arith.shrsi %get3A_305, %shift_right_arithmetic3A_307 : vector<16xi32>
    %shift_left3A_309 = arith.constant 13 : i32
    %shift_left3A_310 = vector.broadcast %shift_left3A_309 : i32 to vector<16xi32>
    %shift_left3A_311 = arith.shli %shift_right_arithmetic3A_308, %shift_left3A_310 : vector<16xi32>
    %and3A_312 = arith.constant 8191 : i32
    %and3A_313 = vector.broadcast %and3A_312 : i32 to vector<16xi32>
    %and3A_314 = arith.andi %get3A_305, %and3A_313 : vector<16xi32>
    %or3A_315 = arith.ori %shift_left3A_311, %and3A_314 : vector<16xi32>
    %swap3A_316 = arith.constant 288 : index
    %swap3A_317 = tpu.vector_load %arg5[%swap3A_316] {strides = array<i32>} : memref<512xi32, #tpu.memory_space<vmem>>, vector<16xi32>,
    %swap3A_318 = vector.shape_cast %swap3A_317 : vector<16xi32> to vector<16xi32>
    %swap3A_319 = vector.shape_cast %or3A_315 : vector<16xi32> to vector<16xi32>
    tpu.vector_store %arg5[%swap3A_316], %swap3A_319 {strides = array<i32>} : memref<512xi32, #tpu.memory_space<vmem>>, vector<16xi32>,
    %get3A_320 = arith.constant 304 : index
    %get3A_321 = tpu.vector_load %arg5[%get3A_320] {strides = array<i32>} : memref<512xi32, #tpu.memory_space<vmem>>, vector<16xi32>,
    %get3A_322 = vector.shape_cast %get3A_321 : vector<16xi32> to vector<16xi32>
    %shift_right_arithmetic3A_323 = arith.constant 15 : i32
    %shift_right_arithmetic3A_324 = vector.broadcast %shift_right_arithmetic3A_323 : i32 to vector<16xi32>
    %shift_right_arithmetic3A_325 = arith.shrsi %get3A_322, %shift_right_arithmetic3A_324 : vector<16xi32>
    %shift_left3A_326 = arith.constant 13 : i32
    %shift_left3A_327 = vector.broadcast %shift_left3A_326 : i32 to vector<16xi32>
    %shift_left3A_328 = arith.shli %shift_right_arithmetic3A_325, %shift_left3A_327 : vector<16xi32>
    %and3A_329 = arith.constant 8191 : i32
    %and3A_330 = vector.broadcast %and3A_329 : i32 to vector<16xi32>
    %and3A_331 = arith.andi %get3A_322, %and3A_330 : vector<16xi32>
    %or3A_332 = arith.ori %shift_left3A_328, %and3A_331 : vector<16xi32>
    %swap3A_333 = arith.constant 304 : index
    %swap3A_334 = tpu.vector_load %arg5[%swap3A_333] {strides = array<i32>} : memref<512xi32, #tpu.memory_space<vmem>>, vector<16xi32>,
    %swap3A_335 = vector.shape_cast %swap3A_334 : vector<16xi32> to vector<16xi32>
    %swap3A_336 = vector.shape_cast %or3A_332 : vector<16xi32> to vector<16xi32>
    tpu.vector_store %arg5[%swap3A_333], %swap3A_336 {strides = array<i32>} : memref<512xi32, #tpu.memory_space<vmem>>, vector<16xi32>,
    %get3A_337 = arith.constant 320 : index
    %get3A_338 = tpu.vector_load %arg5[%get3A_337] {strides = array<i32>} : memref<512xi32, #tpu.memory_space<vmem>>, vector<16xi32>,
    %get3A_339 = vector.shape_cast %get3A_338 : vector<16xi32> to vector<16xi32>
    %shift_right_arithmetic3A_340 = arith.constant 15 : i32
    %shift_right_arithmetic3A_341 = vector.broadcast %shift_right_arithmetic3A_340 : i32 to vector<16xi32>
    %shift_right_arithmetic3A_342 = arith.shrsi %get3A_339, %shift_right_arithmetic3A_341 : vector<16xi32>
    %shift_left3A_343 = arith.constant 13 : i32
    %shift_left3A_344 = vector.broadcast %shift_left3A_343 : i32 to vector<16xi32>
    %shift_left3A_345 = arith.shli %shift_right_arithmetic3A_342, %shift_left3A_344 : vector<16xi32>
    %and3A_346 = arith.constant 8191 : i32
    %and3A_347 = vector.broadcast %and3A_346 : i32 to vector<16xi32>
    %and3A_348 = arith.andi %get3A_339, %and3A_347 : vector<16xi32>
    %or3A_349 = arith.ori %shift_left3A_345, %and3A_348 : vector<16xi32>
    %swap3A_350 = arith.constant 320 : index
    %swap3A_351 = tpu.vector_load %arg5[%swap3A_350] {strides = array<i32>} : memref<512xi32, #tpu.memory_space<vmem>>, vector<16xi32>,
    %swap3A_352 = vector.shape_cast %swap3A_351 : vector<16xi32> to vector<16xi32>
    %swap3A_353 = vector.shape_cast %or3A_349 : vector<16xi32> to vector<16xi32>
    tpu.vector_store %arg5[%swap3A_350], %swap3A_353 {strides = array<i32>} : memref<512xi32, #tpu.memory_space<vmem>>, vector<16xi32>,
    %get3A_354 = arith.constant 336 : index
    %get3A_355 = tpu.vector_load %arg5[%get3A_354] {strides = array<i32>} : memref<512xi32, #tpu.memory_space<vmem>>, vector<16xi32>,
    %get3A_356 = vector.shape_cast %get3A_355 : vector<16xi32> to vector<16xi32>
    %shift_right_arithmetic3A_357 = arith.constant 15 : i32
    %shift_right_arithmetic3A_358 = vector.broadcast %shift_right_arithmetic3A_357 : i32 to vector<16xi32>
    %shift_right_arithmetic3A_359 = arith.shrsi %get3A_356, %shift_right_arithmetic3A_358 : vector<16xi32>
    %shift_left3A_360 = arith.constant 13 : i32
    %shift_left3A_361 = vector.broadcast %shift_left3A_360 : i32 to vector<16xi32>
    %shift_left3A_362 = arith.shli %shift_right_arithmetic3A_359, %shift_left3A_361 : vector<16xi32>
    %and3A_363 = arith.constant 8191 : i32
    %and3A_364 = vector.broadcast %and3A_363 : i32 to vector<16xi32>
    %and3A_365 = arith.andi %get3A_356, %and3A_364 : vector<16xi32>
    %or3A_366 = arith.ori %shift_left3A_362, %and3A_365 : vector<16xi32>
    %swap3A_367 = arith.constant 336 : index
    %swap3A_368 = tpu.vector_load %arg5[%swap3A_367] {strides = array<i32>} : memref<512xi32, #tpu.memory_space<vmem>>, vector<16xi32>,
    %swap3A_369 = vector.shape_cast %swap3A_368 : vector<16xi32> to vector<16xi32>
    %swap3A_370 = vector.shape_cast %or3A_366 : vector<16xi32> to vector<16xi32>
    tpu.vector_store %arg5[%swap3A_367], %swap3A_370 {strides = array<i32>} : memref<512xi32, #tpu.memory_space<vmem>>, vector<16xi32>,
    %get3A_371 = arith.constant 352 : index
    %get3A_372 = tpu.vector_load %arg5[%get3A_371] {strides = array<i32>} : memref<512xi32, #tpu.memory_space<vmem>>, vector<16xi32>,
    %get3A_373 = vector.shape_cast %get3A_372 : vector<16xi32> to vector<16xi32>
    %shift_right_arithmetic3A_374 = arith.constant 15 : i32
    %shift_right_arithmetic3A_375 = vector.broadcast %shift_right_arithmetic3A_374 : i32 to vector<16xi32>
    %shift_right_arithmetic3A_376 = arith.shrsi %get3A_373, %shift_right_arithmetic3A_375 : vector<16xi32>
    %shift_left3A_377 = arith.constant 13 : i32
    %shift_left3A_378 = vector.broadcast %shift_left3A_377 : i32 to vector<16xi32>
    %shift_left3A_379 = arith.shli %shift_right_arithmetic3A_376, %shift_left3A_378 : vector<16xi32>
    %and3A_380 = arith.constant 8191 : i32
    %and3A_381 = vector.broadcast %and3A_380 : i32 to vector<16xi32>
    %and3A_382 = arith.andi %get3A_373, %and3A_381 : vector<16xi32>
    %or3A_383 = arith.ori %shift_left3A_379, %and3A_382 : vector<16xi32>
    %swap3A_384 = arith.constant 352 : index
    %swap3A_385 = tpu.vector_load %arg5[%swap3A_384] {strides = array<i32>} : memref<512xi32, #tpu.memory_space<vmem>>, vector<16xi32>,
    %swap3A_386 = vector.shape_cast %swap3A_385 : vector<16xi32> to vector<16xi32>
    %swap3A_387 = vector.shape_cast %or3A_383 : vector<16xi32> to vector<16xi32>
    tpu.vector_store %arg5[%swap3A_384], %swap3A_387 {strides = array<i32>} : memref<512xi32, #tpu.memory_space<vmem>>, vector<16xi32>,
    %get3A_388 = arith.constant 368 : index
    %get3A_389 = tpu.vector_load %arg5[%get3A_388] {strides = array<i32>} : memref<512xi32, #tpu.memory_space<vmem>>, vector<16xi32>,
    %get3A_390 = vector.shape_cast %get3A_389 : vector<16xi32> to vector<16xi32>
    %shift_right_arithmetic3A_391 = arith.constant 15 : i32
    %shift_right_arithmetic3A_392 = vector.broadcast %shift_right_arithmetic3A_391 : i32 to vector<16xi32>
    %shift_right_arithmetic3A_393 = arith.shrsi %get3A_390, %shift_right_arithmetic3A_392 : vector<16xi32>
    %shift_left3A_394 = arith.constant 13 : i32
    %shift_left3A_395 = vector.broadcast %shift_left3A_394 : i32 to vector<16xi32>
    %shift_left3A_396 = arith.shli %shift_right_arithmetic3A_393, %shift_left3A_395 : vector<16xi32>
    %and3A_397 = arith.constant 8191 : i32
    %and3A_398 = vector.broadcast %and3A_397 : i32 to vector<16xi32>
    %and3A_399 = arith.andi %get3A_390, %and3A_398 : vector<16xi32>
    %or3A_400 = arith.ori %shift_left3A_396, %and3A_399 : vector<16xi32>
    %swap3A_401 = arith.constant 368 : index
    %swap3A_402 = tpu.vector_load %arg5[%swap3A_401] {strides = array<i32>} : memref<512xi32, #tpu.memory_space<vmem>>, vector<16xi32>,
    %swap3A_403 = vector.shape_cast %swap3A_402 : vector<16xi32> to vector<16xi32>
    %swap3A_404 = vector.shape_cast %or3A_400 : vector<16xi32> to vector<16xi32>
    tpu.vector_store %arg5[%swap3A_401], %swap3A_404 {strides = array<i32>} : memref<512xi32, #tpu.memory_space<vmem>>, vector<16xi32>,
    %get3A_405 = arith.constant 384 : index
    %get3A_406 = tpu.vector_load %arg5[%get3A_405] {strides = array<i32>} : memref<512xi32, #tpu.memory_space<vmem>>, vector<16xi32>,
    %get3A_407 = vector.shape_cast %get3A_406 : vector<16xi32> to vector<16xi32>
    %shift_right_arithmetic3A_408 = arith.constant 15 : i32
    %shift_right_arithmetic3A_409 = vector.broadcast %shift_right_arithmetic3A_408 : i32 to vector<16xi32>
    %shift_right_arithmetic3A_410 = arith.shrsi %get3A_407, %shift_right_arithmetic3A_409 : vector<16xi32>
    %shift_left3A_411 = arith.constant 13 : i32
    %shift_left3A_412 = vector.broadcast %shift_left3A_411 : i32 to vector<16xi32>
    %shift_left3A_413 = arith.shli %shift_right_arithmetic3A_410, %shift_left3A_412 : vector<16xi32>
    %and3A_414 = arith.constant 8191 : i32
    %and3A_415 = vector.broadcast %and3A_414 : i32 to vector<16xi32>
    %and3A_416 = arith.andi %get3A_407, %and3A_415 : vector<16xi32>
    %or3A_417 = arith.ori %shift_left3A_413, %and3A_416 : vector<16xi32>
    %swap3A_418 = arith.constant 384 : index
    %swap3A_419 = tpu.vector_load %arg5[%swap3A_418] {strides = array<i32>} : memref<512xi32, #tpu.memory_space<vmem>>, vector<16xi32>,
    %swap3A_420 = vector.shape_cast %swap3A_419 : vector<16xi32> to vector<16xi32>
    %swap3A_421 = vector.shape_cast %or3A_417 : vector<16xi32> to vector<16xi32>
    tpu.vector_store %arg5[%swap3A_418], %swap3A_421 {strides = array<i32>} : memref<512xi32, #tpu.memory_space<vmem>>, vector<16xi32>,
    %get3A_422 = arith.constant 400 : index
    %get3A_423 = tpu.vector_load %arg5[%get3A_422] {strides = array<i32>} : memref<512xi32, #tpu.memory_space<vmem>>, vector<16xi32>,
    %get3A_424 = vector.shape_cast %get3A_423 : vector<16xi32> to vector<16xi32>
    %shift_right_arithmetic3A_425 = arith.constant 15 : i32
    %shift_right_arithmetic3A_426 = vector.broadcast %shift_right_arithmetic3A_425 : i32 to vector<16xi32>
    %shift_right_arithmetic3A_427 = arith.shrsi %get3A_424, %shift_right_arithmetic3A_426 : vector<16xi32>
    %shift_left3A_428 = arith.constant 13 : i32
    %shift_left3A_429 = vector.broadcast %shift_left3A_428 : i32 to vector<16xi32>
    %shift_left3A_430 = arith.shli %shift_right_arithmetic3A_427, %shift_left3A_429 : vector<16xi32>
    %and3A_431 = arith.constant 8191 : i32
    %and3A_432 = vector.broadcast %and3A_431 : i32 to vector<16xi32>
    %and3A_433 = arith.andi %get3A_424, %and3A_432 : vector<16xi32>
    %or3A_434 = arith.ori %shift_left3A_430, %and3A_433 : vector<16xi32>
    %swap3A_435 = arith.constant 400 : index
    %swap3A_436 = tpu.vector_load %arg5[%swap3A_435] {strides = array<i32>} : memref<512xi32, #tpu.memory_space<vmem>>, vector<16xi32>,
    %swap3A_437 = vector.shape_cast %swap3A_436 : vector<16xi32> to vector<16xi32>
    %swap3A_438 = vector.shape_cast %or3A_434 : vector<16xi32> to vector<16xi32>
    tpu.vector_store %arg5[%swap3A_435], %swap3A_438 {strides = array<i32>} : memref<512xi32, #tpu.memory_space<vmem>>, vector<16xi32>,
    %get3A_439 = arith.constant 416 : index
    %get3A_440 = tpu.vector_load %arg5[%get3A_439] {strides = array<i32>} : memref<512xi32, #tpu.memory_space<vmem>>, vector<16xi32>,
    %get3A_441 = vector.shape_cast %get3A_440 : vector<16xi32> to vector<16xi32>
    %shift_right_arithmetic3A_442 = arith.constant 15 : i32
    %shift_right_arithmetic3A_443 = vector.broadcast %shift_right_arithmetic3A_442 : i32 to vector<16xi32>
    %shift_right_arithmetic3A_444 = arith.shrsi %get3A_441, %shift_right_arithmetic3A_443 : vector<16xi32>
    %shift_left3A_445 = arith.constant 13 : i32
    %shift_left3A_446 = vector.broadcast %shift_left3A_445 : i32 to vector<16xi32>
    %shift_left3A_447 = arith.shli %shift_right_arithmetic3A_444, %shift_left3A_446 : vector<16xi32>
    %and3A_448 = arith.constant 8191 : i32
    %and3A_449 = vector.broadcast %and3A_448 : i32 to vector<16xi32>
    %and3A_450 = arith.andi %get3A_441, %and3A_449 : vector<16xi32>
    %or3A_451 = arith.ori %shift_left3A_447, %and3A_450 : vector<16xi32>
    %swap3A_452 = arith.constant 416 : index
    %swap3A_453 = tpu.vector_load %arg5[%swap3A_452] {strides = array<i32>} : memref<512xi32, #tpu.memory_space<vmem>>, vector<16xi32>,
    %swap3A_454 = vector.shape_cast %swap3A_453 : vector<16xi32> to vector<16xi32>
    %swap3A_455 = vector.shape_cast %or3A_451 : vector<16xi32> to vector<16xi32>
    tpu.vector_store %arg5[%swap3A_452], %swap3A_455 {strides = array<i32>} : memref<512xi32, #tpu.memory_space<vmem>>, vector<16xi32>,
    %get3A_456 = arith.constant 432 : index
    %get3A_457 = tpu.vector_load %arg5[%get3A_456] {strides = array<i32>} : memref<512xi32, #tpu.memory_space<vmem>>, vector<16xi32>,
    %get3A_458 = vector.shape_cast %get3A_457 : vector<16xi32> to vector<16xi32>
    %shift_right_arithmetic3A_459 = arith.constant 15 : i32
    %shift_right_arithmetic3A_460 = vector.broadcast %shift_right_arithmetic3A_459 : i32 to vector<16xi32>
    %shift_right_arithmetic3A_461 = arith.shrsi %get3A_458, %shift_right_arithmetic3A_460 : vector<16xi32>
    %shift_left3A_462 = arith.constant 13 : i32
    %shift_left3A_463 = vector.broadcast %shift_left3A_462 : i32 to vector<16xi32>
    %shift_left3A_464 = arith.shli %shift_right_arithmetic3A_461, %shift_left3A_463 : vector<16xi32>
    %and3A_465 = arith.constant 8191 : i32
    %and3A_466 = vector.broadcast %and3A_465 : i32 to vector<16xi32>
    %and3A_467 = arith.andi %get3A_458, %and3A_466 : vector<16xi32>
    %or3A_468 = arith.ori %shift_left3A_464, %and3A_467 : vector<16xi32>
    %swap3A_469 = arith.constant 432 : index
    %swap3A_470 = tpu.vector_load %arg5[%swap3A_469] {strides = array<i32>} : memref<512xi32, #tpu.memory_space<vmem>>, vector<16xi32>,
    %swap3A_471 = vector.shape_cast %swap3A_470 : vector<16xi32> to vector<16xi32>
    %swap3A_472 = vector.shape_cast %or3A_468 : vector<16xi32> to vector<16xi32>
    tpu.vector_store %arg5[%swap3A_469], %swap3A_472 {strides = array<i32>} : memref<512xi32, #tpu.memory_space<vmem>>, vector<16xi32>,
    %get3A_473 = arith.constant 448 : index
    %get3A_474 = tpu.vector_load %arg5[%get3A_473] {strides = array<i32>} : memref<512xi32, #tpu.memory_space<vmem>>, vector<16xi32>,
    %get3A_475 = vector.shape_cast %get3A_474 : vector<16xi32> to vector<16xi32>
    %shift_right_arithmetic3A_476 = arith.constant 15 : i32
    %shift_right_arithmetic3A_477 = vector.broadcast %shift_right_arithmetic3A_476 : i32 to vector<16xi32>
    %shift_right_arithmetic3A_478 = arith.shrsi %get3A_475, %shift_right_arithmetic3A_477 : vector<16xi32>
    %shift_left3A_479 = arith.constant 13 : i32
    %shift_left3A_480 = vector.broadcast %shift_left3A_479 : i32 to vector<16xi32>
    %shift_left3A_481 = arith.shli %shift_right_arithmetic3A_478, %shift_left3A_480 : vector<16xi32>
    %and3A_482 = arith.constant 8191 : i32
    %and3A_483 = vector.broadcast %and3A_482 : i32 to vector<16xi32>
    %and3A_484 = arith.andi %get3A_475, %and3A_483 : vector<16xi32>
    %or3A_485 = arith.ori %shift_left3A_481, %and3A_484 : vector<16xi32>
    %swap3A_486 = arith.constant 448 : index
    %swap3A_487 = tpu.vector_load %arg5[%swap3A_486] {strides = array<i32>} : memref<512xi32, #tpu.memory_space<vmem>>, vector<16xi32>,
    %swap3A_488 = vector.shape_cast %swap3A_487 : vector<16xi32> to vector<16xi32>
    %swap3A_489 = vector.shape_cast %or3A_485 : vector<16xi32> to vector<16xi32>
    tpu.vector_store %arg5[%swap3A_486], %swap3A_489 {strides = array<i32>} : memref<512xi32, #tpu.memory_space<vmem>>, vector<16xi32>,
    %get3A_490 = arith.constant 464 : index
    %get3A_491 = tpu.vector_load %arg5[%get3A_490] {strides = array<i32>} : memref<512xi32, #tpu.memory_space<vmem>>, vector<16xi32>,
    %get3A_492 = vector.shape_cast %get3A_491 : vector<16xi32> to vector<16xi32>
    %shift_right_arithmetic3A_493 = arith.constant 15 : i32
    %shift_right_arithmetic3A_494 = vector.broadcast %shift_right_arithmetic3A_493 : i32 to vector<16xi32>
    %shift_right_arithmetic3A_495 = arith.shrsi %get3A_492, %shift_right_arithmetic3A_494 : vector<16xi32>
    %shift_left3A_496 = arith.constant 13 : i32
    %shift_left3A_497 = vector.broadcast %shift_left3A_496 : i32 to vector<16xi32>
    %shift_left3A_498 = arith.shli %shift_right_arithmetic3A_495, %shift_left3A_497 : vector<16xi32>
    %and3A_499 = arith.constant 8191 : i32
    %and3A_500 = vector.broadcast %and3A_499 : i32 to vector<16xi32>
    %and3A_501 = arith.andi %get3A_492, %and3A_500 : vector<16xi32>
    %or3A_502 = arith.ori %shift_left3A_498, %and3A_501 : vector<16xi32>
    %swap3A_503 = arith.constant 464 : index
    %swap3A_504 = tpu.vector_load %arg5[%swap3A_503] {strides = array<i32>} : memref<512xi32, #tpu.memory_space<vmem>>, vector<16xi32>,
    %swap3A_505 = vector.shape_cast %swap3A_504 : vector<16xi32> to vector<16xi32>
    %swap3A_506 = vector.shape_cast %or3A_502 : vector<16xi32> to vector<16xi32>
    tpu.vector_store %arg5[%swap3A_503], %swap3A_506 {strides = array<i32>} : memref<512xi32, #tpu.memory_space<vmem>>, vector<16xi32>,
    %get3A_507 = arith.constant 480 : index
    %get3A_508 = tpu.vector_load %arg5[%get3A_507] {strides = array<i32>} : memref<512xi32, #tpu.memory_space<vmem>>, vector<16xi32>,
    %get3A_509 = vector.shape_cast %get3A_508 : vector<16xi32> to vector<16xi32>
    %shift_right_arithmetic3A_510 = arith.constant 15 : i32
    %shift_right_arithmetic3A_511 = vector.broadcast %shift_right_arithmetic3A_510 : i32 to vector<16xi32>
    %shift_right_arithmetic3A_512 = arith.shrsi %get3A_509, %shift_right_arithmetic3A_511 : vector<16xi32>
    %shift_left3A_513 = arith.constant 13 : i32
    %shift_left3A_514 = vector.broadcast %shift_left3A_513 : i32 to vector<16xi32>
    %shift_left3A_515 = arith.shli %shift_right_arithmetic3A_512, %shift_left3A_514 : vector<16xi32>
    %and3A_516 = arith.constant 8191 : i32
    %and3A_517 = vector.broadcast %and3A_516 : i32 to vector<16xi32>
    %and3A_518 = arith.andi %get3A_509, %and3A_517 : vector<16xi32>
    %or3A_519 = arith.ori %shift_left3A_515, %and3A_518 : vector<16xi32>
    %swap3A_520 = arith.constant 480 : index
    %swap3A_521 = tpu.vector_load %arg5[%swap3A_520] {strides = array<i32>} : memref<512xi32, #tpu.memory_space<vmem>>, vector<16xi32>,
    %swap3A_522 = vector.shape_cast %swap3A_521 : vector<16xi32> to vector<16xi32>
    %swap3A_523 = vector.shape_cast %or3A_519 : vector<16xi32> to vector<16xi32>
    tpu.vector_store %arg5[%swap3A_520], %swap3A_523 {strides = array<i32>} : memref<512xi32, #tpu.memory_space<vmem>>, vector<16xi32>,
    %get3A_524 = arith.constant 496 : index
    %get3A_525 = tpu.vector_load %arg5[%get3A_524] {strides = array<i32>} : memref<512xi32, #tpu.memory_space<vmem>>, vector<16xi32>,
    %get3A_526 = vector.shape_cast %get3A_525 : vector<16xi32> to vector<16xi32>
    %shift_right_arithmetic3A_527 = arith.constant 15 : i32
    %shift_right_arithmetic3A_528 = vector.broadcast %shift_right_arithmetic3A_527 : i32 to vector<16xi32>
    %shift_right_arithmetic3A_529 = arith.shrsi %get3A_526, %shift_right_arithmetic3A_528 : vector<16xi32>
    %shift_left3A_530 = arith.constant 13 : i32
    %shift_left3A_531 = vector.broadcast %shift_left3A_530 : i32 to vector<16xi32>
    %shift_left3A_532 = arith.shli %shift_right_arithmetic3A_529, %shift_left3A_531 : vector<16xi32>
    %and3A_533 = arith.constant 8191 : i32
    %and3A_534 = vector.broadcast %and3A_533 : i32 to vector<16xi32>
    %and3A_535 = arith.andi %get3A_526, %and3A_534 : vector<16xi32>
    %or3A_536 = arith.ori %shift_left3A_532, %and3A_535 : vector<16xi32>
    %swap3A_537 = arith.constant 496 : index
    %swap3A_538 = tpu.vector_load %arg5[%swap3A_537] {strides = array<i32>} : memref<512xi32, #tpu.memory_space<vmem>>, vector<16xi32>,
    %swap3A_539 = vector.shape_cast %swap3A_538 : vector<16xi32> to vector<16xi32>
    %swap3A_540 = vector.shape_cast %or3A_536 : vector<16xi32> to vector<16xi32>
    tpu.vector_store %arg5[%swap3A_537], %swap3A_540 {strides = array<i32>} : memref<512xi32, #tpu.memory_space<vmem>>, vector<16xi32>,
    %dma_start3A = arith.constant 0 : i32
    %dma_start3A_541 = tpu.memref_slice %arg5[%dma_start3A] : memref<512xi32, #tpu.memory_space<vmem>> -> memref<128xi32, #tpu.memory_space<vmem>>
    %dma_start3A_542 = arith.constant 0 : i32
    %dma_start3A_543 = arith.constant 0 : i32
    %dma_start3A_544 = tpu.memref_slice %arg2[%dma_start3A_542, %dma_start3A_543] : memref<253952x128xf32, #tpu.memory_space<hbm>> -> memref<253952x128xf32, #tpu.memory_space<hbm>>
    tpu.enqueue_indirect_dma source(%dma_start3A_544 : memref<253952x128xf32, #tpu.memory_space<hbm>>) target(%arg6 : memref<128x128xf32, #tpu.memory_space<vmem>>) offsets(%dma_start3A_541 : memref<128xi32, #tpu.memory_space<vmem>>) semaphore(%arg8 : memref<!tpu.dma_semaphore, #tpu.memory_space<semaphore_mem>>)
    %dma_start3A_545 = arith.constant 128 : i32
    %dma_start3A_546 = tpu.memref_slice %arg5[%dma_start3A_545] : memref<512xi32, #tpu.memory_space<vmem>> -> memref<128xi32, #tpu.memory_space<vmem>>
    %dma_start3A_547 = arith.constant 0 : i32
    %dma_start3A_548 = arith.constant 0 : i32
    %dma_start3A_549 = tpu.memref_slice %arg2[%dma_start3A_547, %dma_start3A_548] : memref<253952x128xf32, #tpu.memory_space<hbm>> -> memref<253952x128xf32, #tpu.memory_space<hbm>>
    tpu.enqueue_indirect_dma source(%dma_start3A_549 : memref<253952x128xf32, #tpu.memory_space<hbm>>) target(%arg7 : memref<128x128xf32, #tpu.memory_space<vmem>>) offsets(%dma_start3A_546 : memref<128xi32, #tpu.memory_space<vmem>>) semaphore(%arg9 : memref<!tpu.dma_semaphore, #tpu.memory_space<semaphore_mem>>)
    %dma_wait3A = arith.constant 0 : i32
    %dma_wait3A_550 = tpu.memref_slice %arg5[%dma_wait3A] : memref<512xi32, #tpu.memory_space<vmem>> -> memref<128xi32, #tpu.memory_space<vmem>>
    %dma_wait3A_551 = arith.constant 0 : i32
    %dma_wait3A_552 = arith.constant 0 : i32
    %dma_wait3A_553 = tpu.memref_slice %arg2[%dma_wait3A_551, %dma_wait3A_552] : memref<253952x128xf32, #tpu.memory_space<hbm>> -> memref<253952x128xf32, #tpu.memory_space<hbm>>
    tpu.wait_indirect_dma semaphore(%arg8 : memref<!tpu.dma_semaphore, #tpu.memory_space<semaphore_mem>>) src(%dma_wait3A_553 : memref<253952x128xf32, #tpu.memory_space<hbm>>) dst(%arg6 : memref<128x128xf32, #tpu.memory_space<vmem>>)
    %add3A_554 = arith.constant 0 : i32
    %add3A_555 = arith.addi %mul3A_2, %add3A_554 : i32
    %dma_start3A_556 = arith.constant 0 : i32
    %dma_start3A_557 = tpu.memref_slice %arg4[%add3A_555, %dma_start3A_556] : memref<16384x128xf32, #tpu.memory_space<hbm>> -> memref<128x128xf32, #tpu.memory_space<hbm>>
    %dma_start3A_558 = arith.constant 0 : i32
    %dma_start3A_559 = tpu.memref_slice %arg4[%add3A_555, %dma_start3A_558] : memref<16384x128xf32, #tpu.memory_space<hbm>> -> memref<128x128xf32, #tpu.memory_space<hbm>>
    tpu.enqueue_dma source(%arg6 : memref<128x128xf32, #tpu.memory_space<vmem>>) target(%dma_start3A_559 : memref<128x128xf32, #tpu.memory_space<hbm>>) target_semaphore(%arg10 : memref<!tpu.dma_semaphore, #tpu.memory_space<semaphore_mem>>)
    %dma_wait3A_560 = arith.constant 0 : i32
    %dma_wait3A_561 = tpu.memref_slice %arg4[%add3A_555, %dma_wait3A_560] : memref<16384x128xf32, #tpu.memory_space<hbm>> -> memref<128x128xf32, #tpu.memory_space<hbm>>
    %dma_wait3A_562 = arith.constant 0 : i32
    %dma_wait3A_563 = tpu.memref_slice %arg4[%add3A_555, %dma_wait3A_562] : memref<16384x128xf32, #tpu.memory_space<hbm>> -> memref<128x128xf32, #tpu.memory_space<hbm>>
    tpu.wait_dma2 semaphore(%arg10 : memref<!tpu.dma_semaphore, #tpu.memory_space<semaphore_mem>>) src(%arg6 : memref<128x128xf32, #tpu.memory_space<vmem>>) dst(%dma_wait3A_563 : memref<128x128xf32, #tpu.memory_space<hbm>>)
    %dma_start3A_564 = arith.constant 256 : i32
    %dma_start3A_565 = tpu.memref_slice %arg5[%dma_start3A_564] : memref<512xi32, #tpu.memory_space<vmem>> -> memref<128xi32, #tpu.memory_space<vmem>>
    %dma_start3A_566 = arith.constant 0 : i32
    %dma_start3A_567 = arith.constant 0 : i32
    %dma_start3A_568 = tpu.memref_slice %arg2[%dma_start3A_566, %dma_start3A_567] : memref<253952x128xf32, #tpu.memory_space<hbm>> -> memref<253952x128xf32, #tpu.memory_space<hbm>>
    tpu.enqueue_indirect_dma source(%dma_start3A_568 : memref<253952x128xf32, #tpu.memory_space<hbm>>) target(%arg6 : memref<128x128xf32, #tpu.memory_space<vmem>>) offsets(%dma_start3A_565 : memref<128xi32, #tpu.memory_space<vmem>>) semaphore(%arg8 : memref<!tpu.dma_semaphore, #tpu.memory_space<semaphore_mem>>)
    %dma_wait3A_569 = arith.constant 128 : i32
    %dma_wait3A_570 = tpu.memref_slice %arg5[%dma_wait3A_569] : memref<512xi32, #tpu.memory_space<vmem>> -> memref<128xi32, #tpu.memory_space<vmem>>
    %dma_wait3A_571 = arith.constant 0 : i32
    %dma_wait3A_572 = arith.constant 0 : i32
    %dma_wait3A_573 = tpu.memref_slice %arg2[%dma_wait3A_571, %dma_wait3A_572] : memref<253952x128xf32, #tpu.memory_space<hbm>> -> memref<253952x128xf32, #tpu.memory_space<hbm>>
    tpu.wait_indirect_dma semaphore(%arg9 : memref<!tpu.dma_semaphore, #tpu.memory_space<semaphore_mem>>) src(%dma_wait3A_573 : memref<253952x128xf32, #tpu.memory_space<hbm>>) dst(%arg7 : memref<128x128xf32, #tpu.memory_space<vmem>>)
    %add3A_574 = arith.constant 128 : i32
    %add3A_575 = arith.addi %mul3A_2, %add3A_574 : i32
    %dma_start3A_576 = arith.constant 0 : i32
    %dma_start3A_577 = tpu.memref_slice %arg4[%add3A_575, %dma_start3A_576] : memref<16384x128xf32, #tpu.memory_space<hbm>> -> memref<128x128xf32, #tpu.memory_space<hbm>>
    %dma_start3A_578 = arith.constant 0 : i32
    %dma_start3A_579 = tpu.memref_slice %arg4[%add3A_575, %dma_start3A_578] : memref<16384x128xf32, #tpu.memory_space<hbm>> -> memref<128x128xf32, #tpu.memory_space<hbm>>
    tpu.enqueue_dma source(%arg7 : memref<128x128xf32, #tpu.memory_space<vmem>>) target(%dma_start3A_579 : memref<128x128xf32, #tpu.memory_space<hbm>>) target_semaphore(%arg11 : memref<!tpu.dma_semaphore, #tpu.memory_space<semaphore_mem>>)
    %dma_wait3A_580 = arith.constant 0 : i32
    %dma_wait3A_581 = tpu.memref_slice %arg4[%add3A_575, %dma_wait3A_580] : memref<16384x128xf32, #tpu.memory_space<hbm>> -> memref<128x128xf32, #tpu.memory_space<hbm>>
    %dma_wait3A_582 = arith.constant 0 : i32
    %dma_wait3A_583 = tpu.memref_slice %arg4[%add3A_575, %dma_wait3A_582] : memref<16384x128xf32, #tpu.memory_space<hbm>> -> memref<128x128xf32, #tpu.memory_space<hbm>>
    tpu.wait_dma2 semaphore(%arg11 : memref<!tpu.dma_semaphore, #tpu.memory_space<semaphore_mem>>) src(%arg7 : memref<128x128xf32, #tpu.memory_space<vmem>>) dst(%dma_wait3A_583 : memref<128x128xf32, #tpu.memory_space<hbm>>)
    %dma_start3A_584 = arith.constant 384 : i32
    %dma_start3A_585 = tpu.memref_slice %arg5[%dma_start3A_584] : memref<512xi32, #tpu.memory_space<vmem>> -> memref<128xi32, #tpu.memory_space<vmem>>
    %dma_start3A_586 = arith.constant 0 : i32
    %dma_start3A_587 = arith.constant 0 : i32
    %dma_start3A_588 = tpu.memref_slice %arg2[%dma_start3A_586, %dma_start3A_587] : memref<253952x128xf32, #tpu.memory_space<hbm>> -> memref<253952x128xf32, #tpu.memory_space<hbm>>
    tpu.enqueue_indirect_dma source(%dma_start3A_588 : memref<253952x128xf32, #tpu.memory_space<hbm>>) target(%arg7 : memref<128x128xf32, #tpu.memory_space<vmem>>) offsets(%dma_start3A_585 : memref<128xi32, #tpu.memory_space<vmem>>) semaphore(%arg9 : memref<!tpu.dma_semaphore, #tpu.memory_space<semaphore_mem>>)
    %dma_wait3A_589 = arith.constant 256 : i32
    %dma_wait3A_590 = tpu.memref_slice %arg5[%dma_wait3A_589] : memref<512xi32, #tpu.memory_space<vmem>> -> memref<128xi32, #tpu.memory_space<vmem>>
    %dma_wait3A_591 = arith.constant 0 : i32
    %dma_wait3A_592 = arith.constant 0 : i32
    %dma_wait3A_593 = tpu.memref_slice %arg2[%dma_wait3A_591, %dma_wait3A_592] : memref<253952x128xf32, #tpu.memory_space<hbm>> -> memref<253952x128xf32, #tpu.memory_space<hbm>>
    tpu.wait_indirect_dma semaphore(%arg8 : memref<!tpu.dma_semaphore, #tpu.memory_space<semaphore_mem>>) src(%dma_wait3A_593 : memref<253952x128xf32, #tpu.memory_space<hbm>>) dst(%arg6 : memref<128x128xf32, #tpu.memory_space<vmem>>)
    %add3A_594 = arith.constant 256 : i32
    %add3A_595 = arith.addi %mul3A_2, %add3A_594 : i32
    %dma_start3A_596 = arith.constant 0 : i32
    %dma_start3A_597 = tpu.memref_slice %arg4[%add3A_595, %dma_start3A_596] : memref<16384x128xf32, #tpu.memory_space<hbm>> -> memref<128x128xf32, #tpu.memory_space<hbm>>
    %dma_start3A_598 = arith.constant 0 : i32
    %dma_start3A_599 = tpu.memref_slice %arg4[%add3A_595, %dma_start3A_598] : memref<16384x128xf32, #tpu.memory_space<hbm>> -> memref<128x128xf32, #tpu.memory_space<hbm>>
    tpu.enqueue_dma source(%arg6 : memref<128x128xf32, #tpu.memory_space<vmem>>) target(%dma_start3A_599 : memref<128x128xf32, #tpu.memory_space<hbm>>) target_semaphore(%arg10 : memref<!tpu.dma_semaphore, #tpu.memory_space<semaphore_mem>>)
    %dma_wait3A_600 = arith.constant 384 : i32
    %dma_wait3A_601 = tpu.memref_slice %arg5[%dma_wait3A_600] : memref<512xi32, #tpu.memory_space<vmem>> -> memref<128xi32, #tpu.memory_space<vmem>>
    %dma_wait3A_602 = arith.constant 0 : i32
    %dma_wait3A_603 = arith.constant 0 : i32
    %dma_wait3A_604 = tpu.memref_slice %arg2[%dma_wait3A_602, %dma_wait3A_603] : memref<253952x128xf32, #tpu.memory_space<hbm>> -> memref<253952x128xf32, #tpu.memory_space<hbm>>
    tpu.wait_indirect_dma semaphore(%arg9 : memref<!tpu.dma_semaphore, #tpu.memory_space<semaphore_mem>>) src(%dma_wait3A_604 : memref<253952x128xf32, #tpu.memory_space<hbm>>) dst(%arg7 : memref<128x128xf32, #tpu.memory_space<vmem>>)
    %add3A_605 = arith.constant 384 : i32
    %add3A_606 = arith.addi %mul3A_2, %add3A_605 : i32
    %dma_start3A_607 = arith.constant 0 : i32
    %dma_start3A_608 = tpu.memref_slice %arg4[%add3A_606, %dma_start3A_607] : memref<16384x128xf32, #tpu.memory_space<hbm>> -> memref<128x128xf32, #tpu.memory_space<hbm>>
    %dma_start3A_609 = arith.constant 0 : i32
    %dma_start3A_610 = tpu.memref_slice %arg4[%add3A_606, %dma_start3A_609] : memref<16384x128xf32, #tpu.memory_space<hbm>> -> memref<128x128xf32, #tpu.memory_space<hbm>>
    tpu.enqueue_dma source(%arg7 : memref<128x128xf32, #tpu.memory_space<vmem>>) target(%dma_start3A_610 : memref<128x128xf32, #tpu.memory_space<hbm>>) target_semaphore(%arg11 : memref<!tpu.dma_semaphore, #tpu.memory_space<semaphore_mem>>)
    %dma_wait3A_611 = arith.constant 0 : i32
    %dma_wait3A_612 = tpu.memref_slice %arg4[%add3A_595, %dma_wait3A_611] : memref<16384x128xf32, #tpu.memory_space<hbm>> -> memref<128x128xf32, #tpu.memory_space<hbm>>
    %dma_wait3A_613 = arith.constant 0 : i32
    %dma_wait3A_614 = tpu.memref_slice %arg4[%add3A_595, %dma_wait3A_613] : memref<16384x128xf32, #tpu.memory_space<hbm>> -> memref<128x128xf32, #tpu.memory_space<hbm>>
    tpu.wait_dma2 semaphore(%arg10 : memref<!tpu.dma_semaphore, #tpu.memory_space<semaphore_mem>>) src(%arg6 : memref<128x128xf32, #tpu.memory_space<vmem>>) dst(%dma_wait3A_614 : memref<128x128xf32, #tpu.memory_space<hbm>>)
    %dma_wait3A_615 = arith.constant 0 : i32
    %dma_wait3A_616 = tpu.memref_slice %arg4[%add3A_606, %dma_wait3A_615] : memref<16384x128xf32, #tpu.memory_space<hbm>> -> memref<128x128xf32, #tpu.memory_space<hbm>>
    %dma_wait3A_617 = arith.constant 0 : i32
    %dma_wait3A_618 = tpu.memref_slice %arg4[%add3A_606, %dma_wait3A_617] : memref<16384x128xf32, #tpu.memory_space<hbm>> -> memref<128x128xf32, #tpu.memory_space<hbm>>
    tpu.wait_dma2 semaphore(%arg11 : memref<!tpu.dma_semaphore, #tpu.memory_space<semaphore_mem>>) src(%arg7 : memref<128x128xf32, #tpu.memory_space<vmem>>) dst(%dma_wait3A_618 : memref<128x128xf32, #tpu.memory_space<hbm>>)
    return
  }
}

#map = affine_map<(d0, d1) -> (0, 0)>
#map1 = affine_map<(d0, d1) -> (0)>
module attributes {stable_mosaic.version = 14 : i64} {
  func.func @gather_kernel(%arg0: i32, %arg1: i32, %arg2: memref<32768x128xf32, #tpu.memory_space<hbm>>, %arg3: memref<16384xi32, #tpu.memory_space<hbm>>, %arg4: memref<16384x128xf32, #tpu.memory_space<hbm>>, %arg5: memref<512xi32, #tpu.memory_space<vmem>>, %arg6: memref<128x128xf32, #tpu.memory_space<vmem>>, %arg7: memref<128x128xf32, #tpu.memory_space<vmem>>, %arg8: memref<!tpu.dma_semaphore, #tpu.memory_space<semaphore_mem>>, %arg9: memref<!tpu.dma_semaphore, #tpu.memory_space<semaphore_mem>>, %arg10: memref<!tpu.dma_semaphore, #tpu.memory_space<semaphore_mem>>, %arg11: memref<!tpu.dma_semaphore, #tpu.memory_space<semaphore_mem>>) attributes {dimension_semantics = [#tpu.dimension_semantics<core_parallel>, #tpu.dimension_semantics<subcore_parallel>], iteration_bounds = array<i64: 2, 16>, scalar_prefetch = 0 : i64, scratch_operands = 7 : i64, tpu.core_type = #tpu.core_type<sc_vector_subcore>, window_params = [{transform_indices = #map}, {transform_indices = #map1}, {transform_indices = #map}]} {
    %mul3A = arith.constant 2 : i32
    %mul3A_0 = arith.muli %arg1, %mul3A : i32
    %add3A = arith.addi %mul3A_0, %arg0 : i32
    %mul3A_1 = arith.constant 512 : i32
    %mul3A_2 = arith.muli %add3A, %mul3A_1 : i32
    "tpu.region"() ({
      %run_scoped3A = tpu.sem_alloc : memref<!tpu.dma_semaphore, #tpu.memory_space<semaphore_mem>>
      %dma_start3A_619 = tpu.memref_slice %arg3[%mul3A_2] : memref<16384xi32, #tpu.memory_space<hbm>> -> memref<512xi32, #tpu.memory_space<hbm>>
      %dma_start3A_620 = tpu.memref_slice %arg3[%mul3A_2] : memref<16384xi32, #tpu.memory_space<hbm>> -> memref<512xi32, #tpu.memory_space<hbm>>
      tpu.enqueue_dma source(%dma_start3A_620 : memref<512xi32, #tpu.memory_space<hbm>>) target(%arg5 : memref<512xi32, #tpu.memory_space<vmem>>) target_semaphore(%run_scoped3A : memref<!tpu.dma_semaphore, #tpu.memory_space<semaphore_mem>>)
      %dma_wait3A_621 = tpu.memref_slice %arg3[%mul3A_2] : memref<16384xi32, #tpu.memory_space<hbm>> -> memref<512xi32, #tpu.memory_space<hbm>>
      %dma_wait3A_622 = tpu.memref_slice %arg3[%mul3A_2] : memref<16384xi32, #tpu.memory_space<hbm>> -> memref<512xi32, #tpu.memory_space<hbm>>
      tpu.wait_dma2 semaphore(%run_scoped3A : memref<!tpu.dma_semaphore, #tpu.memory_space<semaphore_mem>>) src(%dma_wait3A_622 : memref<512xi32, #tpu.memory_space<hbm>>) dst(%arg5 : memref<512xi32, #tpu.memory_space<vmem>>)
      tpu.yield
    }) : () -> ()
    %get3A = arith.constant 0 : index
    %get3A_3 = tpu.vector_load %arg5[%get3A] {strides = array<i32>} : memref<512xi32, #tpu.memory_space<vmem>>, vector<16xi32>,
    %get3A_4 = vector.shape_cast %get3A_3 : vector<16xi32> to vector<16xi32>
    %shift_right_arithmetic3A = arith.constant 15 : i32
    %shift_right_arithmetic3A_5 = vector.broadcast %shift_right_arithmetic3A : i32 to vector<16xi32>
    %shift_right_arithmetic3A_6 = arith.shrsi %get3A_4, %shift_right_arithmetic3A_5 : vector<16xi32>
    %shift_left3A = arith.constant 13 : i32
    %shift_left3A_7 = vector.broadcast %shift_left3A : i32 to vector<16xi32>
    %shift_left3A_8 = arith.shli %shift_right_arithmetic3A_6, %shift_left3A_7 : vector<16xi32>
    %and3A = arith.constant 8191 : i32
    %and3A_9 = vector.broadcast %and3A : i32 to vector<16xi32>
    %and3A_10 = arith.andi %get3A_4, %and3A_9 : vector<16xi32>
    %or3A = arith.ori %shift_left3A_8, %and3A_10 : vector<16xi32>
    %swap3A = arith.constant 0 : index
    %swap3A_11 = tpu.vector_load %arg5[%swap3A] {strides = array<i32>} : memref<512xi32, #tpu.memory_space<vmem>>, vector<16xi32>,
    %swap3A_12 = vector.shape_cast %swap3A_11 : vector<16xi32> to vector<16xi32>
    %swap3A_13 = vector.shape_cast %or3A : vector<16xi32> to vector<16xi32>
    tpu.vector_store %arg5[%swap3A], %swap3A_13 {strides = array<i32>} : memref<512xi32, #tpu.memory_space<vmem>>, vector<16xi32>,
    %get3A_14 = arith.constant 16 : index
    %get3A_15 = tpu.vector_load %arg5[%get3A_14] {strides = array<i32>} : memref<512xi32, #tpu.memory_space<vmem>>, vector<16xi32>,
    %get3A_16 = vector.shape_cast %get3A_15 : vector<16xi32> to vector<16xi32>
    %shift_right_arithmetic3A_17 = arith.constant 15 : i32
    %shift_right_arithmetic3A_18 = vector.broadcast %shift_right_arithmetic3A_17 : i32 to vector<16xi32>
    %shift_right_arithmetic3A_19 = arith.shrsi %get3A_16, %shift_right_arithmetic3A_18 : vector<16xi32>
    %shift_left3A_20 = arith.constant 13 : i32
    %shift_left3A_21 = vector.broadcast %shift_left3A_20 : i32 to vector<16xi32>
    %shift_left3A_22 = arith.shli %shift_right_arithmetic3A_19, %shift_left3A_21 : vector<16xi32>
    %and3A_23 = arith.constant 8191 : i32
    %and3A_24 = vector.broadcast %and3A_23 : i32 to vector<16xi32>
    %and3A_25 = arith.andi %get3A_16, %and3A_24 : vector<16xi32>
    %or3A_26 = arith.ori %shift_left3A_22, %and3A_25 : vector<16xi32>
    %swap3A_27 = arith.constant 16 : index
    %swap3A_28 = tpu.vector_load %arg5[%swap3A_27] {strides = array<i32>} : memref<512xi32, #tpu.memory_space<vmem>>, vector<16xi32>,
    %swap3A_29 = vector.shape_cast %swap3A_28 : vector<16xi32> to vector<16xi32>
    %swap3A_30 = vector.shape_cast %or3A_26 : vector<16xi32> to vector<16xi32>
    tpu.vector_store %arg5[%swap3A_27], %swap3A_30 {strides = array<i32>} : memref<512xi32, #tpu.memory_space<vmem>>, vector<16xi32>,
    %get3A_31 = arith.constant 32 : index
    %get3A_32 = tpu.vector_load %arg5[%get3A_31] {strides = array<i32>} : memref<512xi32, #tpu.memory_space<vmem>>, vector<16xi32>,
    %get3A_33 = vector.shape_cast %get3A_32 : vector<16xi32> to vector<16xi32>
    %shift_right_arithmetic3A_34 = arith.constant 15 : i32
    %shift_right_arithmetic3A_35 = vector.broadcast %shift_right_arithmetic3A_34 : i32 to vector<16xi32>
    %shift_right_arithmetic3A_36 = arith.shrsi %get3A_33, %shift_right_arithmetic3A_35 : vector<16xi32>
    %shift_left3A_37 = arith.constant 13 : i32
    %shift_left3A_38 = vector.broadcast %shift_left3A_37 : i32 to vector<16xi32>
    %shift_left3A_39 = arith.shli %shift_right_arithmetic3A_36, %shift_left3A_38 : vector<16xi32>
    %and3A_40 = arith.constant 8191 : i32
    %and3A_41 = vector.broadcast %and3A_40 : i32 to vector<16xi32>
    %and3A_42 = arith.andi %get3A_33, %and3A_41 : vector<16xi32>
    %or3A_43 = arith.ori %shift_left3A_39, %and3A_42 : vector<16xi32>
    %swap3A_44 = arith.constant 32 : index
    %swap3A_45 = tpu.vector_load %arg5[%swap3A_44] {strides = array<i32>} : memref<512xi32, #tpu.memory_space<vmem>>, vector<16xi32>,
    %swap3A_46 = vector.shape_cast %swap3A_45 : vector<16xi32> to vector<16xi32>
    %swap3A_47 = vector.shape_cast %or3A_43 : vector<16xi32> to vector<16xi32>
    tpu.vector_store %arg5[%swap3A_44], %swap3A_47 {strides = array<i32>} : memref<512xi32, #tpu.memory_space<vmem>>, vector<16xi32>,
    %get3A_48 = arith.constant 48 : index
    %get3A_49 = tpu.vector_load %arg5[%get3A_48] {strides = array<i32>} : memref<512xi32, #tpu.memory_space<vmem>>, vector<16xi32>,
    %get3A_50 = vector.shape_cast %get3A_49 : vector<16xi32> to vector<16xi32>
    %shift_right_arithmetic3A_51 = arith.constant 15 : i32
    %shift_right_arithmetic3A_52 = vector.broadcast %shift_right_arithmetic3A_51 : i32 to vector<16xi32>
    %shift_right_arithmetic3A_53 = arith.shrsi %get3A_50, %shift_right_arithmetic3A_52 : vector<16xi32>
    %shift_left3A_54 = arith.constant 13 : i32
    %shift_left3A_55 = vector.broadcast %shift_left3A_54 : i32 to vector<16xi32>
    %shift_left3A_56 = arith.shli %shift_right_arithmetic3A_53, %shift_left3A_55 : vector<16xi32>
    %and3A_57 = arith.constant 8191 : i32
    %and3A_58 = vector.broadcast %and3A_57 : i32 to vector<16xi32>
    %and3A_59 = arith.andi %get3A_50, %and3A_58 : vector<16xi32>
    %or3A_60 = arith.ori %shift_left3A_56, %and3A_59 : vector<16xi32>
    %swap3A_61 = arith.constant 48 : index
    %swap3A_62 = tpu.vector_load %arg5[%swap3A_61] {strides = array<i32>} : memref<512xi32, #tpu.memory_space<vmem>>, vector<16xi32>,
    %swap3A_63 = vector.shape_cast %swap3A_62 : vector<16xi32> to vector<16xi32>
    %swap3A_64 = vector.shape_cast %or3A_60 : vector<16xi32> to vector<16xi32>
    tpu.vector_store %arg5[%swap3A_61], %swap3A_64 {strides = array<i32>} : memref<512xi32, #tpu.memory_space<vmem>>, vector<16xi32>,
    %get3A_65 = arith.constant 64 : index
    %get3A_66 = tpu.vector_load %arg5[%get3A_65] {strides = array<i32>} : memref<512xi32, #tpu.memory_space<vmem>>, vector<16xi32>,
    %get3A_67 = vector.shape_cast %get3A_66 : vector<16xi32> to vector<16xi32>
    %shift_right_arithmetic3A_68 = arith.constant 15 : i32
    %shift_right_arithmetic3A_69 = vector.broadcast %shift_right_arithmetic3A_68 : i32 to vector<16xi32>
    %shift_right_arithmetic3A_70 = arith.shrsi %get3A_67, %shift_right_arithmetic3A_69 : vector<16xi32>
    %shift_left3A_71 = arith.constant 13 : i32
    %shift_left3A_72 = vector.broadcast %shift_left3A_71 : i32 to vector<16xi32>
    %shift_left3A_73 = arith.shli %shift_right_arithmetic3A_70, %shift_left3A_72 : vector<16xi32>
    %and3A_74 = arith.constant 8191 : i32
    %and3A_75 = vector.broadcast %and3A_74 : i32 to vector<16xi32>
    %and3A_76 = arith.andi %get3A_67, %and3A_75 : vector<16xi32>
    %or3A_77 = arith.ori %shift_left3A_73, %and3A_76 : vector<16xi32>
    %swap3A_78 = arith.constant 64 : index
    %swap3A_79 = tpu.vector_load %arg5[%swap3A_78] {strides = array<i32>} : memref<512xi32, #tpu.memory_space<vmem>>, vector<16xi32>,
    %swap3A_80 = vector.shape_cast %swap3A_79 : vector<16xi32> to vector<16xi32>
    %swap3A_81 = vector.shape_cast %or3A_77 : vector<16xi32> to vector<16xi32>
    tpu.vector_store %arg5[%swap3A_78], %swap3A_81 {strides = array<i32>} : memref<512xi32, #tpu.memory_space<vmem>>, vector<16xi32>,
    %get3A_82 = arith.constant 80 : index
    %get3A_83 = tpu.vector_load %arg5[%get3A_82] {strides = array<i32>} : memref<512xi32, #tpu.memory_space<vmem>>, vector<16xi32>,
    %get3A_84 = vector.shape_cast %get3A_83 : vector<16xi32> to vector<16xi32>
    %shift_right_arithmetic3A_85 = arith.constant 15 : i32
    %shift_right_arithmetic3A_86 = vector.broadcast %shift_right_arithmetic3A_85 : i32 to vector<16xi32>
    %shift_right_arithmetic3A_87 = arith.shrsi %get3A_84, %shift_right_arithmetic3A_86 : vector<16xi32>
    %shift_left3A_88 = arith.constant 13 : i32
    %shift_left3A_89 = vector.broadcast %shift_left3A_88 : i32 to vector<16xi32>
    %shift_left3A_90 = arith.shli %shift_right_arithmetic3A_87, %shift_left3A_89 : vector<16xi32>
    %and3A_91 = arith.constant 8191 : i32
    %and3A_92 = vector.broadcast %and3A_91 : i32 to vector<16xi32>
    %and3A_93 = arith.andi %get3A_84, %and3A_92 : vector<16xi32>
    %or3A_94 = arith.ori %shift_left3A_90, %and3A_93 : vector<16xi32>
    %swap3A_95 = arith.constant 80 : index
    %swap3A_96 = tpu.vector_load %arg5[%swap3A_95] {strides = array<i32>} : memref<512xi32, #tpu.memory_space<vmem>>, vector<16xi32>,
    %swap3A_97 = vector.shape_cast %swap3A_96 : vector<16xi32> to vector<16xi32>
    %swap3A_98 = vector.shape_cast %or3A_94 : vector<16xi32> to vector<16xi32>
    tpu.vector_store %arg5[%swap3A_95], %swap3A_98 {strides = array<i32>} : memref<512xi32, #tpu.memory_space<vmem>>, vector<16xi32>,
    %get3A_99 = arith.constant 96 : index
    %get3A_100 = tpu.vector_load %arg5[%get3A_99] {strides = array<i32>} : memref<512xi32, #tpu.memory_space<vmem>>, vector<16xi32>,
    %get3A_101 = vector.shape_cast %get3A_100 : vector<16xi32> to vector<16xi32>
    %shift_right_arithmetic3A_102 = arith.constant 15 : i32
    %shift_right_arithmetic3A_103 = vector.broadcast %shift_right_arithmetic3A_102 : i32 to vector<16xi32>
    %shift_right_arithmetic3A_104 = arith.shrsi %get3A_101, %shift_right_arithmetic3A_103 : vector<16xi32>
    %shift_left3A_105 = arith.constant 13 : i32
    %shift_left3A_106 = vector.broadcast %shift_left3A_105 : i32 to vector<16xi32>
    %shift_left3A_107 = arith.shli %shift_right_arithmetic3A_104, %shift_left3A_106 : vector<16xi32>
    %and3A_108 = arith.constant 8191 : i32
    %and3A_109 = vector.broadcast %and3A_108 : i32 to vector<16xi32>
    %and3A_110 = arith.andi %get3A_101, %and3A_109 : vector<16xi32>
    %or3A_111 = arith.ori %shift_left3A_107, %and3A_110 : vector<16xi32>
    %swap3A_112 = arith.constant 96 : index
    %swap3A_113 = tpu.vector_load %arg5[%swap3A_112] {strides = array<i32>} : memref<512xi32, #tpu.memory_space<vmem>>, vector<16xi32>,
    %swap3A_114 = vector.shape_cast %swap3A_113 : vector<16xi32> to vector<16xi32>
    %swap3A_115 = vector.shape_cast %or3A_111 : vector<16xi32> to vector<16xi32>
    tpu.vector_store %arg5[%swap3A_112], %swap3A_115 {strides = array<i32>} : memref<512xi32, #tpu.memory_space<vmem>>, vector<16xi32>,
    %get3A_116 = arith.constant 112 : index
    %get3A_117 = tpu.vector_load %arg5[%get3A_116] {strides = array<i32>} : memref<512xi32, #tpu.memory_space<vmem>>, vector<16xi32>,
    %get3A_118 = vector.shape_cast %get3A_117 : vector<16xi32> to vector<16xi32>
    %shift_right_arithmetic3A_119 = arith.constant 15 : i32
    %shift_right_arithmetic3A_120 = vector.broadcast %shift_right_arithmetic3A_119 : i32 to vector<16xi32>
    %shift_right_arithmetic3A_121 = arith.shrsi %get3A_118, %shift_right_arithmetic3A_120 : vector<16xi32>
    %shift_left3A_122 = arith.constant 13 : i32
    %shift_left3A_123 = vector.broadcast %shift_left3A_122 : i32 to vector<16xi32>
    %shift_left3A_124 = arith.shli %shift_right_arithmetic3A_121, %shift_left3A_123 : vector<16xi32>
    %and3A_125 = arith.constant 8191 : i32
    %and3A_126 = vector.broadcast %and3A_125 : i32 to vector<16xi32>
    %and3A_127 = arith.andi %get3A_118, %and3A_126 : vector<16xi32>
    %or3A_128 = arith.ori %shift_left3A_124, %and3A_127 : vector<16xi32>
    %swap3A_129 = arith.constant 112 : index
    %swap3A_130 = tpu.vector_load %arg5[%swap3A_129] {strides = array<i32>} : memref<512xi32, #tpu.memory_space<vmem>>, vector<16xi32>,
    %swap3A_131 = vector.shape_cast %swap3A_130 : vector<16xi32> to vector<16xi32>
    %swap3A_132 = vector.shape_cast %or3A_128 : vector<16xi32> to vector<16xi32>
    tpu.vector_store %arg5[%swap3A_129], %swap3A_132 {strides = array<i32>} : memref<512xi32, #tpu.memory_space<vmem>>, vector<16xi32>,
    %get3A_133 = arith.constant 128 : index
    %get3A_134 = tpu.vector_load %arg5[%get3A_133] {strides = array<i32>} : memref<512xi32, #tpu.memory_space<vmem>>, vector<16xi32>,
    %get3A_135 = vector.shape_cast %get3A_134 : vector<16xi32> to vector<16xi32>
    %shift_right_arithmetic3A_136 = arith.constant 15 : i32
    %shift_right_arithmetic3A_137 = vector.broadcast %shift_right_arithmetic3A_136 : i32 to vector<16xi32>
    %shift_right_arithmetic3A_138 = arith.shrsi %get3A_135, %shift_right_arithmetic3A_137 : vector<16xi32>
    %shift_left3A_139 = arith.constant 13 : i32
    %shift_left3A_140 = vector.broadcast %shift_left3A_139 : i32 to vector<16xi32>
    %shift_left3A_141 = arith.shli %shift_right_arithmetic3A_138, %shift_left3A_140 : vector<16xi32>
    %and3A_142 = arith.constant 8191 : i32
    %and3A_143 = vector.broadcast %and3A_142 : i32 to vector<16xi32>
    %and3A_144 = arith.andi %get3A_135, %and3A_143 : vector<16xi32>
    %or3A_145 = arith.ori %shift_left3A_141, %and3A_144 : vector<16xi32>
    %swap3A_146 = arith.constant 128 : index
    %swap3A_147 = tpu.vector_load %arg5[%swap3A_146] {strides = array<i32>} : memref<512xi32, #tpu.memory_space<vmem>>, vector<16xi32>,
    %swap3A_148 = vector.shape_cast %swap3A_147 : vector<16xi32> to vector<16xi32>
    %swap3A_149 = vector.shape_cast %or3A_145 : vector<16xi32> to vector<16xi32>
    tpu.vector_store %arg5[%swap3A_146], %swap3A_149 {strides = array<i32>} : memref<512xi32, #tpu.memory_space<vmem>>, vector<16xi32>,
    %get3A_150 = arith.constant 144 : index
    %get3A_151 = tpu.vector_load %arg5[%get3A_150] {strides = array<i32>} : memref<512xi32, #tpu.memory_space<vmem>>, vector<16xi32>,
    %get3A_152 = vector.shape_cast %get3A_151 : vector<16xi32> to vector<16xi32>
    %shift_right_arithmetic3A_153 = arith.constant 15 : i32
    %shift_right_arithmetic3A_154 = vector.broadcast %shift_right_arithmetic3A_153 : i32 to vector<16xi32>
    %shift_right_arithmetic3A_155 = arith.shrsi %get3A_152, %shift_right_arithmetic3A_154 : vector<16xi32>
    %shift_left3A_156 = arith.constant 13 : i32
    %shift_left3A_157 = vector.broadcast %shift_left3A_156 : i32 to vector<16xi32>
    %shift_left3A_158 = arith.shli %shift_right_arithmetic3A_155, %shift_left3A_157 : vector<16xi32>
    %and3A_159 = arith.constant 8191 : i32
    %and3A_160 = vector.broadcast %and3A_159 : i32 to vector<16xi32>
    %and3A_161 = arith.andi %get3A_152, %and3A_160 : vector<16xi32>
    %or3A_162 = arith.ori %shift_left3A_158, %and3A_161 : vector<16xi32>
    %swap3A_163 = arith.constant 144 : index
    %swap3A_164 = tpu.vector_load %arg5[%swap3A_163] {strides = array<i32>} : memref<512xi32, #tpu.memory_space<vmem>>, vector<16xi32>,
    %swap3A_165 = vector.shape_cast %swap3A_164 : vector<16xi32> to vector<16xi32>
    %swap3A_166 = vector.shape_cast %or3A_162 : vector<16xi32> to vector<16xi32>
    tpu.vector_store %arg5[%swap3A_163], %swap3A_166 {strides = array<i32>} : memref<512xi32, #tpu.memory_space<vmem>>, vector<16xi32>,
    %get3A_167 = arith.constant 160 : index
    %get3A_168 = tpu.vector_load %arg5[%get3A_167] {strides = array<i32>} : memref<512xi32, #tpu.memory_space<vmem>>, vector<16xi32>,
    %get3A_169 = vector.shape_cast %get3A_168 : vector<16xi32> to vector<16xi32>
    %shift_right_arithmetic3A_170 = arith.constant 15 : i32
    %shift_right_arithmetic3A_171 = vector.broadcast %shift_right_arithmetic3A_170 : i32 to vector<16xi32>
    %shift_right_arithmetic3A_172 = arith.shrsi %get3A_169, %shift_right_arithmetic3A_171 : vector<16xi32>
    %shift_left3A_173 = arith.constant 13 : i32
    %shift_left3A_174 = vector.broadcast %shift_left3A_173 : i32 to vector<16xi32>
    %shift_left3A_175 = arith.shli %shift_right_arithmetic3A_172, %shift_left3A_174 : vector<16xi32>
    %and3A_176 = arith.constant 8191 : i32
    %and3A_177 = vector.broadcast %and3A_176 : i32 to vector<16xi32>
    %and3A_178 = arith.andi %get3A_169, %and3A_177 : vector<16xi32>
    %or3A_179 = arith.ori %shift_left3A_175, %and3A_178 : vector<16xi32>
    %swap3A_180 = arith.constant 160 : index
    %swap3A_181 = tpu.vector_load %arg5[%swap3A_180] {strides = array<i32>} : memref<512xi32, #tpu.memory_space<vmem>>, vector<16xi32>,
    %swap3A_182 = vector.shape_cast %swap3A_181 : vector<16xi32> to vector<16xi32>
    %swap3A_183 = vector.shape_cast %or3A_179 : vector<16xi32> to vector<16xi32>
    tpu.vector_store %arg5[%swap3A_180], %swap3A_183 {strides = array<i32>} : memref<512xi32, #tpu.memory_space<vmem>>, vector<16xi32>,
    %get3A_184 = arith.constant 176 : index
    %get3A_185 = tpu.vector_load %arg5[%get3A_184] {strides = array<i32>} : memref<512xi32, #tpu.memory_space<vmem>>, vector<16xi32>,
    %get3A_186 = vector.shape_cast %get3A_185 : vector<16xi32> to vector<16xi32>
    %shift_right_arithmetic3A_187 = arith.constant 15 : i32
    %shift_right_arithmetic3A_188 = vector.broadcast %shift_right_arithmetic3A_187 : i32 to vector<16xi32>
    %shift_right_arithmetic3A_189 = arith.shrsi %get3A_186, %shift_right_arithmetic3A_188 : vector<16xi32>
    %shift_left3A_190 = arith.constant 13 : i32
    %shift_left3A_191 = vector.broadcast %shift_left3A_190 : i32 to vector<16xi32>
    %shift_left3A_192 = arith.shli %shift_right_arithmetic3A_189, %shift_left3A_191 : vector<16xi32>
    %and3A_193 = arith.constant 8191 : i32
    %and3A_194 = vector.broadcast %and3A_193 : i32 to vector<16xi32>
    %and3A_195 = arith.andi %get3A_186, %and3A_194 : vector<16xi32>
    %or3A_196 = arith.ori %shift_left3A_192, %and3A_195 : vector<16xi32>
    %swap3A_197 = arith.constant 176 : index
    %swap3A_198 = tpu.vector_load %arg5[%swap3A_197] {strides = array<i32>} : memref<512xi32, #tpu.memory_space<vmem>>, vector<16xi32>,
    %swap3A_199 = vector.shape_cast %swap3A_198 : vector<16xi32> to vector<16xi32>
    %swap3A_200 = vector.shape_cast %or3A_196 : vector<16xi32> to vector<16xi32>
    tpu.vector_store %arg5[%swap3A_197], %swap3A_200 {strides = array<i32>} : memref<512xi32, #tpu.memory_space<vmem>>, vector<16xi32>,
    %get3A_201 = arith.constant 192 : index
    %get3A_202 = tpu.vector_load %arg5[%get3A_201] {strides = array<i32>} : memref<512xi32, #tpu.memory_space<vmem>>, vector<16xi32>,
    %get3A_203 = vector.shape_cast %get3A_202 : vector<16xi32> to vector<16xi32>
    %shift_right_arithmetic3A_204 = arith.constant 15 : i32
    %shift_right_arithmetic3A_205 = vector.broadcast %shift_right_arithmetic3A_204 : i32 to vector<16xi32>
    %shift_right_arithmetic3A_206 = arith.shrsi %get3A_203, %shift_right_arithmetic3A_205 : vector<16xi32>
    %shift_left3A_207 = arith.constant 13 : i32
    %shift_left3A_208 = vector.broadcast %shift_left3A_207 : i32 to vector<16xi32>
    %shift_left3A_209 = arith.shli %shift_right_arithmetic3A_206, %shift_left3A_208 : vector<16xi32>
    %and3A_210 = arith.constant 8191 : i32
    %and3A_211 = vector.broadcast %and3A_210 : i32 to vector<16xi32>
    %and3A_212 = arith.andi %get3A_203, %and3A_211 : vector<16xi32>
    %or3A_213 = arith.ori %shift_left3A_209, %and3A_212 : vector<16xi32>
    %swap3A_214 = arith.constant 192 : index
    %swap3A_215 = tpu.vector_load %arg5[%swap3A_214] {strides = array<i32>} : memref<512xi32, #tpu.memory_space<vmem>>, vector<16xi32>,
    %swap3A_216 = vector.shape_cast %swap3A_215 : vector<16xi32> to vector<16xi32>
    %swap3A_217 = vector.shape_cast %or3A_213 : vector<16xi32> to vector<16xi32>
    tpu.vector_store %arg5[%swap3A_214], %swap3A_217 {strides = array<i32>} : memref<512xi32, #tpu.memory_space<vmem>>, vector<16xi32>,
    %get3A_218 = arith.constant 208 : index
    %get3A_219 = tpu.vector_load %arg5[%get3A_218] {strides = array<i32>} : memref<512xi32, #tpu.memory_space<vmem>>, vector<16xi32>,
    %get3A_220 = vector.shape_cast %get3A_219 : vector<16xi32> to vector<16xi32>
    %shift_right_arithmetic3A_221 = arith.constant 15 : i32
    %shift_right_arithmetic3A_222 = vector.broadcast %shift_right_arithmetic3A_221 : i32 to vector<16xi32>
    %shift_right_arithmetic3A_223 = arith.shrsi %get3A_220, %shift_right_arithmetic3A_222 : vector<16xi32>
    %shift_left3A_224 = arith.constant 13 : i32
    %shift_left3A_225 = vector.broadcast %shift_left3A_224 : i32 to vector<16xi32>
    %shift_left3A_226 = arith.shli %shift_right_arithmetic3A_223, %shift_left3A_225 : vector<16xi32>
    %and3A_227 = arith.constant 8191 : i32
    %and3A_228 = vector.broadcast %and3A_227 : i32 to vector<16xi32>
    %and3A_229 = arith.andi %get3A_220, %and3A_228 : vector<16xi32>
    %or3A_230 = arith.ori %shift_left3A_226, %and3A_229 : vector<16xi32>
    %swap3A_231 = arith.constant 208 : index
    %swap3A_232 = tpu.vector_load %arg5[%swap3A_231] {strides = array<i32>} : memref<512xi32, #tpu.memory_space<vmem>>, vector<16xi32>,
    %swap3A_233 = vector.shape_cast %swap3A_232 : vector<16xi32> to vector<16xi32>
    %swap3A_234 = vector.shape_cast %or3A_230 : vector<16xi32> to vector<16xi32>
    tpu.vector_store %arg5[%swap3A_231], %swap3A_234 {strides = array<i32>} : memref<512xi32, #tpu.memory_space<vmem>>, vector<16xi32>,
    %get3A_235 = arith.constant 224 : index
    %get3A_236 = tpu.vector_load %arg5[%get3A_235] {strides = array<i32>} : memref<512xi32, #tpu.memory_space<vmem>>, vector<16xi32>,
    %get3A_237 = vector.shape_cast %get3A_236 : vector<16xi32> to vector<16xi32>
    %shift_right_arithmetic3A_238 = arith.constant 15 : i32
    %shift_right_arithmetic3A_239 = vector.broadcast %shift_right_arithmetic3A_238 : i32 to vector<16xi32>
    %shift_right_arithmetic3A_240 = arith.shrsi %get3A_237, %shift_right_arithmetic3A_239 : vector<16xi32>
    %shift_left3A_241 = arith.constant 13 : i32
    %shift_left3A_242 = vector.broadcast %shift_left3A_241 : i32 to vector<16xi32>
    %shift_left3A_243 = arith.shli %shift_right_arithmetic3A_240, %shift_left3A_242 : vector<16xi32>
    %and3A_244 = arith.constant 8191 : i32
    %and3A_245 = vector.broadcast %and3A_244 : i32 to vector<16xi32>
    %and3A_246 = arith.andi %get3A_237, %and3A_245 : vector<16xi32>
    %or3A_247 = arith.ori %shift_left3A_243, %and3A_246 : vector<16xi32>
    %swap3A_248 = arith.constant 224 : index
    %swap3A_249 = tpu.vector_load %arg5[%swap3A_248] {strides = array<i32>} : memref<512xi32, #tpu.memory_space<vmem>>, vector<16xi32>,
    %swap3A_250 = vector.shape_cast %swap3A_249 : vector<16xi32> to vector<16xi32>
    %swap3A_251 = vector.shape_cast %or3A_247 : vector<16xi32> to vector<16xi32>
    tpu.vector_store %arg5[%swap3A_248], %swap3A_251 {strides = array<i32>} : memref<512xi32, #tpu.memory_space<vmem>>, vector<16xi32>,
    %get3A_252 = arith.constant 240 : index
    %get3A_253 = tpu.vector_load %arg5[%get3A_252] {strides = array<i32>} : memref<512xi32, #tpu.memory_space<vmem>>, vector<16xi32>,
    %get3A_254 = vector.shape_cast %get3A_253 : vector<16xi32> to vector<16xi32>
    %shift_right_arithmetic3A_255 = arith.constant 15 : i32
    %shift_right_arithmetic3A_256 = vector.broadcast %shift_right_arithmetic3A_255 : i32 to vector<16xi32>
    %shift_right_arithmetic3A_257 = arith.shrsi %get3A_254, %shift_right_arithmetic3A_256 : vector<16xi32>
    %shift_left3A_258 = arith.constant 13 : i32
    %shift_left3A_259 = vector.broadcast %shift_left3A_258 : i32 to vector<16xi32>
    %shift_left3A_260 = arith.shli %shift_right_arithmetic3A_257, %shift_left3A_259 : vector<16xi32>
    %and3A_261 = arith.constant 8191 : i32
    %and3A_262 = vector.broadcast %and3A_261 : i32 to vector<16xi32>
    %and3A_263 = arith.andi %get3A_254, %and3A_262 : vector<16xi32>
    %or3A_264 = arith.ori %shift_left3A_260, %and3A_263 : vector<16xi32>
    %swap3A_265 = arith.constant 240 : index
    %swap3A_266 = tpu.vector_load %arg5[%swap3A_265] {strides = array<i32>} : memref<512xi32, #tpu.memory_space<vmem>>, vector<16xi32>,
    %swap3A_267 = vector.shape_cast %swap3A_266 : vector<16xi32> to vector<16xi32>
    %swap3A_268 = vector.shape_cast %or3A_264 : vector<16xi32> to vector<16xi32>
    tpu.vector_store %arg5[%swap3A_265], %swap3A_268 {strides = array<i32>} : memref<512xi32, #tpu.memory_space<vmem>>, vector<16xi32>,
    %get3A_269 = arith.constant 256 : index
    %get3A_270 = tpu.vector_load %arg5[%get3A_269] {strides = array<i32>} : memref<512xi32, #tpu.memory_space<vmem>>, vector<16xi32>,
    %get3A_271 = vector.shape_cast %get3A_270 : vector<16xi32> to vector<16xi32>
    %shift_right_arithmetic3A_272 = arith.constant 15 : i32
    %shift_right_arithmetic3A_273 = vector.broadcast %shift_right_arithmetic3A_272 : i32 to vector<16xi32>
    %shift_right_arithmetic3A_274 = arith.shrsi %get3A_271, %shift_right_arithmetic3A_273 : vector<16xi32>
    %shift_left3A_275 = arith.constant 13 : i32
    %shift_left3A_276 = vector.broadcast %shift_left3A_275 : i32 to vector<16xi32>
    %shift_left3A_277 = arith.shli %shift_right_arithmetic3A_274, %shift_left3A_276 : vector<16xi32>
    %and3A_278 = arith.constant 8191 : i32
    %and3A_279 = vector.broadcast %and3A_278 : i32 to vector<16xi32>
    %and3A_280 = arith.andi %get3A_271, %and3A_279 : vector<16xi32>
    %or3A_281 = arith.ori %shift_left3A_277, %and3A_280 : vector<16xi32>
    %swap3A_282 = arith.constant 256 : index
    %swap3A_283 = tpu.vector_load %arg5[%swap3A_282] {strides = array<i32>} : memref<512xi32, #tpu.memory_space<vmem>>, vector<16xi32>,
    %swap3A_284 = vector.shape_cast %swap3A_283 : vector<16xi32> to vector<16xi32>
    %swap3A_285 = vector.shape_cast %or3A_281 : vector<16xi32> to vector<16xi32>
    tpu.vector_store %arg5[%swap3A_282], %swap3A_285 {strides = array<i32>} : memref<512xi32, #tpu.memory_space<vmem>>, vector<16xi32>,
    %get3A_286 = arith.constant 272 : index
    %get3A_287 = tpu.vector_load %arg5[%get3A_286] {strides = array<i32>} : memref<512xi32, #tpu.memory_space<vmem>>, vector<16xi32>,
    %get3A_288 = vector.shape_cast %get3A_287 : vector<16xi32> to vector<16xi32>
    %shift_right_arithmetic3A_289 = arith.constant 15 : i32
    %shift_right_arithmetic3A_290 = vector.broadcast %shift_right_arithmetic3A_289 : i32 to vector<16xi32>
    %shift_right_arithmetic3A_291 = arith.shrsi %get3A_288, %shift_right_arithmetic3A_290 : vector<16xi32>
    %shift_left3A_292 = arith.constant 13 : i32
    %shift_left3A_293 = vector.broadcast %shift_left3A_292 : i32 to vector<16xi32>
    %shift_left3A_294 = arith.shli %shift_right_arithmetic3A_291, %shift_left3A_293 : vector<16xi32>
    %and3A_295 = arith.constant 8191 : i32
    %and3A_296 = vector.broadcast %and3A_295 : i32 to vector<16xi32>
    %and3A_297 = arith.andi %get3A_288, %and3A_296 : vector<16xi32>
    %or3A_298 = arith.ori %shift_left3A_294, %and3A_297 : vector<16xi32>
    %swap3A_299 = arith.constant 272 : index
    %swap3A_300 = tpu.vector_load %arg5[%swap3A_299] {strides = array<i32>} : memref<512xi32, #tpu.memory_space<vmem>>, vector<16xi32>,
    %swap3A_301 = vector.shape_cast %swap3A_300 : vector<16xi32> to vector<16xi32>
    %swap3A_302 = vector.shape_cast %or3A_298 : vector<16xi32> to vector<16xi32>
    tpu.vector_store %arg5[%swap3A_299], %swap3A_302 {strides = array<i32>} : memref<512xi32, #tpu.memory_space<vmem>>, vector<16xi32>,
    %get3A_303 = arith.constant 288 : index
    %get3A_304 = tpu.vector_load %arg5[%get3A_303] {strides = array<i32>} : memref<512xi32, #tpu.memory_space<vmem>>, vector<16xi32>,
    %get3A_305 = vector.shape_cast %get3A_304 : vector<16xi32> to vector<16xi32>
    %shift_right_arithmetic3A_306 = arith.constant 15 : i32
    %shift_right_arithmetic3A_307 = vector.broadcast %shift_right_arithmetic3A_306 : i32 to vector<16xi32>
    %shift_right_arithmetic3A_308 = arith.shrsi %get3A_305, %shift_right_arithmetic3A_307 : vector<16xi32>
    %shift_left3A_309 = arith.constant 13 : i32
    %shift_left3A_310 = vector.broadcast %shift_left3A_309 : i32 to vector<16xi32>
    %shift_left3A_311 = arith.shli %shift_right_arithmetic3A_308, %shift_left3A_310 : vector<16xi32>
    %and3A_312 = arith.constant 8191 : i32
    %and3A_313 = vector.broadcast %and3A_312 : i32 to vector<16xi32>
    %and3A_314 = arith.andi %get3A_305, %and3A_313 : vector<16xi32>
    %or3A_315 = arith.ori %shift_left3A_311, %and3A_314 : vector<16xi32>
    %swap3A_316 = arith.constant 288 : index
    %swap3A_317 = tpu.vector_load %arg5[%swap3A_316] {strides = array<i32>} : memref<512xi32, #tpu.memory_space<vmem>>, vector<16xi32>,
    %swap3A_318 = vector.shape_cast %swap3A_317 : vector<16xi32> to vector<16xi32>
    %swap3A_319 = vector.shape_cast %or3A_315 : vector<16xi32> to vector<16xi32>
    tpu.vector_store %arg5[%swap3A_316], %swap3A_319 {strides = array<i32>} : memref<512xi32, #tpu.memory_space<vmem>>, vector<16xi32>,
    %get3A_320 = arith.constant 304 : index
    %get3A_321 = tpu.vector_load %arg5[%get3A_320] {strides = array<i32>} : memref<512xi32, #tpu.memory_space<vmem>>, vector<16xi32>,
    %get3A_322 = vector.shape_cast %get3A_321 : vector<16xi32> to vector<16xi32>
    %shift_right_arithmetic3A_323 = arith.constant 15 : i32
    %shift_right_arithmetic3A_324 = vector.broadcast %shift_right_arithmetic3A_323 : i32 to vector<16xi32>
    %shift_right_arithmetic3A_325 = arith.shrsi %get3A_322, %shift_right_arithmetic3A_324 : vector<16xi32>
    %shift_left3A_326 = arith.constant 13 : i32
    %shift_left3A_327 = vector.broadcast %shift_left3A_326 : i32 to vector<16xi32>
    %shift_left3A_328 = arith.shli %shift_right_arithmetic3A_325, %shift_left3A_327 : vector<16xi32>
    %and3A_329 = arith.constant 8191 : i32
    %and3A_330 = vector.broadcast %and3A_329 : i32 to vector<16xi32>
    %and3A_331 = arith.andi %get3A_322, %and3A_330 : vector<16xi32>
    %or3A_332 = arith.ori %shift_left3A_328, %and3A_331 : vector<16xi32>
    %swap3A_333 = arith.constant 304 : index
    %swap3A_334 = tpu.vector_load %arg5[%swap3A_333] {strides = array<i32>} : memref<512xi32, #tpu.memory_space<vmem>>, vector<16xi32>,
    %swap3A_335 = vector.shape_cast %swap3A_334 : vector<16xi32> to vector<16xi32>
    %swap3A_336 = vector.shape_cast %or3A_332 : vector<16xi32> to vector<16xi32>
    tpu.vector_store %arg5[%swap3A_333], %swap3A_336 {strides = array<i32>} : memref<512xi32, #tpu.memory_space<vmem>>, vector<16xi32>,
    %get3A_337 = arith.constant 320 : index
    %get3A_338 = tpu.vector_load %arg5[%get3A_337] {strides = array<i32>} : memref<512xi32, #tpu.memory_space<vmem>>, vector<16xi32>,
    %get3A_339 = vector.shape_cast %get3A_338 : vector<16xi32> to vector<16xi32>
    %shift_right_arithmetic3A_340 = arith.constant 15 : i32
    %shift_right_arithmetic3A_341 = vector.broadcast %shift_right_arithmetic3A_340 : i32 to vector<16xi32>
    %shift_right_arithmetic3A_342 = arith.shrsi %get3A_339, %shift_right_arithmetic3A_341 : vector<16xi32>
    %shift_left3A_343 = arith.constant 13 : i32
    %shift_left3A_344 = vector.broadcast %shift_left3A_343 : i32 to vector<16xi32>
    %shift_left3A_345 = arith.shli %shift_right_arithmetic3A_342, %shift_left3A_344 : vector<16xi32>
    %and3A_346 = arith.constant 8191 : i32
    %and3A_347 = vector.broadcast %and3A_346 : i32 to vector<16xi32>
    %and3A_348 = arith.andi %get3A_339, %and3A_347 : vector<16xi32>
    %or3A_349 = arith.ori %shift_left3A_345, %and3A_348 : vector<16xi32>
    %swap3A_350 = arith.constant 320 : index
    %swap3A_351 = tpu.vector_load %arg5[%swap3A_350] {strides = array<i32>} : memref<512xi32, #tpu.memory_space<vmem>>, vector<16xi32>,
    %swap3A_352 = vector.shape_cast %swap3A_351 : vector<16xi32> to vector<16xi32>
    %swap3A_353 = vector.shape_cast %or3A_349 : vector<16xi32> to vector<16xi32>
    tpu.vector_store %arg5[%swap3A_350], %swap3A_353 {strides = array<i32>} : memref<512xi32, #tpu.memory_space<vmem>>, vector<16xi32>,
    %get3A_354 = arith.constant 336 : index
    %get3A_355 = tpu.vector_load %arg5[%get3A_354] {strides = array<i32>} : memref<512xi32, #tpu.memory_space<vmem>>, vector<16xi32>,
    %get3A_356 = vector.shape_cast %get3A_355 : vector<16xi32> to vector<16xi32>
    %shift_right_arithmetic3A_357 = arith.constant 15 : i32
    %shift_right_arithmetic3A_358 = vector.broadcast %shift_right_arithmetic3A_357 : i32 to vector<16xi32>
    %shift_right_arithmetic3A_359 = arith.shrsi %get3A_356, %shift_right_arithmetic3A_358 : vector<16xi32>
    %shift_left3A_360 = arith.constant 13 : i32
    %shift_left3A_361 = vector.broadcast %shift_left3A_360 : i32 to vector<16xi32>
    %shift_left3A_362 = arith.shli %shift_right_arithmetic3A_359, %shift_left3A_361 : vector<16xi32>
    %and3A_363 = arith.constant 8191 : i32
    %and3A_364 = vector.broadcast %and3A_363 : i32 to vector<16xi32>
    %and3A_365 = arith.andi %get3A_356, %and3A_364 : vector<16xi32>
    %or3A_366 = arith.ori %shift_left3A_362, %and3A_365 : vector<16xi32>
    %swap3A_367 = arith.constant 336 : index
    %swap3A_368 = tpu.vector_load %arg5[%swap3A_367] {strides = array<i32>} : memref<512xi32, #tpu.memory_space<vmem>>, vector<16xi32>,
    %swap3A_369 = vector.shape_cast %swap3A_368 : vector<16xi32> to vector<16xi32>
    %swap3A_370 = vector.shape_cast %or3A_366 : vector<16xi32> to vector<16xi32>
    tpu.vector_store %arg5[%swap3A_367], %swap3A_370 {strides = array<i32>} : memref<512xi32, #tpu.memory_space<vmem>>, vector<16xi32>,
    %get3A_371 = arith.constant 352 : index
    %get3A_372 = tpu.vector_load %arg5[%get3A_371] {strides = array<i32>} : memref<512xi32, #tpu.memory_space<vmem>>, vector<16xi32>,
    %get3A_373 = vector.shape_cast %get3A_372 : vector<16xi32> to vector<16xi32>
    %shift_right_arithmetic3A_374 = arith.constant 15 : i32
    %shift_right_arithmetic3A_375 = vector.broadcast %shift_right_arithmetic3A_374 : i32 to vector<16xi32>
    %shift_right_arithmetic3A_376 = arith.shrsi %get3A_373, %shift_right_arithmetic3A_375 : vector<16xi32>
    %shift_left3A_377 = arith.constant 13 : i32
    %shift_left3A_378 = vector.broadcast %shift_left3A_377 : i32 to vector<16xi32>
    %shift_left3A_379 = arith.shli %shift_right_arithmetic3A_376, %shift_left3A_378 : vector<16xi32>
    %and3A_380 = arith.constant 8191 : i32
    %and3A_381 = vector.broadcast %and3A_380 : i32 to vector<16xi32>
    %and3A_382 = arith.andi %get3A_373, %and3A_381 : vector<16xi32>
    %or3A_383 = arith.ori %shift_left3A_379, %and3A_382 : vector<16xi32>
    %swap3A_384 = arith.constant 352 : index
    %swap3A_385 = tpu.vector_load %arg5[%swap3A_384] {strides = array<i32>} : memref<512xi32, #tpu.memory_space<vmem>>, vector<16xi32>,
    %swap3A_386 = vector.shape_cast %swap3A_385 : vector<16xi32> to vector<16xi32>
    %swap3A_387 = vector.shape_cast %or3A_383 : vector<16xi32> to vector<16xi32>
    tpu.vector_store %arg5[%swap3A_384], %swap3A_387 {strides = array<i32>} : memref<512xi32, #tpu.memory_space<vmem>>, vector<16xi32>,
    %get3A_388 = arith.constant 368 : index
    %get3A_389 = tpu.vector_load %arg5[%get3A_388] {strides = array<i32>} : memref<512xi32, #tpu.memory_space<vmem>>, vector<16xi32>,
    %get3A_390 = vector.shape_cast %get3A_389 : vector<16xi32> to vector<16xi32>
    %shift_right_arithmetic3A_391 = arith.constant 15 : i32
    %shift_right_arithmetic3A_392 = vector.broadcast %shift_right_arithmetic3A_391 : i32 to vector<16xi32>
    %shift_right_arithmetic3A_393 = arith.shrsi %get3A_390, %shift_right_arithmetic3A_392 : vector<16xi32>
    %shift_left3A_394 = arith.constant 13 : i32
    %shift_left3A_395 = vector.broadcast %shift_left3A_394 : i32 to vector<16xi32>
    %shift_left3A_396 = arith.shli %shift_right_arithmetic3A_393, %shift_left3A_395 : vector<16xi32>
    %and3A_397 = arith.constant 8191 : i32
    %and3A_398 = vector.broadcast %and3A_397 : i32 to vector<16xi32>
    %and3A_399 = arith.andi %get3A_390, %and3A_398 : vector<16xi32>
    %or3A_400 = arith.ori %shift_left3A_396, %and3A_399 : vector<16xi32>
    %swap3A_401 = arith.constant 368 : index
    %swap3A_402 = tpu.vector_load %arg5[%swap3A_401] {strides = array<i32>} : memref<512xi32, #tpu.memory_space<vmem>>, vector<16xi32>,
    %swap3A_403 = vector.shape_cast %swap3A_402 : vector<16xi32> to vector<16xi32>
    %swap3A_404 = vector.shape_cast %or3A_400 : vector<16xi32> to vector<16xi32>
    tpu.vector_store %arg5[%swap3A_401], %swap3A_404 {strides = array<i32>} : memref<512xi32, #tpu.memory_space<vmem>>, vector<16xi32>,
    %get3A_405 = arith.constant 384 : index
    %get3A_406 = tpu.vector_load %arg5[%get3A_405] {strides = array<i32>} : memref<512xi32, #tpu.memory_space<vmem>>, vector<16xi32>,
    %get3A_407 = vector.shape_cast %get3A_406 : vector<16xi32> to vector<16xi32>
    %shift_right_arithmetic3A_408 = arith.constant 15 : i32
    %shift_right_arithmetic3A_409 = vector.broadcast %shift_right_arithmetic3A_408 : i32 to vector<16xi32>
    %shift_right_arithmetic3A_410 = arith.shrsi %get3A_407, %shift_right_arithmetic3A_409 : vector<16xi32>
    %shift_left3A_411 = arith.constant 13 : i32
    %shift_left3A_412 = vector.broadcast %shift_left3A_411 : i32 to vector<16xi32>
    %shift_left3A_413 = arith.shli %shift_right_arithmetic3A_410, %shift_left3A_412 : vector<16xi32>
    %and3A_414 = arith.constant 8191 : i32
    %and3A_415 = vector.broadcast %and3A_414 : i32 to vector<16xi32>
    %and3A_416 = arith.andi %get3A_407, %and3A_415 : vector<16xi32>
    %or3A_417 = arith.ori %shift_left3A_413, %and3A_416 : vector<16xi32>
    %swap3A_418 = arith.constant 384 : index
    %swap3A_419 = tpu.vector_load %arg5[%swap3A_418] {strides = array<i32>} : memref<512xi32, #tpu.memory_space<vmem>>, vector<16xi32>,
    %swap3A_420 = vector.shape_cast %swap3A_419 : vector<16xi32> to vector<16xi32>
    %swap3A_421 = vector.shape_cast %or3A_417 : vector<16xi32> to vector<16xi32>
    tpu.vector_store %arg5[%swap3A_418], %swap3A_421 {strides = array<i32>} : memref<512xi32, #tpu.memory_space<vmem>>, vector<16xi32>,
    %get3A_422 = arith.constant 400 : index
    %get3A_423 = tpu.vector_load %arg5[%get3A_422] {strides = array<i32>} : memref<512xi32, #tpu.memory_space<vmem>>, vector<16xi32>,
    %get3A_424 = vector.shape_cast %get3A_423 : vector<16xi32> to vector<16xi32>
    %shift_right_arithmetic3A_425 = arith.constant 15 : i32
    %shift_right_arithmetic3A_426 = vector.broadcast %shift_right_arithmetic3A_425 : i32 to vector<16xi32>
    %shift_right_arithmetic3A_427 = arith.shrsi %get3A_424, %shift_right_arithmetic3A_426 : vector<16xi32>
    %shift_left3A_428 = arith.constant 13 : i32
    %shift_left3A_429 = vector.broadcast %shift_left3A_428 : i32 to vector<16xi32>
    %shift_left3A_430 = arith.shli %shift_right_arithmetic3A_427, %shift_left3A_429 : vector<16xi32>
    %and3A_431 = arith.constant 8191 : i32
    %and3A_432 = vector.broadcast %and3A_431 : i32 to vector<16xi32>
    %and3A_433 = arith.andi %get3A_424, %and3A_432 : vector<16xi32>
    %or3A_434 = arith.ori %shift_left3A_430, %and3A_433 : vector<16xi32>
    %swap3A_435 = arith.constant 400 : index
    %swap3A_436 = tpu.vector_load %arg5[%swap3A_435] {strides = array<i32>} : memref<512xi32, #tpu.memory_space<vmem>>, vector<16xi32>,
    %swap3A_437 = vector.shape_cast %swap3A_436 : vector<16xi32> to vector<16xi32>
    %swap3A_438 = vector.shape_cast %or3A_434 : vector<16xi32> to vector<16xi32>
    tpu.vector_store %arg5[%swap3A_435], %swap3A_438 {strides = array<i32>} : memref<512xi32, #tpu.memory_space<vmem>>, vector<16xi32>,
    %get3A_439 = arith.constant 416 : index
    %get3A_440 = tpu.vector_load %arg5[%get3A_439] {strides = array<i32>} : memref<512xi32, #tpu.memory_space<vmem>>, vector<16xi32>,
    %get3A_441 = vector.shape_cast %get3A_440 : vector<16xi32> to vector<16xi32>
    %shift_right_arithmetic3A_442 = arith.constant 15 : i32
    %shift_right_arithmetic3A_443 = vector.broadcast %shift_right_arithmetic3A_442 : i32 to vector<16xi32>
    %shift_right_arithmetic3A_444 = arith.shrsi %get3A_441, %shift_right_arithmetic3A_443 : vector<16xi32>
    %shift_left3A_445 = arith.constant 13 : i32
    %shift_left3A_446 = vector.broadcast %shift_left3A_445 : i32 to vector<16xi32>
    %shift_left3A_447 = arith.shli %shift_right_arithmetic3A_444, %shift_left3A_446 : vector<16xi32>
    %and3A_448 = arith.constant 8191 : i32
    %and3A_449 = vector.broadcast %and3A_448 : i32 to vector<16xi32>
    %and3A_450 = arith.andi %get3A_441, %and3A_449 : vector<16xi32>
    %or3A_451 = arith.ori %shift_left3A_447, %and3A_450 : vector<16xi32>
    %swap3A_452 = arith.constant 416 : index
    %swap3A_453 = tpu.vector_load %arg5[%swap3A_452] {strides = array<i32>} : memref<512xi32, #tpu.memory_space<vmem>>, vector<16xi32>,
    %swap3A_454 = vector.shape_cast %swap3A_453 : vector<16xi32> to vector<16xi32>
    %swap3A_455 = vector.shape_cast %or3A_451 : vector<16xi32> to vector<16xi32>
    tpu.vector_store %arg5[%swap3A_452], %swap3A_455 {strides = array<i32>} : memref<512xi32, #tpu.memory_space<vmem>>, vector<16xi32>,
    %get3A_456 = arith.constant 432 : index
    %get3A_457 = tpu.vector_load %arg5[%get3A_456] {strides = array<i32>} : memref<512xi32, #tpu.memory_space<vmem>>, vector<16xi32>,
    %get3A_458 = vector.shape_cast %get3A_457 : vector<16xi32> to vector<16xi32>
    %shift_right_arithmetic3A_459 = arith.constant 15 : i32
    %shift_right_arithmetic3A_460 = vector.broadcast %shift_right_arithmetic3A_459 : i32 to vector<16xi32>
    %shift_right_arithmetic3A_461 = arith.shrsi %get3A_458, %shift_right_arithmetic3A_460 : vector<16xi32>
    %shift_left3A_462 = arith.constant 13 : i32
    %shift_left3A_463 = vector.broadcast %shift_left3A_462 : i32 to vector<16xi32>
    %shift_left3A_464 = arith.shli %shift_right_arithmetic3A_461, %shift_left3A_463 : vector<16xi32>
    %and3A_465 = arith.constant 8191 : i32
    %and3A_466 = vector.broadcast %and3A_465 : i32 to vector<16xi32>
    %and3A_467 = arith.andi %get3A_458, %and3A_466 : vector<16xi32>
    %or3A_468 = arith.ori %shift_left3A_464, %and3A_467 : vector<16xi32>
    %swap3A_469 = arith.constant 432 : index
    %swap3A_470 = tpu.vector_load %arg5[%swap3A_469] {strides = array<i32>} : memref<512xi32, #tpu.memory_space<vmem>>, vector<16xi32>,
    %swap3A_471 = vector.shape_cast %swap3A_470 : vector<16xi32> to vector<16xi32>
    %swap3A_472 = vector.shape_cast %or3A_468 : vector<16xi32> to vector<16xi32>
    tpu.vector_store %arg5[%swap3A_469], %swap3A_472 {strides = array<i32>} : memref<512xi32, #tpu.memory_space<vmem>>, vector<16xi32>,
    %get3A_473 = arith.constant 448 : index
    %get3A_474 = tpu.vector_load %arg5[%get3A_473] {strides = array<i32>} : memref<512xi32, #tpu.memory_space<vmem>>, vector<16xi32>,
    %get3A_475 = vector.shape_cast %get3A_474 : vector<16xi32> to vector<16xi32>
    %shift_right_arithmetic3A_476 = arith.constant 15 : i32
    %shift_right_arithmetic3A_477 = vector.broadcast %shift_right_arithmetic3A_476 : i32 to vector<16xi32>
    %shift_right_arithmetic3A_478 = arith.shrsi %get3A_475, %shift_right_arithmetic3A_477 : vector<16xi32>
    %shift_left3A_479 = arith.constant 13 : i32
    %shift_left3A_480 = vector.broadcast %shift_left3A_479 : i32 to vector<16xi32>
    %shift_left3A_481 = arith.shli %shift_right_arithmetic3A_478, %shift_left3A_480 : vector<16xi32>
    %and3A_482 = arith.constant 8191 : i32
    %and3A_483 = vector.broadcast %and3A_482 : i32 to vector<16xi32>
    %and3A_484 = arith.andi %get3A_475, %and3A_483 : vector<16xi32>
    %or3A_485 = arith.ori %shift_left3A_481, %and3A_484 : vector<16xi32>
    %swap3A_486 = arith.constant 448 : index
    %swap3A_487 = tpu.vector_load %arg5[%swap3A_486] {strides = array<i32>} : memref<512xi32, #tpu.memory_space<vmem>>, vector<16xi32>,
    %swap3A_488 = vector.shape_cast %swap3A_487 : vector<16xi32> to vector<16xi32>
    %swap3A_489 = vector.shape_cast %or3A_485 : vector<16xi32> to vector<16xi32>
    tpu.vector_store %arg5[%swap3A_486], %swap3A_489 {strides = array<i32>} : memref<512xi32, #tpu.memory_space<vmem>>, vector<16xi32>,
    %get3A_490 = arith.constant 464 : index
    %get3A_491 = tpu.vector_load %arg5[%get3A_490] {strides = array<i32>} : memref<512xi32, #tpu.memory_space<vmem>>, vector<16xi32>,
    %get3A_492 = vector.shape_cast %get3A_491 : vector<16xi32> to vector<16xi32>
    %shift_right_arithmetic3A_493 = arith.constant 15 : i32
    %shift_right_arithmetic3A_494 = vector.broadcast %shift_right_arithmetic3A_493 : i32 to vector<16xi32>
    %shift_right_arithmetic3A_495 = arith.shrsi %get3A_492, %shift_right_arithmetic3A_494 : vector<16xi32>
    %shift_left3A_496 = arith.constant 13 : i32
    %shift_left3A_497 = vector.broadcast %shift_left3A_496 : i32 to vector<16xi32>
    %shift_left3A_498 = arith.shli %shift_right_arithmetic3A_495, %shift_left3A_497 : vector<16xi32>
    %and3A_499 = arith.constant 8191 : i32
    %and3A_500 = vector.broadcast %and3A_499 : i32 to vector<16xi32>
    %and3A_501 = arith.andi %get3A_492, %and3A_500 : vector<16xi32>
    %or3A_502 = arith.ori %shift_left3A_498, %and3A_501 : vector<16xi32>
    %swap3A_503 = arith.constant 464 : index
    %swap3A_504 = tpu.vector_load %arg5[%swap3A_503] {strides = array<i32>} : memref<512xi32, #tpu.memory_space<vmem>>, vector<16xi32>,
    %swap3A_505 = vector.shape_cast %swap3A_504 : vector<16xi32> to vector<16xi32>
    %swap3A_506 = vector.shape_cast %or3A_502 : vector<16xi32> to vector<16xi32>
    tpu.vector_store %arg5[%swap3A_503], %swap3A_506 {strides = array<i32>} : memref<512xi32, #tpu.memory_space<vmem>>, vector<16xi32>,
    %get3A_507 = arith.constant 480 : index
    %get3A_508 = tpu.vector_load %arg5[%get3A_507] {strides = array<i32>} : memref<512xi32, #tpu.memory_space<vmem>>, vector<16xi32>,
    %get3A_509 = vector.shape_cast %get3A_508 : vector<16xi32> to vector<16xi32>
    %shift_right_arithmetic3A_510 = arith.constant 15 : i32
    %shift_right_arithmetic3A_511 = vector.broadcast %shift_right_arithmetic3A_510 : i32 to vector<16xi32>
    %shift_right_arithmetic3A_512 = arith.shrsi %get3A_509, %shift_right_arithmetic3A_511 : vector<16xi32>
    %shift_left3A_513 = arith.constant 13 : i32
    %shift_left3A_514 = vector.broadcast %shift_left3A_513 : i32 to vector<16xi32>
    %shift_left3A_515 = arith.shli %shift_right_arithmetic3A_512, %shift_left3A_514 : vector<16xi32>
    %and3A_516 = arith.constant 8191 : i32
    %and3A_517 = vector.broadcast %and3A_516 : i32 to vector<16xi32>
    %and3A_518 = arith.andi %get3A_509, %and3A_517 : vector<16xi32>
    %or3A_519 = arith.ori %shift_left3A_515, %and3A_518 : vector<16xi32>
    %swap3A_520 = arith.constant 480 : index
    %swap3A_521 = tpu.vector_load %arg5[%swap3A_520] {strides = array<i32>} : memref<512xi32, #tpu.memory_space<vmem>>, vector<16xi32>,
    %swap3A_522 = vector.shape_cast %swap3A_521 : vector<16xi32> to vector<16xi32>
    %swap3A_523 = vector.shape_cast %or3A_519 : vector<16xi32> to vector<16xi32>
    tpu.vector_store %arg5[%swap3A_520], %swap3A_523 {strides = array<i32>} : memref<512xi32, #tpu.memory_space<vmem>>, vector<16xi32>,
    %get3A_524 = arith.constant 496 : index
    %get3A_525 = tpu.vector_load %arg5[%get3A_524] {strides = array<i32>} : memref<512xi32, #tpu.memory_space<vmem>>, vector<16xi32>,
    %get3A_526 = vector.shape_cast %get3A_525 : vector<16xi32> to vector<16xi32>
    %shift_right_arithmetic3A_527 = arith.constant 15 : i32
    %shift_right_arithmetic3A_528 = vector.broadcast %shift_right_arithmetic3A_527 : i32 to vector<16xi32>
    %shift_right_arithmetic3A_529 = arith.shrsi %get3A_526, %shift_right_arithmetic3A_528 : vector<16xi32>
    %shift_left3A_530 = arith.constant 13 : i32
    %shift_left3A_531 = vector.broadcast %shift_left3A_530 : i32 to vector<16xi32>
    %shift_left3A_532 = arith.shli %shift_right_arithmetic3A_529, %shift_left3A_531 : vector<16xi32>
    %and3A_533 = arith.constant 8191 : i32
    %and3A_534 = vector.broadcast %and3A_533 : i32 to vector<16xi32>
    %and3A_535 = arith.andi %get3A_526, %and3A_534 : vector<16xi32>
    %or3A_536 = arith.ori %shift_left3A_532, %and3A_535 : vector<16xi32>
    %swap3A_537 = arith.constant 496 : index
    %swap3A_538 = tpu.vector_load %arg5[%swap3A_537] {strides = array<i32>} : memref<512xi32, #tpu.memory_space<vmem>>, vector<16xi32>,
    %swap3A_539 = vector.shape_cast %swap3A_538 : vector<16xi32> to vector<16xi32>
    %swap3A_540 = vector.shape_cast %or3A_536 : vector<16xi32> to vector<16xi32>
    tpu.vector_store %arg5[%swap3A_537], %swap3A_540 {strides = array<i32>} : memref<512xi32, #tpu.memory_space<vmem>>, vector<16xi32>,
    %dma_start3A = arith.constant 0 : i32
    %dma_start3A_541 = tpu.memref_slice %arg5[%dma_start3A] : memref<512xi32, #tpu.memory_space<vmem>> -> memref<128xi32, #tpu.memory_space<vmem>>
    %dma_start3A_542 = arith.constant 0 : i32
    %dma_start3A_543 = arith.constant 0 : i32
    %dma_start3A_544 = tpu.memref_slice %arg2[%dma_start3A_542, %dma_start3A_543] : memref<32768x128xf32, #tpu.memory_space<hbm>> -> memref<32768x128xf32, #tpu.memory_space<hbm>>
    tpu.enqueue_indirect_dma source(%dma_start3A_544 : memref<32768x128xf32, #tpu.memory_space<hbm>>) target(%arg6 : memref<128x128xf32, #tpu.memory_space<vmem>>) offsets(%dma_start3A_541 : memref<128xi32, #tpu.memory_space<vmem>>) semaphore(%arg8 : memref<!tpu.dma_semaphore, #tpu.memory_space<semaphore_mem>>)
    %dma_start3A_545 = arith.constant 128 : i32
    %dma_start3A_546 = tpu.memref_slice %arg5[%dma_start3A_545] : memref<512xi32, #tpu.memory_space<vmem>> -> memref<128xi32, #tpu.memory_space<vmem>>
    %dma_start3A_547 = arith.constant 0 : i32
    %dma_start3A_548 = arith.constant 0 : i32
    %dma_start3A_549 = tpu.memref_slice %arg2[%dma_start3A_547, %dma_start3A_548] : memref<32768x128xf32, #tpu.memory_space<hbm>> -> memref<32768x128xf32, #tpu.memory_space<hbm>>
    tpu.enqueue_indirect_dma source(%dma_start3A_549 : memref<32768x128xf32, #tpu.memory_space<hbm>>) target(%arg7 : memref<128x128xf32, #tpu.memory_space<vmem>>) offsets(%dma_start3A_546 : memref<128xi32, #tpu.memory_space<vmem>>) semaphore(%arg9 : memref<!tpu.dma_semaphore, #tpu.memory_space<semaphore_mem>>)
    %dma_wait3A = arith.constant 0 : i32
    %dma_wait3A_550 = tpu.memref_slice %arg5[%dma_wait3A] : memref<512xi32, #tpu.memory_space<vmem>> -> memref<128xi32, #tpu.memory_space<vmem>>
    %dma_wait3A_551 = arith.constant 0 : i32
    %dma_wait3A_552 = arith.constant 0 : i32
    %dma_wait3A_553 = tpu.memref_slice %arg2[%dma_wait3A_551, %dma_wait3A_552] : memref<32768x128xf32, #tpu.memory_space<hbm>> -> memref<32768x128xf32, #tpu.memory_space<hbm>>
    tpu.wait_indirect_dma semaphore(%arg8 : memref<!tpu.dma_semaphore, #tpu.memory_space<semaphore_mem>>) src(%dma_wait3A_553 : memref<32768x128xf32, #tpu.memory_space<hbm>>) dst(%arg6 : memref<128x128xf32, #tpu.memory_space<vmem>>)
    %add3A_554 = arith.constant 0 : i32
    %add3A_555 = arith.addi %mul3A_2, %add3A_554 : i32
    %dma_start3A_556 = arith.constant 0 : i32
    %dma_start3A_557 = tpu.memref_slice %arg4[%add3A_555, %dma_start3A_556] : memref<16384x128xf32, #tpu.memory_space<hbm>> -> memref<128x128xf32, #tpu.memory_space<hbm>>
    %dma_start3A_558 = arith.constant 0 : i32
    %dma_start3A_559 = tpu.memref_slice %arg4[%add3A_555, %dma_start3A_558] : memref<16384x128xf32, #tpu.memory_space<hbm>> -> memref<128x128xf32, #tpu.memory_space<hbm>>
    tpu.enqueue_dma source(%arg6 : memref<128x128xf32, #tpu.memory_space<vmem>>) target(%dma_start3A_559 : memref<128x128xf32, #tpu.memory_space<hbm>>) target_semaphore(%arg10 : memref<!tpu.dma_semaphore, #tpu.memory_space<semaphore_mem>>)
    %dma_wait3A_560 = arith.constant 0 : i32
    %dma_wait3A_561 = tpu.memref_slice %arg4[%add3A_555, %dma_wait3A_560] : memref<16384x128xf32, #tpu.memory_space<hbm>> -> memref<128x128xf32, #tpu.memory_space<hbm>>
    %dma_wait3A_562 = arith.constant 0 : i32
    %dma_wait3A_563 = tpu.memref_slice %arg4[%add3A_555, %dma_wait3A_562] : memref<16384x128xf32, #tpu.memory_space<hbm>> -> memref<128x128xf32, #tpu.memory_space<hbm>>
    tpu.wait_dma2 semaphore(%arg10 : memref<!tpu.dma_semaphore, #tpu.memory_space<semaphore_mem>>) src(%arg6 : memref<128x128xf32, #tpu.memory_space<vmem>>) dst(%dma_wait3A_563 : memref<128x128xf32, #tpu.memory_space<hbm>>)
    %dma_start3A_564 = arith.constant 256 : i32
    %dma_start3A_565 = tpu.memref_slice %arg5[%dma_start3A_564] : memref<512xi32, #tpu.memory_space<vmem>> -> memref<128xi32, #tpu.memory_space<vmem>>
    %dma_start3A_566 = arith.constant 0 : i32
    %dma_start3A_567 = arith.constant 0 : i32
    %dma_start3A_568 = tpu.memref_slice %arg2[%dma_start3A_566, %dma_start3A_567] : memref<32768x128xf32, #tpu.memory_space<hbm>> -> memref<32768x128xf32, #tpu.memory_space<hbm>>
    tpu.enqueue_indirect_dma source(%dma_start3A_568 : memref<32768x128xf32, #tpu.memory_space<hbm>>) target(%arg6 : memref<128x128xf32, #tpu.memory_space<vmem>>) offsets(%dma_start3A_565 : memref<128xi32, #tpu.memory_space<vmem>>) semaphore(%arg8 : memref<!tpu.dma_semaphore, #tpu.memory_space<semaphore_mem>>)
    %dma_wait3A_569 = arith.constant 128 : i32
    %dma_wait3A_570 = tpu.memref_slice %arg5[%dma_wait3A_569] : memref<512xi32, #tpu.memory_space<vmem>> -> memref<128xi32, #tpu.memory_space<vmem>>
    %dma_wait3A_571 = arith.constant 0 : i32
    %dma_wait3A_572 = arith.constant 0 : i32
    %dma_wait3A_573 = tpu.memref_slice %arg2[%dma_wait3A_571, %dma_wait3A_572] : memref<32768x128xf32, #tpu.memory_space<hbm>> -> memref<32768x128xf32, #tpu.memory_space<hbm>>
    tpu.wait_indirect_dma semaphore(%arg9 : memref<!tpu.dma_semaphore, #tpu.memory_space<semaphore_mem>>) src(%dma_wait3A_573 : memref<32768x128xf32, #tpu.memory_space<hbm>>) dst(%arg7 : memref<128x128xf32, #tpu.memory_space<vmem>>)
    %add3A_574 = arith.constant 128 : i32
    %add3A_575 = arith.addi %mul3A_2, %add3A_574 : i32
    %dma_start3A_576 = arith.constant 0 : i32
    %dma_start3A_577 = tpu.memref_slice %arg4[%add3A_575, %dma_start3A_576] : memref<16384x128xf32, #tpu.memory_space<hbm>> -> memref<128x128xf32, #tpu.memory_space<hbm>>
    %dma_start3A_578 = arith.constant 0 : i32
    %dma_start3A_579 = tpu.memref_slice %arg4[%add3A_575, %dma_start3A_578] : memref<16384x128xf32, #tpu.memory_space<hbm>> -> memref<128x128xf32, #tpu.memory_space<hbm>>
    tpu.enqueue_dma source(%arg7 : memref<128x128xf32, #tpu.memory_space<vmem>>) target(%dma_start3A_579 : memref<128x128xf32, #tpu.memory_space<hbm>>) target_semaphore(%arg11 : memref<!tpu.dma_semaphore, #tpu.memory_space<semaphore_mem>>)
    %dma_wait3A_580 = arith.constant 0 : i32
    %dma_wait3A_581 = tpu.memref_slice %arg4[%add3A_575, %dma_wait3A_580] : memref<16384x128xf32, #tpu.memory_space<hbm>> -> memref<128x128xf32, #tpu.memory_space<hbm>>
    %dma_wait3A_582 = arith.constant 0 : i32
    %dma_wait3A_583 = tpu.memref_slice %arg4[%add3A_575, %dma_wait3A_582] : memref<16384x128xf32, #tpu.memory_space<hbm>> -> memref<128x128xf32, #tpu.memory_space<hbm>>
    tpu.wait_dma2 semaphore(%arg11 : memref<!tpu.dma_semaphore, #tpu.memory_space<semaphore_mem>>) src(%arg7 : memref<128x128xf32, #tpu.memory_space<vmem>>) dst(%dma_wait3A_583 : memref<128x128xf32, #tpu.memory_space<hbm>>)
    %dma_start3A_584 = arith.constant 384 : i32
    %dma_start3A_585 = tpu.memref_slice %arg5[%dma_start3A_584] : memref<512xi32, #tpu.memory_space<vmem>> -> memref<128xi32, #tpu.memory_space<vmem>>
    %dma_start3A_586 = arith.constant 0 : i32
    %dma_start3A_587 = arith.constant 0 : i32
    %dma_start3A_588 = tpu.memref_slice %arg2[%dma_start3A_586, %dma_start3A_587] : memref<32768x128xf32, #tpu.memory_space<hbm>> -> memref<32768x128xf32, #tpu.memory_space<hbm>>
    tpu.enqueue_indirect_dma source(%dma_start3A_588 : memref<32768x128xf32, #tpu.memory_space<hbm>>) target(%arg7 : memref<128x128xf32, #tpu.memory_space<vmem>>) offsets(%dma_start3A_585 : memref<128xi32, #tpu.memory_space<vmem>>) semaphore(%arg9 : memref<!tpu.dma_semaphore, #tpu.memory_space<semaphore_mem>>)
    %dma_wait3A_589 = arith.constant 256 : i32
    %dma_wait3A_590 = tpu.memref_slice %arg5[%dma_wait3A_589] : memref<512xi32, #tpu.memory_space<vmem>> -> memref<128xi32, #tpu.memory_space<vmem>>
    %dma_wait3A_591 = arith.constant 0 : i32
    %dma_wait3A_592 = arith.constant 0 : i32
    %dma_wait3A_593 = tpu.memref_slice %arg2[%dma_wait3A_591, %dma_wait3A_592] : memref<32768x128xf32, #tpu.memory_space<hbm>> -> memref<32768x128xf32, #tpu.memory_space<hbm>>
    tpu.wait_indirect_dma semaphore(%arg8 : memref<!tpu.dma_semaphore, #tpu.memory_space<semaphore_mem>>) src(%dma_wait3A_593 : memref<32768x128xf32, #tpu.memory_space<hbm>>) dst(%arg6 : memref<128x128xf32, #tpu.memory_space<vmem>>)
    %add3A_594 = arith.constant 256 : i32
    %add3A_595 = arith.addi %mul3A_2, %add3A_594 : i32
    %dma_start3A_596 = arith.constant 0 : i32
    %dma_start3A_597 = tpu.memref_slice %arg4[%add3A_595, %dma_start3A_596] : memref<16384x128xf32, #tpu.memory_space<hbm>> -> memref<128x128xf32, #tpu.memory_space<hbm>>
    %dma_start3A_598 = arith.constant 0 : i32
    %dma_start3A_599 = tpu.memref_slice %arg4[%add3A_595, %dma_start3A_598] : memref<16384x128xf32, #tpu.memory_space<hbm>> -> memref<128x128xf32, #tpu.memory_space<hbm>>
    tpu.enqueue_dma source(%arg6 : memref<128x128xf32, #tpu.memory_space<vmem>>) target(%dma_start3A_599 : memref<128x128xf32, #tpu.memory_space<hbm>>) target_semaphore(%arg10 : memref<!tpu.dma_semaphore, #tpu.memory_space<semaphore_mem>>)
    %dma_wait3A_600 = arith.constant 384 : i32
    %dma_wait3A_601 = tpu.memref_slice %arg5[%dma_wait3A_600] : memref<512xi32, #tpu.memory_space<vmem>> -> memref<128xi32, #tpu.memory_space<vmem>>
    %dma_wait3A_602 = arith.constant 0 : i32
    %dma_wait3A_603 = arith.constant 0 : i32
    %dma_wait3A_604 = tpu.memref_slice %arg2[%dma_wait3A_602, %dma_wait3A_603] : memref<32768x128xf32, #tpu.memory_space<hbm>> -> memref<32768x128xf32, #tpu.memory_space<hbm>>
    tpu.wait_indirect_dma semaphore(%arg9 : memref<!tpu.dma_semaphore, #tpu.memory_space<semaphore_mem>>) src(%dma_wait3A_604 : memref<32768x128xf32, #tpu.memory_space<hbm>>) dst(%arg7 : memref<128x128xf32, #tpu.memory_space<vmem>>)
    %add3A_605 = arith.constant 384 : i32
    %add3A_606 = arith.addi %mul3A_2, %add3A_605 : i32
    %dma_start3A_607 = arith.constant 0 : i32
    %dma_start3A_608 = tpu.memref_slice %arg4[%add3A_606, %dma_start3A_607] : memref<16384x128xf32, #tpu.memory_space<hbm>> -> memref<128x128xf32, #tpu.memory_space<hbm>>
    %dma_start3A_609 = arith.constant 0 : i32
    %dma_start3A_610 = tpu.memref_slice %arg4[%add3A_606, %dma_start3A_609] : memref<16384x128xf32, #tpu.memory_space<hbm>> -> memref<128x128xf32, #tpu.memory_space<hbm>>
    tpu.enqueue_dma source(%arg7 : memref<128x128xf32, #tpu.memory_space<vmem>>) target(%dma_start3A_610 : memref<128x128xf32, #tpu.memory_space<hbm>>) target_semaphore(%arg11 : memref<!tpu.dma_semaphore, #tpu.memory_space<semaphore_mem>>)
    %dma_wait3A_611 = arith.constant 0 : i32
    %dma_wait3A_612 = tpu.memref_slice %arg4[%add3A_595, %dma_wait3A_611] : memref<16384x128xf32, #tpu.memory_space<hbm>> -> memref<128x128xf32, #tpu.memory_space<hbm>>
    %dma_wait3A_613 = arith.constant 0 : i32
    %dma_wait3A_614 = tpu.memref_slice %arg4[%add3A_595, %dma_wait3A_613] : memref<16384x128xf32, #tpu.memory_space<hbm>> -> memref<128x128xf32, #tpu.memory_space<hbm>>
    tpu.wait_dma2 semaphore(%arg10 : memref<!tpu.dma_semaphore, #tpu.memory_space<semaphore_mem>>) src(%arg6 : memref<128x128xf32, #tpu.memory_space<vmem>>) dst(%dma_wait3A_614 : memref<128x128xf32, #tpu.memory_space<hbm>>)
    %dma_wait3A_615 = arith.constant 0 : i32
    %dma_wait3A_616 = tpu.memref_slice %arg4[%add3A_606, %dma_wait3A_615] : memref<16384x128xf32, #tpu.memory_space<hbm>> -> memref<128x128xf32, #tpu.memory_space<hbm>>
    %dma_wait3A_617 = arith.constant 0 : i32
    %dma_wait3A_618 = tpu.memref_slice %arg4[%add3A_606, %dma_wait3A_617] : memref<16384x128xf32, #tpu.memory_space<hbm>> -> memref<128x128xf32, #tpu.memory_space<hbm>>
    tpu.wait_dma2 semaphore(%arg11 : memref<!tpu.dma_semaphore, #tpu.memory_space<semaphore_mem>>) src(%arg7 : memref<128x128xf32, #tpu.memory_space<vmem>>) dst(%dma_wait3A_618 : memref<128x128xf32, #tpu.memory_space<hbm>>)
    return
  }
}

module attributes {stable_mosaic.version = 14 : i64} {
  func.func @_transpose_pack_body(%arg0: i32, %arg1: memref<32x8192xf32, #tpu.memory_space<vmem>>, %arg2: memref<32x8192xf32, #tpu.memory_space<vmem>>, %arg3: memref<32x8192xf32, #tpu.memory_space<vmem>>, %arg4: memref<32x8192xf32, #tpu.memory_space<vmem>>, %arg5: memref<256x128xbf16, #tpu.memory_space<vmem>>, %arg6: memref<8192x128xf32, #tpu.memory_space<vmem>>) attributes {dimension_semantics = [#tpu.dimension_semantics<arbitrary>], iteration_bounds = array<i64: 4>, scalar_prefetch = 0 : i64, scratch_operands = 0 : i64, tpu.core_type = #tpu.core_type<tc>, window_params = [{transform_indices = @transform_0, window_bounds = array<i64: 32, 8192>}, {transform_indices = @transform_1, window_bounds = array<i64: 32, 8192>}, {transform_indices = @transform_2, window_bounds = array<i64: 32, 8192>}, {transform_indices = @transform_3, window_bounds = array<i64: 32, 8192>}, {pipeline_mode = #tpu.pipeline_mode<synchronous>, transform_indices = @transform_4, window_bounds = array<i64: 256, 128>}, {transform_indices = @transform_5, window_bounds = array<i64: 8192, 128>}]} {
    %get3A = arith.constant 0 : index
    %get3A_0 = arith.constant 0 : index
    %get3A_1 = vector.load %arg1[%get3A, %get3A_0] : memref<32x8192xf32, #tpu.memory_space<vmem>>, vector<32x8192xf32>
    %convert_element_type3A = arith.truncf %get3A_1 : vector<32x8192xf32> to vector<32x8192xbf16>
    %convert_element_type3A_2 = arith.extf %convert_element_type3A : vector<32x8192xbf16> to vector<32x8192xf32>
    %sub3A = arith.subf %get3A_1, %convert_element_type3A_2 : vector<32x8192xf32>
    %convert_element_type3A_3 = arith.truncf %sub3A : vector<32x8192xf32> to vector<32x8192xbf16>
    %get3A_4 = arith.constant 0 : index
    %get3A_5 = arith.constant 0 : index
    %get3A_6 = vector.load %arg2[%get3A_4, %get3A_5] : memref<32x8192xf32, #tpu.memory_space<vmem>>, vector<32x8192xf32>
    %convert_element_type3A_7 = arith.truncf %get3A_6 : vector<32x8192xf32> to vector<32x8192xbf16>
    %convert_element_type3A_8 = arith.extf %convert_element_type3A_7 : vector<32x8192xbf16> to vector<32x8192xf32>
    %sub3A_9 = arith.subf %get3A_6, %convert_element_type3A_8 : vector<32x8192xf32>
    %convert_element_type3A_10 = arith.truncf %sub3A_9 : vector<32x8192xf32> to vector<32x8192xbf16>
    %get3A_11 = arith.constant 0 : index
    %get3A_12 = arith.constant 0 : index
    %get3A_13 = vector.load %arg3[%get3A_11, %get3A_12] : memref<32x8192xf32, #tpu.memory_space<vmem>>, vector<32x8192xf32>
    %convert_element_type3A_14 = arith.truncf %get3A_13 : vector<32x8192xf32> to vector<32x8192xbf16>
    %convert_element_type3A_15 = arith.extf %convert_element_type3A_14 : vector<32x8192xbf16> to vector<32x8192xf32>
    %sub3A_16 = arith.subf %get3A_13, %convert_element_type3A_15 : vector<32x8192xf32>
    %convert_element_type3A_17 = arith.truncf %sub3A_16 : vector<32x8192xf32> to vector<32x8192xbf16>
    %get3A_18 = arith.constant 0 : index
    %get3A_19 = arith.constant 0 : index
    %get3A_20 = vector.load %arg4[%get3A_18, %get3A_19] : memref<32x8192xf32, #tpu.memory_space<vmem>>, vector<32x8192xf32>
    %convert_element_type3A_21 = arith.truncf %get3A_20 : vector<32x8192xf32> to vector<32x8192xbf16>
    %convert_element_type3A_22 = arith.extf %convert_element_type3A_21 : vector<32x8192xbf16> to vector<32x8192xf32>
    %sub3A_23 = arith.subf %get3A_20, %convert_element_type3A_22 : vector<32x8192xf32>
    %convert_element_type3A_24 = arith.truncf %sub3A_23 : vector<32x8192xf32> to vector<32x8192xbf16>
    %concatenate3A = tpu.concatenate %convert_element_type3A, %convert_element_type3A_7, %convert_element_type3A_14, %convert_element_type3A_21, %convert_element_type3A_3, %convert_element_type3A_10, %convert_element_type3A_17, %convert_element_type3A_24 in 0 : vector<32x8192xbf16>, vector<32x8192xbf16>, vector<32x8192xbf16>, vector<32x8192xbf16>, vector<32x8192xbf16>, vector<32x8192xbf16>, vector<32x8192xbf16>, vector<32x8192xbf16> -> vector<256x8192xbf16>
    %get3A_25 = arith.constant 0 : index
    %get3A_26 = arith.constant 0 : index
    %get3A_27 = vector.load %arg5[%get3A_25, %get3A_26] : memref<256x128xbf16, #tpu.memory_space<vmem>>, vector<256x128xbf16>
    %dot_general3A = arith.constant dense<0.000000e+00> : vector<8192x128xf32>
    %dot_general3A_28 = tpu.matmul %concatenate3A, %get3A_27, %dot_general3A {dimension_numbers = #tpu.dot_dimension_numbers<[0], [0], [1], [1], [0, 1, 1, 1], [], []>, transpose_lhs_hint = false} : vector<256x8192xbf16>, vector<256x128xbf16>, vector<8192x128xf32> -> vector<8192x128xf32>
    %swap3A = arith.constant 0 : index
    %swap3A_29 = arith.constant 0 : index
    %swap3A_30 = vector.load %arg6[%swap3A, %swap3A_29] : memref<8192x128xf32, #tpu.memory_space<vmem>>, vector<8192x128xf32>
    tpu.vector_store %arg6[%swap3A, %swap3A_29], %dot_general3A_28 {strides = array<i32>} : memref<8192x128xf32, #tpu.memory_space<vmem>>, vector<8192x128xf32>,
    return
  }
  func.func @transform_0(%arg0: i32) -> (i32, i32) {
    %mul3A = arith.constant 4 : i32
    %mul3A_0 = arith.muli %mul3A, %arg0 : i32
    %add3A = arith.constant 0 : i32
    %add3A_1 = arith.addi %mul3A_0, %add3A : i32
    %min3A = arith.constant 12 : i32
    %min3A_2 = arith.minsi %add3A_1, %min3A : i32
    %c0_i32 = arith.constant 0 : i32
    %c0_i32_3 = arith.constant 0 : i32
    return %c0_i32, %min3A_2 : i32, i32
  }
  func.func @transform_1(%arg0: i32) -> (i32, i32) {
    %mul3A = arith.constant 4 : i32
    %mul3A_0 = arith.muli %mul3A, %arg0 : i32
    %add3A = arith.constant 1 : i32
    %add3A_1 = arith.addi %mul3A_0, %add3A : i32
    %min3A = arith.constant 12 : i32
    %min3A_2 = arith.minsi %add3A_1, %min3A : i32
    %c0_i32 = arith.constant 0 : i32
    %c0_i32_3 = arith.constant 0 : i32
    return %c0_i32, %min3A_2 : i32, i32
  }
  func.func @transform_2(%arg0: i32) -> (i32, i32) {
    %mul3A = arith.constant 4 : i32
    %mul3A_0 = arith.muli %mul3A, %arg0 : i32
    %add3A = arith.constant 2 : i32
    %add3A_1 = arith.addi %mul3A_0, %add3A : i32
    %min3A = arith.constant 12 : i32
    %min3A_2 = arith.minsi %add3A_1, %min3A : i32
    %c0_i32 = arith.constant 0 : i32
    %c0_i32_3 = arith.constant 0 : i32
    return %c0_i32, %min3A_2 : i32, i32
  }
  func.func @transform_3(%arg0: i32) -> (i32, i32) {
    %mul3A = arith.constant 4 : i32
    %mul3A_0 = arith.muli %mul3A, %arg0 : i32
    %add3A = arith.constant 3 : i32
    %add3A_1 = arith.addi %mul3A_0, %add3A : i32
    %min3A = arith.constant 12 : i32
    %min3A_2 = arith.minsi %add3A_1, %min3A : i32
    %c0_i32 = arith.constant 0 : i32
    %c0_i32_3 = arith.constant 0 : i32
    return %c0_i32, %min3A_2 : i32, i32
  }
  func.func @transform_4(%arg0: i32) -> (i32, i32) {
    %c0_i32 = arith.constant 0 : i32
    %c0_i32_0 = arith.constant 0 : i32
    %c0_i32_1 = arith.constant 0 : i32
    return %c0_i32, %c0_i32_0 : i32, i32
  }
  func.func @transform_5(%arg0: i32) -> (i32, i32) {
    %c0_i32 = arith.constant 0 : i32
    %c0_i32_0 = arith.constant 0 : i32
    return %arg0, %c0_i32 : i32, i32
  }
}

module attributes {stable_mosaic.version = 14 : i64} {
  func.func @_transpose_pack_body(%arg0: i32, %arg1: memref<32x8192xf32, #tpu.memory_space<vmem>>, %arg2: memref<32x8192xf32, #tpu.memory_space<vmem>>, %arg3: memref<32x8192xf32, #tpu.memory_space<vmem>>, %arg4: memref<32x8192xf32, #tpu.memory_space<vmem>>, %arg5: memref<256x128xbf16, #tpu.memory_space<vmem>>, %arg6: memref<8192x128xf32, #tpu.memory_space<vmem>>) attributes {dimension_semantics = [#tpu.dimension_semantics<arbitrary>], iteration_bounds = array<i64: 31>, scalar_prefetch = 0 : i64, scratch_operands = 0 : i64, tpu.core_type = #tpu.core_type<tc>, window_params = [{transform_indices = @transform_0, window_bounds = array<i64: 32, 8192>}, {transform_indices = @transform_1, window_bounds = array<i64: 32, 8192>}, {transform_indices = @transform_2, window_bounds = array<i64: 32, 8192>}, {transform_indices = @transform_3, window_bounds = array<i64: 32, 8192>}, {pipeline_mode = #tpu.pipeline_mode<synchronous>, transform_indices = @transform_4, window_bounds = array<i64: 256, 128>}, {transform_indices = @transform_5, window_bounds = array<i64: 8192, 128>}]} {
    %get3A = arith.constant 0 : index
    %get3A_0 = arith.constant 0 : index
    %get3A_1 = vector.load %arg1[%get3A, %get3A_0] : memref<32x8192xf32, #tpu.memory_space<vmem>>, vector<32x8192xf32>
    %convert_element_type3A = arith.truncf %get3A_1 : vector<32x8192xf32> to vector<32x8192xbf16>
    %convert_element_type3A_2 = arith.extf %convert_element_type3A : vector<32x8192xbf16> to vector<32x8192xf32>
    %sub3A = arith.subf %get3A_1, %convert_element_type3A_2 : vector<32x8192xf32>
    %convert_element_type3A_3 = arith.truncf %sub3A : vector<32x8192xf32> to vector<32x8192xbf16>
    %get3A_4 = arith.constant 0 : index
    %get3A_5 = arith.constant 0 : index
    %get3A_6 = vector.load %arg2[%get3A_4, %get3A_5] : memref<32x8192xf32, #tpu.memory_space<vmem>>, vector<32x8192xf32>
    %convert_element_type3A_7 = arith.truncf %get3A_6 : vector<32x8192xf32> to vector<32x8192xbf16>
    %convert_element_type3A_8 = arith.extf %convert_element_type3A_7 : vector<32x8192xbf16> to vector<32x8192xf32>
    %sub3A_9 = arith.subf %get3A_6, %convert_element_type3A_8 : vector<32x8192xf32>
    %convert_element_type3A_10 = arith.truncf %sub3A_9 : vector<32x8192xf32> to vector<32x8192xbf16>
    %get3A_11 = arith.constant 0 : index
    %get3A_12 = arith.constant 0 : index
    %get3A_13 = vector.load %arg3[%get3A_11, %get3A_12] : memref<32x8192xf32, #tpu.memory_space<vmem>>, vector<32x8192xf32>
    %convert_element_type3A_14 = arith.truncf %get3A_13 : vector<32x8192xf32> to vector<32x8192xbf16>
    %convert_element_type3A_15 = arith.extf %convert_element_type3A_14 : vector<32x8192xbf16> to vector<32x8192xf32>
    %sub3A_16 = arith.subf %get3A_13, %convert_element_type3A_15 : vector<32x8192xf32>
    %convert_element_type3A_17 = arith.truncf %sub3A_16 : vector<32x8192xf32> to vector<32x8192xbf16>
    %get3A_18 = arith.constant 0 : index
    %get3A_19 = arith.constant 0 : index
    %get3A_20 = vector.load %arg4[%get3A_18, %get3A_19] : memref<32x8192xf32, #tpu.memory_space<vmem>>, vector<32x8192xf32>
    %convert_element_type3A_21 = arith.truncf %get3A_20 : vector<32x8192xf32> to vector<32x8192xbf16>
    %convert_element_type3A_22 = arith.extf %convert_element_type3A_21 : vector<32x8192xbf16> to vector<32x8192xf32>
    %sub3A_23 = arith.subf %get3A_20, %convert_element_type3A_22 : vector<32x8192xf32>
    %convert_element_type3A_24 = arith.truncf %sub3A_23 : vector<32x8192xf32> to vector<32x8192xbf16>
    %concatenate3A = tpu.concatenate %convert_element_type3A, %convert_element_type3A_7, %convert_element_type3A_14, %convert_element_type3A_21, %convert_element_type3A_3, %convert_element_type3A_10, %convert_element_type3A_17, %convert_element_type3A_24 in 0 : vector<32x8192xbf16>, vector<32x8192xbf16>, vector<32x8192xbf16>, vector<32x8192xbf16>, vector<32x8192xbf16>, vector<32x8192xbf16>, vector<32x8192xbf16>, vector<32x8192xbf16> -> vector<256x8192xbf16>
    %get3A_25 = arith.constant 0 : index
    %get3A_26 = arith.constant 0 : index
    %get3A_27 = vector.load %arg5[%get3A_25, %get3A_26] : memref<256x128xbf16, #tpu.memory_space<vmem>>, vector<256x128xbf16>
    %dot_general3A = arith.constant dense<0.000000e+00> : vector<8192x128xf32>
    %dot_general3A_28 = tpu.matmul %concatenate3A, %get3A_27, %dot_general3A {dimension_numbers = #tpu.dot_dimension_numbers<[0], [0], [1], [1], [0, 1, 1, 1], [], []>, transpose_lhs_hint = false} : vector<256x8192xbf16>, vector<256x128xbf16>, vector<8192x128xf32> -> vector<8192x128xf32>
    %swap3A = arith.constant 0 : index
    %swap3A_29 = arith.constant 0 : index
    %swap3A_30 = vector.load %arg6[%swap3A, %swap3A_29] : memref<8192x128xf32, #tpu.memory_space<vmem>>, vector<8192x128xf32>
    tpu.vector_store %arg6[%swap3A, %swap3A_29], %dot_general3A_28 {strides = array<i32>} : memref<8192x128xf32, #tpu.memory_space<vmem>>, vector<8192x128xf32>,
    return
  }
  func.func @transform_0(%arg0: i32) -> (i32, i32) {
    %mul3A = arith.constant 4 : i32
    %mul3A_0 = arith.muli %mul3A, %arg0 : i32
    %add3A = arith.constant 0 : i32
    %add3A_1 = arith.addi %mul3A_0, %add3A : i32
    %min3A = arith.constant 122 : i32
    %min3A_2 = arith.minsi %add3A_1, %min3A : i32
    %c0_i32 = arith.constant 0 : i32
    %c0_i32_3 = arith.constant 0 : i32
    return %c0_i32, %min3A_2 : i32, i32
  }
  func.func @transform_1(%arg0: i32) -> (i32, i32) {
    %mul3A = arith.constant 4 : i32
    %mul3A_0 = arith.muli %mul3A, %arg0 : i32
    %add3A = arith.constant 1 : i32
    %add3A_1 = arith.addi %mul3A_0, %add3A : i32
    %min3A = arith.constant 122 : i32
    %min3A_2 = arith.minsi %add3A_1, %min3A : i32
    %c0_i32 = arith.constant 0 : i32
    %c0_i32_3 = arith.constant 0 : i32
    return %c0_i32, %min3A_2 : i32, i32
  }
  func.func @transform_2(%arg0: i32) -> (i32, i32) {
    %mul3A = arith.constant 4 : i32
    %mul3A_0 = arith.muli %mul3A, %arg0 : i32
    %add3A = arith.constant 2 : i32
    %add3A_1 = arith.addi %mul3A_0, %add3A : i32
    %min3A = arith.constant 122 : i32
    %min3A_2 = arith.minsi %add3A_1, %min3A : i32
    %c0_i32 = arith.constant 0 : i32
    %c0_i32_3 = arith.constant 0 : i32
    return %c0_i32, %min3A_2 : i32, i32
  }
  func.func @transform_3(%arg0: i32) -> (i32, i32) {
    %mul3A = arith.constant 4 : i32
    %mul3A_0 = arith.muli %mul3A, %arg0 : i32
    %add3A = arith.constant 3 : i32
    %add3A_1 = arith.addi %mul3A_0, %add3A : i32
    %min3A = arith.constant 122 : i32
    %min3A_2 = arith.minsi %add3A_1, %min3A : i32
    %c0_i32 = arith.constant 0 : i32
    %c0_i32_3 = arith.constant 0 : i32
    return %c0_i32, %min3A_2 : i32, i32
  }
  func.func @transform_4(%arg0: i32) -> (i32, i32) {
    %c0_i32 = arith.constant 0 : i32
    %c0_i32_0 = arith.constant 0 : i32
    %c0_i32_1 = arith.constant 0 : i32
    return %c0_i32, %c0_i32_0 : i32, i32
  }
  func.func @transform_5(%arg0: i32) -> (i32, i32) {
    %c0_i32 = arith.constant 0 : i32
    %c0_i32_0 = arith.constant 0 : i32
    return %arg0, %c0_i32 : i32, i32
  }
}

module attributes {stable_mosaic.version = 14 : i64} {
  func.func @_mlp_body(%arg0: i32, %arg1: memref<4096x128xf32, #tpu.memory_space<vmem>>, %arg2: memref<4096x128xf32, #tpu.memory_space<vmem>>, %arg3: memref<4096xi32, #tpu.memory_space<vmem>>, %arg4: memref<4096xi32, #tpu.memory_space<vmem>>, %arg5: memref<64x128xf32, #tpu.memory_space<vmem>>, %arg6: memref<1x128xf32, #tpu.memory_space<vmem>>, %arg7: memref<1x128xf32, #tpu.memory_space<vmem>>, %arg8: memref<1x1xf32, #tpu.memory_space<vmem>>, %arg9: memref<4096xf32, #tpu.memory_space<vmem>>) attributes {dimension_semantics = [#tpu.dimension_semantics<arbitrary>], iteration_bounds = array<i64: 4>, scalar_prefetch = 0 : i64, scratch_operands = 0 : i64, tpu.core_type = #tpu.core_type<tc>, window_params = [{transform_indices = @transform_0, window_bounds = array<i64: 4096, 128>}, {transform_indices = @transform_1, window_bounds = array<i64: 4096, 128>}, {transform_indices = @transform_2, window_bounds = array<i64: 4096>}, {transform_indices = @transform_3, window_bounds = array<i64: 4096>}, {pipeline_mode = #tpu.pipeline_mode<synchronous>, transform_indices = @transform_4, window_bounds = array<i64: 64, 128>}, {pipeline_mode = #tpu.pipeline_mode<synchronous>, transform_indices = @transform_5, window_bounds = array<i64: 1, 128>}, {pipeline_mode = #tpu.pipeline_mode<synchronous>, transform_indices = @transform_6, window_bounds = array<i64: 1, 128>}, {pipeline_mode = #tpu.pipeline_mode<synchronous>, transform_indices = @transform_7, window_bounds = array<i64: 1, 1>}, {transform_indices = @transform_8, window_bounds = array<i64: 4096>}]} {
    %get3A = arith.constant 0 : index
    %get3A_0 = arith.constant 0 : index
    %get3A_1 = vector.load %arg1[%get3A, %get3A_0] : memref<4096x128xf32, #tpu.memory_space<vmem>>, vector<4096x128xf32>
    %get3A_2 = arith.constant 0 : index
    %get3A_3 = vector.load %arg3[%get3A_2] : memref<4096xi32, #tpu.memory_space<vmem>>, vector<4096xi32>
    %shift_right_arithmetic3A = arith.constant 13 : i32
    %shift_right_arithmetic3A_4 = vector.broadcast %shift_right_arithmetic3A : i32 to vector<4096xi32>
    %shift_right_arithmetic3A_5 = arith.shrsi %get3A_3, %shift_right_arithmetic3A_4 : vector<4096xi32>
    %and3A = arith.constant 3 : i32
    %and3A_6 = vector.broadcast %and3A : i32 to vector<4096xi32>
    %and3A_7 = arith.andi %shift_right_arithmetic3A_5, %and3A_6 : vector<4096xi32>
    %iota3A = tpu.iota {dimensions = array<i32: 1>} : vector<1x128xi32>
    %jit3A = arith.constant 32 : i32
    %div3A = vector.broadcast %jit3A : i32 to vector<1x128xi32>
    %div3A_8 = arith.divsi %iota3A, %div3A : vector<1x128xi32>
    %sign3A = arith.constant 0 : i32
    %sign3A_9 = vector.broadcast %sign3A : i32 to vector<1x128xi32>
    %sign3A_10 = arith.cmpi sgt, %iota3A, %sign3A_9 : vector<1x128xi32>
    %sign3A_11 = arith.extui %sign3A_10 : vector<1x128xi1> to vector<1x128xi32>
    %sign3A_12 = arith.constant 0 : i32
    %sign3A_13 = vector.broadcast %sign3A_12 : i32 to vector<1x128xi32>
    %sign3A_14 = arith.cmpi slt, %iota3A, %sign3A_13 : vector<1x128xi32>
    %sign3A_15 = arith.extui %sign3A_14 : vector<1x128xi1> to vector<1x128xi32>
    %sign3A_16 = arith.subi %sign3A_11, %sign3A_15 : vector<1x128xi32>
    %sign3A_17 = arith.constant 0 : i32
    %sign3A_18 = arith.cmpi sgt, %jit3A, %sign3A_17 : i32
    %sign3A_19 = arith.extui %sign3A_18 : i1 to i32
    %sign3A_20 = arith.constant 0 : i32
    %sign3A_21 = arith.cmpi slt, %jit3A, %sign3A_20 : i32
    %sign3A_22 = arith.extui %sign3A_21 : i1 to i32
    %sign3A_23 = arith.subi %sign3A_19, %sign3A_22 : i32
    %ne3A = vector.broadcast %sign3A_23 : i32 to vector<1x128xi32>
    %ne3A_24 = arith.cmpi ne, %sign3A_16, %ne3A : vector<1x128xi32>
    %rem3A = vector.broadcast %jit3A : i32 to vector<1x128xi32>
    %rem3A_25 = arith.remsi %iota3A, %rem3A : vector<1x128xi32>
    %ne3A_26 = arith.constant 0 : i32
    %ne3A_27 = vector.broadcast %ne3A_26 : i32 to vector<1x128xi32>
    %ne3A_28 = arith.cmpi ne, %rem3A_25, %ne3A_27 : vector<1x128xi32>
    %and3A_29 = arith.andi %ne3A_24, %ne3A_28 : vector<1x128xi1>
    %sub3A = arith.constant 1 : i32
    %sub3A_30 = vector.broadcast %sub3A : i32 to vector<1x128xi32>
    %sub3A_31 = arith.subi %div3A_8, %sub3A_30 : vector<1x128xi32>
    %select_n3A = arith.select %and3A_29, %sub3A_31, %div3A_8 : vector<1x128xi1>, vector<1x128xi32>
    %broadcast_in_dim3A = vector.shape_cast %and3A_7 : vector<4096xi32> to vector<4096x1xi32>
    %eq3A = vector.broadcast %select_n3A : vector<1x128xi32> to vector<4096x128xi32>
    %eq3A_32 = vector.broadcast %broadcast_in_dim3A : vector<4096x1xi32> to vector<4096x128xi32>
    %eq3A_33 = arith.cmpi eq, %eq3A, %eq3A_32 : vector<4096x128xi32>
    %jit3A_34 = arith.constant 0.000000e+00 : f32
    %broadcast_in_dim3A_35 = vector.broadcast %jit3A_34 : f32 to vector<4096x128xf32>
    %select_n3A_36 = arith.select %eq3A_33, %get3A_1, %broadcast_in_dim3A_35 : vector<4096x128xi1>, vector<4096x128xf32>
    %get3A_37 = arith.constant 0 : index
    %get3A_38 = arith.constant 0 : index
    %get3A_39 = vector.load %arg2[%get3A_37, %get3A_38] : memref<4096x128xf32, #tpu.memory_space<vmem>>, vector<4096x128xf32>
    %get3A_40 = arith.constant 0 : index
    %get3A_41 = vector.load %arg4[%get3A_40] : memref<4096xi32, #tpu.memory_space<vmem>>, vector<4096xi32>
    %shift_right_arithmetic3A_42 = arith.constant 13 : i32
    %shift_right_arithmetic3A_43 = vector.broadcast %shift_right_arithmetic3A_42 : i32 to vector<4096xi32>
    %shift_right_arithmetic3A_44 = arith.shrsi %get3A_41, %shift_right_arithmetic3A_43 : vector<4096xi32>
    %and3A_45 = arith.constant 3 : i32
    %and3A_46 = vector.broadcast %and3A_45 : i32 to vector<4096xi32>
    %and3A_47 = arith.andi %shift_right_arithmetic3A_44, %and3A_46 : vector<4096xi32>
    %iota3A_48 = tpu.iota {dimensions = array<i32: 1>} : vector<1x128xi32>
    %jit3A_49 = arith.constant 32 : i32
    %div3A_50 = vector.broadcast %jit3A_49 : i32 to vector<1x128xi32>
    %div3A_51 = arith.divsi %iota3A_48, %div3A_50 : vector<1x128xi32>
    %sign3A_52 = arith.constant 0 : i32
    %sign3A_53 = vector.broadcast %sign3A_52 : i32 to vector<1x128xi32>
    %sign3A_54 = arith.cmpi sgt, %iota3A_48, %sign3A_53 : vector<1x128xi32>
    %sign3A_55 = arith.extui %sign3A_54 : vector<1x128xi1> to vector<1x128xi32>
    %sign3A_56 = arith.constant 0 : i32
    %sign3A_57 = vector.broadcast %sign3A_56 : i32 to vector<1x128xi32>
    %sign3A_58 = arith.cmpi slt, %iota3A_48, %sign3A_57 : vector<1x128xi32>
    %sign3A_59 = arith.extui %sign3A_58 : vector<1x128xi1> to vector<1x128xi32>
    %sign3A_60 = arith.subi %sign3A_55, %sign3A_59 : vector<1x128xi32>
    %sign3A_61 = arith.constant 0 : i32
    %sign3A_62 = arith.cmpi sgt, %jit3A_49, %sign3A_61 : i32
    %sign3A_63 = arith.extui %sign3A_62 : i1 to i32
    %sign3A_64 = arith.constant 0 : i32
    %sign3A_65 = arith.cmpi slt, %jit3A_49, %sign3A_64 : i32
    %sign3A_66 = arith.extui %sign3A_65 : i1 to i32
    %sign3A_67 = arith.subi %sign3A_63, %sign3A_66 : i32
    %ne3A_68 = vector.broadcast %sign3A_67 : i32 to vector<1x128xi32>
    %ne3A_69 = arith.cmpi ne, %sign3A_60, %ne3A_68 : vector<1x128xi32>
    %rem3A_70 = vector.broadcast %jit3A_49 : i32 to vector<1x128xi32>
    %rem3A_71 = arith.remsi %iota3A_48, %rem3A_70 : vector<1x128xi32>
    %ne3A_72 = arith.constant 0 : i32
    %ne3A_73 = vector.broadcast %ne3A_72 : i32 to vector<1x128xi32>
    %ne3A_74 = arith.cmpi ne, %rem3A_71, %ne3A_73 : vector<1x128xi32>
    %and3A_75 = arith.andi %ne3A_69, %ne3A_74 : vector<1x128xi1>
    %sub3A_76 = arith.constant 1 : i32
    %sub3A_77 = vector.broadcast %sub3A_76 : i32 to vector<1x128xi32>
    %sub3A_78 = arith.subi %div3A_51, %sub3A_77 : vector<1x128xi32>
    %select_n3A_79 = arith.select %and3A_75, %sub3A_78, %div3A_51 : vector<1x128xi1>, vector<1x128xi32>
    %broadcast_in_dim3A_80 = vector.shape_cast %and3A_47 : vector<4096xi32> to vector<4096x1xi32>
    %eq3A_81 = vector.broadcast %select_n3A_79 : vector<1x128xi32> to vector<4096x128xi32>
    %eq3A_82 = vector.broadcast %broadcast_in_dim3A_80 : vector<4096x1xi32> to vector<4096x128xi32>
    %eq3A_83 = arith.cmpi eq, %eq3A_81, %eq3A_82 : vector<4096x128xi32>
    %jit3A_84 = arith.constant 0.000000e+00 : f32
    %broadcast_in_dim3A_85 = vector.broadcast %jit3A_84 : f32 to vector<4096x128xf32>
    %select_n3A_86 = arith.select %eq3A_83, %get3A_39, %broadcast_in_dim3A_85 : vector<4096x128xi1>, vector<4096x128xf32>
    %concatenate3A = tpu.concatenate %select_n3A_36, %select_n3A_86 in 1 : vector<4096x128xf32>, vector<4096x128xf32> -> vector<4096x256xf32>
    %get3A_87 = arith.constant 0 : index
    %get3A_88 = arith.constant 0 : index
    %get3A_89 = vector.load %arg5[%get3A_87, %get3A_88] : memref<64x128xf32, #tpu.memory_space<vmem>>, vector<32x128xf32>
    %get3A_90 = arith.constant 32 : index
    %get3A_91 = arith.constant 0 : index
    %get3A_92 = vector.load %arg5[%get3A_90, %get3A_91] : memref<64x128xf32, #tpu.memory_space<vmem>>, vector<32x128xf32>
    %concatenate3A_93 = tpu.concatenate %get3A_89, %get3A_89, %get3A_89, %get3A_89, %get3A_92, %get3A_92, %get3A_92, %get3A_92 in 0 : vector<32x128xf32>, vector<32x128xf32>, vector<32x128xf32>, vector<32x128xf32>, vector<32x128xf32>, vector<32x128xf32>, vector<32x128xf32>, vector<32x128xf32> -> vector<256x128xf32>
    %dot_general3A = arith.constant dense<0.000000e+00> : vector<4096x128xf32>
    %dot_general3A_94 = tpu.matmul %concatenate3A, %concatenate3A_93, %dot_general3A {dimension_numbers = #tpu.dot_dimension_numbers<[1], [0], [0], [1], [0, 0, 1, 1], [], []>, transpose_lhs_hint = false} : vector<4096x256xf32>, vector<256x128xf32>, vector<4096x128xf32> -> vector<4096x128xf32>
    %get3A_95 = arith.constant 0 : index
    %get3A_96 = arith.constant 0 : index
    %get3A_97 = vector.load %arg6[%get3A_95, %get3A_96] : memref<1x128xf32, #tpu.memory_space<vmem>>, vector<1x128xf32>
    %add3A = vector.broadcast %get3A_97 : vector<1x128xf32> to vector<4096x128xf32>
    %add3A_98 = arith.addf %dot_general3A_94, %add3A : vector<4096x128xf32>
    %max3A = arith.constant 0.000000e+00 : f32
    %max3A_99 = vector.broadcast %max3A : f32 to vector<4096x128xf32>
    %max3A_100 = arith.maximumf %add3A_98, %max3A_99 : vector<4096x128xf32>
    %get3A_101 = arith.constant 0 : index
    %get3A_102 = arith.constant 0 : index
    %get3A_103 = vector.load %arg7[%get3A_101, %get3A_102] : memref<1x128xf32, #tpu.memory_space<vmem>>, vector<1x128xf32>
    %mul3A = vector.broadcast %get3A_103 : vector<1x128xf32> to vector<4096x128xf32>
    %mul3A_104 = arith.mulf %max3A_100, %mul3A : vector<4096x128xf32>
    %reduce_sum3A = arith.constant dense<0.000000e+00> : vector<4096xf32>
    %reduce_sum3A_105 = vector.multi_reduction <add>, %mul3A_104, %reduce_sum3A [1] : vector<4096x128xf32> to vector<4096xf32>
    %get3A_106 = arith.constant 0 : index
    %get3A_107 = arith.constant 0 : index
    %get3A_108 = vector.load %arg8[%get3A_106, %get3A_107] : memref<1x1xf32, #tpu.memory_space<vmem>>, vector<1x1xf32>
    %get3A_109 = vector.extract %get3A_108[0, 0] : f32 from vector<1x1xf32>
    %add3A_110 = vector.broadcast %get3A_109 : f32 to vector<4096xf32>
    %add3A_111 = arith.addf %reduce_sum3A_105, %add3A_110 : vector<4096xf32>
    %swap3A = arith.constant 0 : index
    %swap3A_112 = vector.load %arg9[%swap3A] : memref<4096xf32, #tpu.memory_space<vmem>>, vector<4096xf32>
    tpu.vector_store %arg9[%swap3A], %add3A_111 {strides = array<i32>} : memref<4096xf32, #tpu.memory_space<vmem>>, vector<4096xf32>,
    return
  }
  func.func @transform_0(%arg0: i32) -> (i32, i32) {
    %c0_i32 = arith.constant 0 : i32
    %c0_i32_0 = arith.constant 0 : i32
    return %arg0, %c0_i32 : i32, i32
  }
  func.func @transform_1(%arg0: i32) -> (i32, i32) {
    %c0_i32 = arith.constant 0 : i32
    %c0_i32_0 = arith.constant 0 : i32
    return %arg0, %c0_i32 : i32, i32
  }
  func.func @transform_2(%arg0: i32) -> i32 {
    %c0_i32 = arith.constant 0 : i32
    return %arg0 : i32
  }
  func.func @transform_3(%arg0: i32) -> i32 {
    %c0_i32 = arith.constant 0 : i32
    return %arg0 : i32
  }
  func.func @transform_4(%arg0: i32) -> (i32, i32) {
    %c0_i32 = arith.constant 0 : i32
    %c0_i32_0 = arith.constant 0 : i32
    %c0_i32_1 = arith.constant 0 : i32
    return %c0_i32, %c0_i32_0 : i32, i32
  }
  func.func @transform_5(%arg0: i32) -> (i32, i32) {
    %c0_i32 = arith.constant 0 : i32
    %c0_i32_0 = arith.constant 0 : i32
    %c0_i32_1 = arith.constant 0 : i32
    return %c0_i32, %c0_i32_0 : i32, i32
  }
  func.func @transform_6(%arg0: i32) -> (i32, i32) {
    %c0_i32 = arith.constant 0 : i32
    %c0_i32_0 = arith.constant 0 : i32
    %c0_i32_1 = arith.constant 0 : i32
    return %c0_i32, %c0_i32_0 : i32, i32
  }
  func.func @transform_7(%arg0: i32) -> (i32, i32) {
    %c0_i32 = arith.constant 0 : i32
    %c0_i32_0 = arith.constant 0 : i32
    %c0_i32_1 = arith.constant 0 : i32
    return %c0_i32, %c0_i32_0 : i32, i32
  }
  func.func @transform_8(%arg0: i32) -> i32 {
    %c0_i32 = arith.constant 0 : i32
    return %arg0 : i32
  }
}

</mosaic_0001>

<sc_bundles>
// kernel: kernel.10.cloned.1.call-start
scs
__scs_entry_jumppad:
0x0: {  	(pc) =	sbr.rel $0x88, $3  }
0x1: {  	(tag) =	ssettag $0x0;
	lr =	simm.s32 $0x1  }
0x2: {  	[smem:$0x3F99] =	sst lr;
	_ =	strace $0xD0000000  }
0x3: {  	_ = 	snop  }
0x4: {  	_ = 	snop  }
0x5: {  	_ = 	snop  }
0x6: {  	_ = 	snop  }
0x7: {  	_ = 	snop  }
__scs_overlays_trampoline_lowered:
0x8: {  	[smem:$0x3FA8] =	sst s0  }
0x9: {  	[smem:$0x3FA9] =	sst s1  }
0xa: {  	[smem:$0x3FAA] =	sst s2  }
0xb: {  	[smem:$0x3FAB] =	sst s3  }
0xc: {  	[smem:$0x3FAC] =	sst s4  }
0xd: {  	[smem:$0x3FAD] =	sst s5  }
0xe: {  	[smem:$0x3FAE] =	sst s6  }
0xf: {  	[smem:$0x3FAF] =	sst s7  }
0x10: {  	[smem:$0x3FB0] =	sst s8  }
0x11: {  	[smem:$0x3FB1] =	sst s9;
	s0 =	simm.s32 @!p0 $0x0  }
0x12: {  	s1 =	sld [smem:$0x3F97];
	s0 =	simm.s32 @p0 $0x1  }
0x13: {  	[smem:$0x3FB2] =	sst s0;
	s0 =	simm.s32 @!p1 $0x0  }
0x14: {  	s2 =	sld [smem:$0x3F96];
	s0 =	simm.s32 @p1 $0x1  }
0x15: {  	[smem:$0x3FB3] =	sst s0;
	s0 =	simm.s32 @!p2 $0x0  }
0x16: {  	s3 =	sld [smem:$0x3FDB];
	s0 =	simm.s32 @p2 $0x1  }
0x17: {  	s4 =	simm.s32 $0x1BF5;
	[smem:$0x3FB5] =	sst s0  }
0x18: {  	s0 =	sld [smem:$0x3F98];
	_ =	swait.ge [sflag:s4], $0x0  }
0x19: {  	s7 =	sld [smem:$0x3F99]  }
0x1a: {  	s8 =	sadd.s32 $0xFFFFE003, lr  }
0x1b: {  	s9 =	sadd.s32 $0xFFFFFEF7, lr;
	s5 =	simm.s32 $0xFFFFFFFF;
	p2 =	slt.u32 s8, $0xFFFFF086  }
0x1c: {  	p1 =	slt.u32 s9, $0xF7A;
	s5 =	simm.s32 @!p2 $0x0  }
0x1d: {  	s5 =	simm.s32 @p1 $0x1;
	p0 =	seq.s32 s7, s2  }
0x1e: {  	s7 =	smul.u32 @!p0 $0xF7A, s2;
	p2 =	seq.s32 @!p0 s5, $0x0  }
0x1f: {  	s9 =	smul.u32 $0xF7A, s1;
	s8 =	simm.s32 @!p0 $0x1BF5;
	p2 =	por !p2, p0  }
0x20: {  	[sflag:s8] =	ssyncset.s32 @!p0 $0xFFFFF086;
	s6 =	sadd.s32 @!p0 s3, s7;
	s7 =	simm.s32 @!p0 $0x108  }
0x21: {  	s3 =	sadd.s32 s3, s9;
	s6 =	sadd.s32 @!p0 $0x88, s6;
	s7 =	simm.s32 @p2 $0x1082  }
0x22: {  	[simem:s7], [sflag:s8] =	dma.local @!p0 [hbm:s6], $0xF7A  }
0x23: {  	s9 =	sor.u32 $0xD0000000, s2;
	s6 =	simm.s32 $0x108;
	_ =	swait.ge @!p0 [sflag:s8], $0x0  }
0x24: {  	s3 =	sadd.s32 $0x88, s3;
	s6 =	simm.s32 @!p1 $0x1082;
	[sflag:s4] =	ssyncset.s32 $0xFFFFF086  }
0x25: {  	[simem:s6], [sflag:s4] =	dma.local [hbm:s3], $0xF7A  }
0x26: {  	[smem:$0x3F99] =	sst s1;
	(tag) =	ssettag s2;
	_ =	strace s9  }
0x27: {  	s1 =	sld [smem:$0x3FA9]  }
0x28: {  	s2 =	sld [smem:$0x3FAA]  }
0x29: {  	s4 =	sld [smem:$0x3FAC]  }
0x2a: {  	p0 =	seq.s32 s5, $0x0;
	s5 =	sld [smem:$0x3FAD]  }
0x2b: {  	s6 =	sld [smem:$0x3FAE]  }
0x2c: {  	s7 =	sld [smem:$0x3FAF]  }
0x2d: {  	s3 =	simm.s32 $0x108;
	s8 =	sld [smem:$0x3FB0]  }
0x2e: {  	s3 =	simm.s32 @!p0 $0x1082;
	s9 =	sld [smem:$0x3FB1]  }
0x2f: {  	lr =	sadd.s32 s0, s3;
	s0 =	sld [smem:$0x3FA8]  }
0x30: {  	s3 =	sld [smem:$0x3FAB]  }
0x31: {  	[smem:$0x3FB4] =	sst s10  }
0x32: {  	s10 =	sld [smem:$0x3FB2];
	_ =	sdelay $0x3  }
0x33: {  	p0 =	seq.s32 s10, $0x1;
	s10 =	sld [smem:$0x3FB4];
	_ =	sdelay $0x3  }
0x34: {  	[smem:$0x3FB4] =	sst s10  }
0x35: {  	s10 =	sld [smem:$0x3FB3];
	_ =	sdelay $0x3  }
0x36: {  	p1 =	seq.s32 s10, $0x1;
	s10 =	sld [smem:$0x3FB4];
	_ =	sdelay $0x3  }
0x37: {  	[smem:$0x3FB4] =	sst s10  }
0x38: {  	s10 =	sld [smem:$0x3FB5]  }
0x39: {  	_ = 	snop;
	(pc) =	sbr.ind lr, $3  }
0x3a: {  	_ = 	snop  }
0x3b: {  	_ = 	snop  }
0x3c: {  	p2 =	seq.s32 s10, $0x1;
	s10 =	sld [smem:$0x3FB4]  }
0x3d: {  	_ =	shalt  }
0x3e: {  	_ =	shalt  }
0x3f: {  	_ =	shalt  }
0x40: {  	_ =	shalt  }
0x41: {  	_ =	shalt  }
0x42: {  	_ =	shalt  }
0x43: {  	_ =	shalt  }
0x44: {  	_ =	shalt  }
0x45: {  	_ =	shalt  }
0x46: {  	_ =	shalt  }
0x47: {  	_ =	shalt  }
0x48: {  	_ =	shalt  }
0x49: {  	_ =	shalt  }
0x4a: {  	_ =	shalt  }
0x4b: {  	_ =	shalt  }
0x4c: {  	_ =	shalt  }
0x4d: {  	_ =	shalt  }
0x4e: {  	_ =	shalt  }
0x4f: {  	_ =	shalt  }
0x50: {  	_ =	shalt  }
0x51: {  	_ =	shalt  }
0x52: {  	_ =	shalt  }
0x53: {  	_ =	shalt  }
0x54: {  	_ =	shalt  }
0x55: {  	_ =	shalt  }
0x56: {  	_ =	shalt  }
0x57: {  	_ =	shalt  }
0x58: {  	_ =	shalt  }
0x59: {  	_ =	shalt  }
0x5a: {  	_ =	shalt  }
0x5b: {  	_ =	shalt  }
0x5c: {  	_ =	shalt  }
0x5d: {  	_ =	shalt  }
0x5e: {  	_ =	shalt  }
0x5f: {  	_ =	shalt  }
0x60: {  	_ =	shalt  }
0x61: {  	_ =	shalt  }
0x62: {  	_ =	shalt  }
0x63: {  	_ =	shalt  }
0x64: {  	_ =	shalt  }
0x65: {  	_ =	shalt  }
0x66: {  	_ =	shalt  }
0x67: {  	_ =	shalt  }
0x68: {  	_ =	shalt  }
0x69: {  	_ =	shalt  }
0x6a: {  	_ =	shalt  }
0x6b: {  	_ =	shalt  }
0x6c: {  	_ =	shalt  }
0x6d: {  	_ =	shalt  }
0x6e: {  	_ =	shalt  }
0x6f: {  	_ =	shalt  }
0x70: {  	_ =	shalt  }
0x71: {  	_ =	shalt  }
0x72: {  	_ =	shalt  }
0x73: {  	_ =	shalt  }
0x74: {  	_ =	shalt  }
0x75: {  	_ =	shalt  }
0x76: {  	_ =	shalt  }
0x77: {  	_ =	shalt  }
0x78: {  	_ =	shalt  }
0x79: {  	_ =	shalt  }
0x7a: {  	_ =	shalt  }
0x7b: {  	_ =	shalt  }
0x7c: {  	_ =	shalt  }
0x7d: {  	_ =	shalt  }
0x7e: {  	_ =	shalt  }
0x7f: {  	_ =	shalt  }
0x80: {  	_ =	shalt  }
0x81: {  	_ =	shalt  }
0x82: {  	_ =	shalt  }
0x83: {  	_ =	shalt  }
0x84: {  	_ =	shalt  }
0x85: {  	_ =	shalt  }
0x86: {  	_ =	shalt  }
0x87: {  	_ =	shalt  }
.Lfunc_end0:
.L_simem_size_0:
called_computation.1_lowered:
.L_overlay_start_0:
0x88: {  	s2 =	sld [smem:$0x3FD9]  }
0x89: {  	s3 =	sld [smem:$0x3FFE];
	_ =	sdelay $0x1  }
0x8a: {  	s1 =	srdreg.scid  }
0x8b: {  	s0 =	sand.u32 $0x1, s1  }
0x8c: {  	s17 =	sshll.u32 s0, $0xA;
	s2 =	sadd.s32 s3, s2  }
0x8d: {  	s2 =	sadd.s32 s2, s17  }
0x8e: {  	[smem:$0x3FC0] =	sst s2  }
0x8f: {  	_ = 	snop  }
0x90: {  	s18 =	sld [smem:$0x3FC8];
	(tm) =	ssettm $0x1  }
0x91: {  	s19 =	sld [smem:$0x3FFB];
	_ =	sdelay $0x3  }
0x92: {  	_ =	strace s19  }
0x93: {  	s2 =	sld [smem:$0x3FFC];
	_ =	sdelay $0x3  }
0x94: {  	_ =	strace s2  }
0x95: {  	s2 =	sld [smem:$0x3FFD];
	_ =	sdelay $0x3  }
0x96: {  	_ =	strace s2  }
0x97: {  	_ =	strace $0x8FFFFFFF  }
0x98: {  	s20 =	sld [smem:$0x3FDB];
	_ =	sdelay $0x1  }
0x99: {  	s4 =	simm.s32 $_scs_section_size  }
0x9a: {  	s5 =	simm.s32 $_size__tile_overlayer_lowered;
	s6 =	simm.s32 $_tile_overlayer_lowered  }
0x9b: {  	s7 =	simm.s32 $0x1BFF;
	s21 =	sshll.u32 s6, $0x1;
	s4 =	sadd.s32 s4, s20  }
0x9c: {  	s22 =	simm.s32 $0x0;
	s5 =	sshll.u32 s5, $0x1;
	s6 =	sadd.s32 s21, s4  }
0x9d: {  	[timem:s22], [sflag:s7] =	dma.local [hbm:s6], s5  }
0x9e: {  	_ =	swait.ge [sflag:s7], s5  }
0x9f: {  	s5 =	ssub.s32 $0x0, s5;
	[sflag:s7] =	ssyncset.done $0x0  }
0xa0: {  	[sflag:s7] =	ssyncadd.s32 s5;
	_ =	sdelay $0x1  }
0xa1: {  	s23 =	simm.s32 $0x1B8B  }
0xa2: {  	_ =	swait.ge [sflag:s23], $0x1  }
0xa3: {  	[sflag:s23] =	ssyncset.done $0x0  }
0xa4: {  	[sflag:s23] =	ssyncadd.s32 $0xFFFFFFFF  }
0xa5: {  	s5 =	sld [smem:$0x0]  }
0xa6: {  	s6 =	sand.u32 $0xFFFFFFFE, s1  }
0xa7: {  	p0 =	sne.s32 s1, s6  }
0xa8: {  	s6 =	sshll.u32 @p0 s6, $0xE  }
0xa9: {  	s6 =	sadd.s32 @p0 $0x11B8D, s6;
	s7 =	sshll.u32 @p0 s5, $0x11  }
0xaa: {  	s6 =	sor.u32 @p0 s7, s6  }
0xab: {  	[sflag:s6] =	ssyncadd.remote.s32 @p0 $0x1;
	_ =	sdelay $0x1  }
0xac: {  	s6 =	simm.s32 @p0 $0x1B8D  }
0xad: {  	_ =	swait.eq @p0 [sflag:s6], $0x1  }
0xae: {  	[sflag:s6] =	ssyncadd.s32 @p0 $0xFFFFFFFF  }
0xaf: {  	s7 =	sshll.u32 @!p0 s1, $0xE  }
0xb0: {  	s7 =	sor.u32 @!p0 $0x4000, s7;
	s6 =	simm.s32 @!p0 $0x1B8D  }
0xb1: {  	s5 =	sshll.u32 @!p0 s5, $0x11;
	s7 =	sadd.s32 @!p0 $0x11B8D, s7;
	_ =	swait.eq @!p0 [sflag:s6], $0x1  }
0xb2: {  	s5 =	sor.u32 @!p0 s5, s7;
	[sflag:s6] =	ssyncadd.s32 @!p0 $0xFFFFFFFF  }
0xb3: {  	s25 =	simm.s32 $0x1B8E;
	s24 =	sld [smem:$0x3FFE];
	[sflag:s5] =	ssyncadd.remote.s32 @!p0 $0x1  }
0xb4: {  	s26 =	simm.s32 $execute0_lowered;
	[smem:$0x3FD2] =	sst s25  }
0xb5: {  	s6 =	sshll.u32 s26, $0x1;
	_ =	strace $0x80000049;
	[dreg:$0x1] =	wrdreg $0xFFFFFFFF  }
0xb6: {  	s28 =	simm.s32 $_size_execute0_lowered;
	s4 =	sadd.s32 s4, s6;
	[dreg:$0x0] =	wrdreg $0x0  }
0xb7: {  	s6 =	sshll.u32 s28, $0x1;
	[dreg:$0x2] =	wrdreg s4  }
0xb8: {  	[dreg:$0x3] =	wrdreg s6  }
0xb9: {  	[dreg:$0x4] =	wrdreg $0xC0  }
0xba: {  	_ =	task [dreg:s22], $0x5FFFF  }
0xbb: {  	[dreg:$0x1] =	wrdreg $0xFFFFFFFF  }
0xbc: {  	[dreg:$0x0] =	wrdreg $0x60  }
0xbd: {  	[dreg:$0x2] =	wrdreg s24  }
0xbe: {  	[dreg:$0x3] =	wrdreg s18  }
0xbf: {  	[dreg:$0x4] =	wrdreg $0xA  }
0xc0: {  	_ =	task.clear_ibuf [dreg:s22], $0x5FFFF;
	_ =	strace $0x90000049  }
0xc1: {  	s29 =	simm.s32 $0xA;
	_ =	strace $0x8000004B  }
0xc2: {  	_ =	swait.ge [sflag:s29], $0x1  }
0xc3: {  	[sflag:s29] =	ssyncadd.s32 $0xFFFFFFFF  }
0xc4: {  	_ =	strace $0x9000004B  }
0xc5: {  	_ =	sfence  }
0xc6: {  	s30 =	sld [smem:$0x0];
	_ =	sdelay $0x2  }
0xc7: {  	s31 =	sshll.u32 s1, $0xD;
	s1 =	sshrl.u32 s1, $0x2  }
0xc8: {  	s4 =	sand.u32 $0x4000, s31;
	s1 =	sadd.s32 s1, s30  }
0xc9: {  	s0 =	sor.u32 s4, s0;
	s1 =	sshll.u32 s1, $0x11  }
0xca: {  	s0 =	sor.u32 s1, s0  }
0xcb: {  	s0 =	sadd.s32 $0x8F2B, s0  }
0xcc: {  	[sflag:s0] =	ssyncadd.remote.s32 $0x1  }
0xcd: {  	_ =	sfence.sel $0xFFFF  }
0xce: {  	[dreg:$0x0] =	wrdreg $0xFFFFFFFF;
	(pc) =	sbr.abs _section_cstart, $3  }
0xcf: {  	[dreg:$0x1] =	wrdreg $0xFFFFFFFF  }
0xd0: {  	_ =	task.clear_ibuf [dreg:s22], $0x2FFFF;
	_ =	strace $0x9FFFFFFF  }
0xd1: {  	(tm) =	ssettm $0x7FFFFFFF  }
tec
execute0_lowered:
.L_overlay_start_1:
0x0: {  	(tag) =	ssettag $0x1  }
0x1: {  	s4 =	rddreg [dreg:$0x0]  }
0x2: {  	s5 =	rddreg [dreg:$0x1]  }
0x3: {  	s0 =	rddreg [dreg:$0x2];
	s3 =	srdreg.scid;
	s2 =	simm.s32 $0x0  }
0x4: {  	s1 =	stileid.u32;
	s18 =	simm.s32 $0x5;
	s11 =	simm.s32 $0x80  }
0x5: {  	s12 =	simm.s32 $0x1;
	s16 =	simm.s32 $0x100;
	s3 =	sand.u32 $0x1, s3  }
0x6: {  	s6 =	sshll.u32 s1, $0xA;
	s7 =	sshll.u32 s3, $0x9;
	s31 =	ssub.s32 $0x2, s3  }
0x7: {  	[smem:$0x7FF] =	sst s2;
	s6 =	sor.u32 s7, s6;
	s9 =	sshrl.u32 s31, $0x1  }
0x8: {  	s8 =	sshll.u32 s6, $0x4;
	s7 =	ssub.s32 s31, s9;
	s6 =	sshrl.u32 s6, $0x3  }
0x9: {  	_ =	strace $0x8000004A;
	s17 =	sadd.s32 s5, s6;
	s19 =	smax.u32 s7, $0x1  }
0xa: {  	[tilespmem:s2], [sflag:$0x5] =	stream.linear.gather [hbm4b:s17+s2], $0x200, $0x38;
	[tilespmem:$0x8200] =	vst v63  }
0xb: {  	s13 =	simm.s32 $0x2;
	s15 =	simm.s32 $0x180;
	p0 =	sne.s32 s19, $0x1  }
.Ltmp0:
0xc: {  	s3 =	sadd.s32 $0x421800, s4;
	s9 =	simm.s32 $0x4;
	(pc) =	sbr.rel @!p0 .LBB2_2-.Ltmp0, $4  }
0xd: {  	s4 =	sadd.s32 s8, s4;
	s8 =	simm.s32 $0x200;
	_ =	swait.ge [sflag:s18], $0x200  }
0xe: {  	s6 =	simm.s32 $0x4200;
	s7 =	simm.s32 $0x3;
	[sflag:s18] =	ssyncset.done $0x0  }
0xf: {  	s14 =	sadd.s32 $0x4A1800, s4;
	s10 =	sadd.s32 $0x4A2000, s4;
	[sflag:s18] =	ssyncadd.s32 $0xFFFFFE00  }
0x10: {  	s5 =	sadd.s32 $0x4A2800, s4;
	s4 =	sadd.s32 $0x4A3000, s4;
	s19 =	sadd.s32 $0xFFFFFFFF, s19;
	v0 =	vld [tilespmem:$0x1C0]  }
.LBB2_1:
0x11: {  	p0 =	sne.s32 s19, $0x1;
	s19 =	sadd.s32 $0xFFFFFFFF, s19;
	v1 =	vld [tilespmem:$0x1D0]  }
0x12: {  	v2 =	vld [tilespmem:$0x1E0]  }
0x13: {  	v3 =	vld [tilespmem:$0x1B0]  }
0x14: {  	v4 =	vld [tilespmem:$0x80]  }
0x15: {  	v5 =	vshra.s32 v0, $0x2;
	v6 =	vld [tilespmem:$0x1F0]  }
0x16: {  	v0 =	vand.u32 $0x1FFF, v0;
	v7 =	vld [tilespmem:$0x70];
	v5 =	vand.u32 $0xFFFFE000, v5;
	v8 =	vshra.s32 v1, $0x2  }
0x17: {  	v9 =	vld [tilespmem:$0x30];
	v0 =	vor.u32 v0, v5;
	v5 =	vand.u32 $0xFFFFE000, v8;
	v8 =	vshra.s32 v2, $0x2  }
0x18: {  	v1 =	vand.u32 $0x1FFF, v1;
	v2 =	vand.u32 $0x1FFF, v2;
	v10 =	vld [tilespmem:$0x20];
	v8 =	vand.u32 $0xFFFFE000, v8  }
0x19: {  	v1 =	vor.u32 v1, v5;
	v11 =	vld [tilespmem:$0x10];
	v12 =	vshra.s32 v4, $0x2;
	v2 =	vor.u32 v2, v8  }
0x1a: {  	v4 =	vand.u32 $0x1FFF, v4;
	v5 =	vld [tilespmem:$0x0];
	v8 =	vand.u32 $0xFFFFE000, v12;
	[tilespmem:$0x1D0] =	vst v1;
	v1 =	vand.u32 $0x1FFF, v6  }
0x1b: {  	v4 =	vor.u32 v4, v8;
	v8 =	vshra.s32 v3, $0x2;
	v3 =	vand.u32 $0x1FFF, v3;
	[tilespmem:$0x1E0] =	vst v2  }
0x1c: {  	v6 =	vshra.s32 v6, $0x2;
	v12 =	vshra.s32 v7, $0x2;
	v2 =	vshra.s32 v9, $0x2;
	v13 =	vld [tilespmem:$0xA0]  }
0x1d: {  	v12 =	vand.u32 $0xFFFFE000, v12;
	v14 =	vand.u32 $0x1FFF, v10;
	v2 =	vand.u32 $0xFFFFE000, v2;
	v15 =	vld [tilespmem:$0x60];
	[tilespmem:$0x1C0] =	vst v0  }
0x1e: {  	v7 =	vand.u32 $0x1FFF, v7;
	v9 =	vand.u32 $0x1FFF, v9;
	v0 =	vshra.s32 v10, $0x2;
	v10 =	vld [tilespmem:$0x50];
	[tilespmem:$0x80] =	vst v4  }
0x1f: {  	v6 =	vand.u32 $0xFFFFE000, v6;
	v8 =	vand.u32 $0xFFFFE000, v8;
	v4 =	vand.u32 $0x1FFF, v11;
	v16 =	vld [tilespmem:$0x40]  }
0x20: {  	v1 =	vor.u32 v1, v6;
	v2 =	vor.u32 v9, v2;
	v17 =	vshra.s32 v5, $0x2  }
0x21: {  	v9 =	vshra.s32 v11, $0x2;
	v5 =	vand.u32 $0x1FFF, v5;
	v6 =	vand.u32 $0xFFFFE000, v17;
	[tilespmem:$0x1F0] =	vst v1  }
0x22: {  	v1 =	vor.u32 v5, v6;
	v5 =	vand.u32 $0xFFFFE000, v9;
	v6 =	vshra.s32 v15, $0x2;
	v9 =	vld [tilespmem:$0xC0]  }
0x23: {  	v3 =	vor.u32 v3, v8;
	v0 =	vand.u32 $0xFFFFE000, v0;
	[tilespmem:$0x0] =	vst v1;
	v1 =	vand.u32 $0x1FFF, v13;
	v11 =	vld [tilespmem:$0xB0]  }
0x24: {  	v7 =	vor.u32 v7, v12;
	v8 =	vand.u32 $0x1FFF, v15;
	[tilespmem:$0x30] =	vst v2;
	v2 =	vshra.s32 v16, $0x2;
	v12 =	vld [tilespmem:$0x90]  }
0x25: {  	v15 =	vand.u32 $0x1FFF, v16;
	v16 =	vshra.s32 v10, $0x2;
	[tilespmem:$0x70] =	vst v7;
	v7 =	vshra.s32 v13, $0x2  }
0x26: {  	v6 =	vand.u32 $0xFFFFE000, v6;
	v2 =	vand.u32 $0xFFFFE000, v2;
	v13 =	vand.u32 $0xFFFFE000, v16;
	v16 =	vld [tilespmem:$0x110];
	[tilespmem:$0x1B0] =	vst v3  }
0x27: {  	v2 =	vor.u32 v15, v2;
	v3 =	vand.u32 $0xFFFFE000, v7;
	v7 =	vand.u32 $0x1FFF, v9;
	v15 =	vld [tilespmem:$0x100]  }
0x28: {  	v1 =	vor.u32 v1, v3;
	v3 =	vshra.s32 v9, $0x2;
	[tilespmem:$0x40] =	vst v2;
	v2 =	vand.u32 $0x1FFF, v10;
	v9 =	vld [tilespmem:$0xD0]  }
0x29: {  	v0 =	vor.u32 v14, v0;
	v4 =	vor.u32 v4, v5;
	[tilespmem:$0xA0] =	vst v1;
	v1 =	vand.u32 $0x1FFF, v11;
	v5 =	vld [tilespmem:$0x120]  }
0x2a: {  	v10 =	vand.u32 $0x1FFF, v12;
	v11 =	vshra.s32 v11, $0x2;
	[tilespmem:$0x20] =	vst v0;
	v0 =	vshra.s32 v12, $0x2;
	v12 =	vld [tilespmem:$0xF0]  }
0x2b: {  	v3 =	vand.u32 $0xFFFFE000, v3;
	[tilespmem:$0x10] =	vst v4;
	v4 =	vand.u32 $0xFFFFE000, v11;
	v11 =	vld [tilespmem:$0xE0];
	v14 =	vand.u32 $0x1FFF, v16  }
0x2c: {  	v3 =	vor.u32 v7, v3;
	v1 =	vor.u32 v1, v4;
	v4 =	vshra.s32 v16, $0x2  }
0x2d: {  	v6 =	vor.u32 v8, v6;
	v2 =	vor.u32 v2, v13;
	[tilespmem:$0xC0] =	vst v3;
	v3 =	vand.u32 $0x1FFF, v15  }
0x2e: {  	v7 =	vand.u32 $0x1FFF, v9;
	[tilespmem:$0x60] =	vst v6;
	v6 =	vshra.s32 v9, $0x2;
	v8 =	vand.u32 $0x1FFF, v5;
	v9 =	vld [tilespmem:$0x180]  }
0x2f: {  	v4 =	vand.u32 $0xFFFFE000, v4;
	v5 =	vshra.s32 v5, $0x2;
	[tilespmem:$0x50] =	vst v2;
	v2 =	vshra.s32 v15, $0x2;
	v13 =	vld [tilespmem:$0x170]  }
0x30: {  	v4 =	vor.u32 v14, v4;
	[tilespmem:$0xB0] =	vst v1;
	v1 =	vand.u32 $0xFFFFE000, v6;
	v6 =	vand.u32 $0x1FFF, v12;
	v14 =	vld [tilespmem:$0x130]  }
0x31: {  	v0 =	vand.u32 $0xFFFFE000, v0;
	v15 =	vshra.s32 v11, $0x2;
	[tilespmem:$0x110] =	vst v4;
	v4 =	vand.u32 $0xFFFFE000, v5  }
0x32: {  	v0 =	vor.u32 v10, v0;
	v1 =	vor.u32 v7, v1;
	v5 =	vand.u32 $0xFFFFE000, v15;
	v7 =	vld [tilespmem:$0x190]  }
0x33: {  	v10 =	vshra.s32 v12, $0x2;
	[tilespmem:$0x90] =	vst v0;
	v0 =	vand.u32 $0x1FFF, v11;
	v11 =	vld [tilespmem:$0x150];
	v12 =	vshra.s32 v9, $0x2  }
0x34: {  	[tilespmem:$0xD0] =	vst v1;
	v0 =	vor.u32 v0, v5;
	v1 =	vand.u32 $0xFFFFE000, v2;
	v2 =	vld [tilespmem:$0x140];
	v5 =	vand.u32 $0x1FFF, v9  }
0x35: {  	[tilespmem:$0xE0] =	vst v0;
	v0 =	vand.u32 $0xFFFFE000, v10;
	v1 =	vor.u32 v3, v1;
	v3 =	vor.u32 v8, v4  }
0x36: {  	v4 =	vand.u32 $0x1FFF, v14;
	v8 =	vand.u32 $0x1FFF, v13;
	[tilespmem:$0x120] =	vst v3;
	v3 =	vshra.s32 v14, $0x2  }
0x37: {  	v9 =	vand.u32 $0xFFFFE000, v12;
	[tilespmem:$0x100] =	vst v1;
	v1 =	vshra.s32 v13, $0x2;
	v10 =	vand.u32 $0x1FFF, v7;
	v12 =	vld [tilespmem:$0x1A0]  }
0x38: {  	v5 =	vor.u32 v5, v9;
	v0 =	vor.u32 v6, v0;
	v3 =	vand.u32 $0xFFFFE000, v3;
	v6 =	vld [tilespmem:$0x160]  }
0x39: {  	v1 =	vand.u32 $0xFFFFE000, v1;
	[tilespmem:$0xF0] =	vst v0;
	v0 =	vor.u32 v4, v3;
	v3 =	vshra.s32 v7, $0x2  }
0x3a: {  	v4 =	vand.u32 $0x1FFF, v11;
	v1 =	vor.u32 v8, v1;
	[tilespmem:$0x130] =	vst v0;
	v0 =	vshra.s32 v2, $0x2  }
0x3b: {  	v7 =	vshra.s32 v11, $0x2;
	v2 =	vand.u32 $0x1FFF, v2;
	v0 =	vand.u32 $0xFFFFE000, v0;
	[tilespmem:$0x180] =	vst v5  }
0x3c: {  	v0 =	vor.u32 v2, v0;
	[tilespmem:$0x170] =	vst v1;
	v1 =	vand.u32 $0xFFFFE000, v3;
	v2 =	vand.u32 $0x1FFF, v12  }
0x3d: {  	[tilespmem:$0x140] =	vst v0;
	v0 =	vand.u32 $0xFFFFE000, v7;
	v3 =	vand.u32 $0x1FFF, v6;
	v1 =	vor.u32 v10, v1  }
0x3e: {  	v0 =	vor.u32 v4, v0;
	v4 =	vshra.s32 v6, $0x2;
	[tilespmem:$0x190] =	vst v1;
	v1 =	vshra.s32 v12, $0x2  }
0x3f: {  	[tilespmem:$0x150] =	vst v0;
	v0 =	vand.u32 $0xFFFFE000, v4;
	v1 =	vand.u32 $0xFFFFE000, v1  }
0x40: {  	v0 =	vor.u32 v3, v0;
	v1 =	vor.u32 v2, v1  }
0x41: {  	[tilespmem:$0x1A0] =	vst v1  }
0x42: {  	[tilespmem:$0x160] =	vst v0  }
0x43: {  	[tilespmem:s8], [sflag:$0x1] =	stream.indirect.gather [hbm4b:s3+s11], $0x80, s2, s11, $0xb8;
	[tilespmem:$0x8200] =	vst v63  }
0x44: {  	_ = 	snop  }
0x45: {  	[tilespmem:s6], [sflag:$0x2] =	stream.indirect.gather [hbm4b:s3+s11], $0x80, s11, s11, $0xb8;
	[tilespmem:$0x8200] =	vst v63  }
0x46: {  	_ =	swait.ge [sflag:s12], $0x4000  }
0x47: {  	[sflag:s12] =	ssyncset.done $0x0  }
0x48: {  	[sflag:s12] =	ssyncadd.s32 $0xFFFFC000  }
0x49: {  	[hbm4b:s14+s2] =	stream.linear.scatter [tilespmem:s8], [sflag:$0x3], $0x4000, $0x38;
	[tilespmem:$0x8200] =	vst v63  }
0x4a: {  	_ =	swait.ge [sflag:s7], $0x4000  }
0x4b: {  	[sflag:s7] =	ssyncset.done $0x0  }
0x4c: {  	[sflag:s7] =	ssyncadd.s32 $0xFFFFC000  }
0x4d: {  	[tilespmem:s8], [sflag:$0x1] =	stream.indirect.gather [hbm4b:s3+s11], $0x80, s16, s11, $0xb8;
	[tilespmem:$0x8200] =	vst v63  }
0x4e: {  	_ =	swait.ge [sflag:s13], $0x4000  }
0x4f: {  	[sflag:s13] =	ssyncset.done $0x0  }
0x50: {  	[sflag:s13] =	ssyncadd.s32 $0xFFFFC000  }
0x51: {  	[hbm4b:s10+s2] =	stream.linear.scatter [tilespmem:s6], [sflag:$0x4], $0x4000, $0x38;
	[tilespmem:$0x8200] =	vst v63  }
0x52: {  	_ =	swait.ge [sflag:s9], $0x4000  }
0x53: {  	[sflag:s9] =	ssyncset.done $0x0  }
0x54: {  	[sflag:s9] =	ssyncadd.s32 $0xFFFFC000  }
0x55: {  	[tilespmem:s6], [sflag:$0x2] =	stream.indirect.gather [hbm4b:s3+s11], $0x80, s15, s11, $0xb8;
	[tilespmem:$0x8200] =	vst v63  }
0x56: {  	_ =	swait.ge [sflag:s12], $0x4000  }
0x57: {  	[sflag:s12] =	ssyncset.done $0x0  }
0x58: {  	[sflag:s12] =	ssyncadd.s32 $0xFFFFC000  }
0x59: {  	[hbm4b:s5+s2] =	stream.linear.scatter [tilespmem:s8], [sflag:$0x3], $0x4000, $0x38;
	[tilespmem:$0x8200] =	vst v63  }
0x5a: {  	_ =	swait.ge [sflag:s13], $0x4000  }
0x5b: {  	[sflag:s13] =	ssyncset.done $0x0  }
0x5c: {  	[sflag:s13] =	ssyncadd.s32 $0xFFFFC000  }
0x5d: {  	[hbm4b:s4+s2] =	stream.linear.scatter [tilespmem:s6], [sflag:$0x4], $0x4000, $0x38;
	[tilespmem:$0x8200] =	vst v63  }
0x5e: {  	_ =	swait.ge [sflag:s7], $0x4000  }
0x5f: {  	[sflag:s7] =	ssyncset.done $0x0  }
0x60: {  	[sflag:s7] =	ssyncadd.s32 $0xFFFFC000  }
0x61: {  	_ =	swait.ge [sflag:s9], $0x4000  }
0x62: {  	[sflag:s9] =	ssyncset.done $0x0  }
0x63: {  	[sflag:s9] =	ssyncadd.s32 $0xFFFFC000  }
0x64: {  	[tilespmem:s2], [sflag:$0x5] =	stream.linear.gather [hbm4b:s17+s2], $0x200, $0x38;
	[tilespmem:$0x8200] =	vst v63  }
.Ltmp1:
0x65: {  	_ = 	snop;
	(pc) =	sbr.rel @p0 .LBB2_1-.Ltmp1, $4  }
0x66: {  	_ =	swait.ge [sflag:s18], $0x200  }
0x67: {  	[sflag:s18] =	ssyncset.done $0x0  }
0x68: {  	[sflag:s18] =	ssyncadd.s32 $0xFFFFFE00  }
0x69: {  	v0 =	vld [tilespmem:$0x1C0]  }
.LBB2_2:
0x6a: {  	v1 =	vld [tilespmem:$0x1D0]  }
0x6b: {  	v2 =	vld [tilespmem:$0x1E0]  }
0x6c: {  	v3 =	vld [tilespmem:$0x1B0]  }
0x6d: {  	v4 =	vld [tilespmem:$0x80]  }
0x6e: {  	v6 =	vld [tilespmem:$0x1F0]  }
0x6f: {  	v7 =	vld [tilespmem:$0x70]  }
0x70: {  	v9 =	vld [tilespmem:$0x30]  }
0x71: {  	v10 =	vld [tilespmem:$0x20]  }
0x72: {  	v33 =	vld [tilespmem:$0x10]  }
0x73: {  	v12 =	vld [tilespmem:$0x0]  }
0x74: {  	v16 =	vld [tilespmem:$0x60];
	v5 =	vshra.s32 v0, $0x2  }
0x75: {  	v17 =	vld [tilespmem:$0xA0];
	v30 =	vand.u32 $0x1FFF, v0;
	v5 =	vand.u32 $0xFFFFE000, v5;
	v8 =	vshra.s32 v1, $0x2  }
0x76: {  	v19 =	vld [tilespmem:$0x40];
	v32 =	vshra.s32 v2, $0x2;
	v1 =	vand.u32 $0x1FFF, v1;
	v2 =	vand.u32 $0x1FFF, v2  }
0x77: {  	v37 =	vld [tilespmem:$0x50];
	v11 =	vshra.s32 v4, $0x2;
	v4 =	vand.u32 $0x1FFF, v4;
	v35 =	vand.u32 $0x1FFF, v6  }
0x78: {  	v41 =	vld [tilespmem:$0xC0];
	v36 =	vshra.s32 v3, $0x2;
	v3 =	vand.u32 $0x1FFF, v3;
	v13 =	vshra.s32 v9, $0x2  }
0x79: {  	v44 =	vld [tilespmem:$0xB0];
	v14 =	vshra.s32 v7, $0x2;
	v6 =	vshra.s32 v6, $0x2;
	v15 =	vand.u32 $0x1FFF, v10  }
0x7a: {  	v46 =	vld [tilespmem:$0x90];
	v10 =	vshra.s32 v10, $0x2;
	v9 =	vand.u32 $0x1FFF, v9;
	v7 =	vand.u32 $0x1FFF, v7  }
0x7b: {  	v18 =	vand.u32 $0x1FFF, v33;
	v38 =	vshra.s32 v12, $0x2;
	v12 =	vand.u32 $0x1FFF, v12  }
0x7c: {  	v51 =	vld [tilespmem:$0x110];
	v40 =	vshra.s32 v16, $0x2;
	v43 =	vand.u32 $0x1FFF, v17;
	v45 =	vshra.s32 v19, $0x2  }
0x7d: {  	v16 =	vand.u32 $0x1FFF, v16;
	v47 =	vand.u32 $0x1FFF, v19;
	v48 =	vshra.s32 v37, $0x2  }
0x7e: {  	v55 =	vld [tilespmem:$0x100];
	v17 =	vshra.s32 v17, $0x2;
	v54 =	vand.u32 $0x1FFF, v41;
	v56 =	vand.u32 $0x1FFF, v37  }
0x7f: {  	v58 =	vld [tilespmem:$0xD0];
	v57 =	vshra.s32 v41, $0x2;
	v60 =	vshra.s32 v44, $0x2;
	v61 =	vshra.s32 v46, $0x2  }
0x80: {  	v62 =	vand.u32 $0x1FFF, v46;
	v0 =	vor.u32 v30, v5;
	v31 =	vand.u32 $0xFFFFE000, v8  }
0x81: {  	v59 =	vld [tilespmem:$0x120];
	v21 =	vand.u32 $0x1FFF, v51;
	v8 =	vand.u32 $0xFFFFE000, v32;
	v1 =	vor.u32 v1, v31;
	[tilespmem:$0x1C0] =	vst v0  }
0x82: {  	v22 =	vshra.s32 v51, $0x2;
	v34 =	vand.u32 $0xFFFFE000, v11;
	v2 =	vor.u32 v2, v8;
	[tilespmem:$0x1D0] =	vst v1  }
0x83: {  	v25 =	vand.u32 $0x1FFF, v55;
	v6 =	vand.u32 $0xFFFFE000, v6;
	v4 =	vor.u32 v4, v34;
	[tilespmem:$0x1E0] =	vst v2  }
0x84: {  	v26 =	vshra.s32 v58, $0x2;
	v11 =	vand.u32 $0xFFFFE000, v38;
	v6 =	vor.u32 v35, v6;
	[tilespmem:$0x80] =	vst v4  }
0x85: {  	v27 =	vand.u32 $0x1FFF, v58;
	v13 =	vand.u32 $0xFFFFE000, v13;
	v39 =	vor.u32 v12, v11;
	[tilespmem:$0x1F0] =	vst v6  }
0x86: {  	v63 =	vld [tilespmem:$0xF0];
	v28 =	vand.u32 $0x1FFF, v59;
	v14 =	vand.u32 $0xFFFFE000, v14;
	v9 =	vor.u32 v9, v13;
	[tilespmem:$0x0] =	vst v39  }
0x87: {  	v5 =	vshra.s32 v33, $0x2;
	v49 =	vand.u32 $0xFFFFE000, v45;
	v7 =	vor.u32 v7, v14;
	[tilespmem:$0x30] =	vst v9  }
0x88: {  	v42 =	vand.u32 $0xFFFFE000, v10;
	v10 =	vand.u32 $0xFFFFE000, v57;
	v52 =	vor.u32 v47, v49;
	[tilespmem:$0x70] =	vst v7  }
0x89: {  	v20 =	vld [tilespmem:$0xE0];
	v50 =	vand.u32 $0xFFFFE000, v48;
	v53 =	vand.u32 $0xFFFFE000, v17;
	v10 =	vor.u32 v54, v10;
	[tilespmem:$0x40] =	vst v52  }
0x8a: {  	v30 =	vshra.s32 v55, $0x2;
	v8 =	vand.u32 $0xFFFFE000, v36;
	v23 =	vor.u32 v56, v50;
	[tilespmem:$0xC0] =	vst v10  }
0x8b: {  	v32 =	vand.u32 $0x1FFF, v63;
	v5 =	vand.u32 $0xFFFFE000, v5;
	v3 =	vor.u32 v3, v8;
	[tilespmem:$0x50] =	vst v23  }
0x8c: {  	v29 =	vld [tilespmem:$0x180];
	v11 =	vand.u32 $0xFFFFE000, v40;
	v0 =	vand.u32 $0x1FFF, v44;
	v6 =	vor.u32 v43, v53;
	[tilespmem:$0x1B0] =	vst v3  }
0x8d: {  	v13 =	vand.u32 $0xFFFFE000, v60;
	v14 =	vand.u32 $0xFFFFE000, v22;
	v2 =	vor.u32 v15, v42;
	[tilespmem:$0xA0] =	vst v6  }
0x8e: {  	v34 =	vshra.s32 v20, $0x2;
	v41 =	vand.u32 $0xFFFFE000, v30;
	v5 =	vor.u32 v18, v5;
	[tilespmem:$0x20] =	vst v2  }
0x8f: {  	v0 =	vor.u32 v0, v13;
	v24 =	vor.u32 v16, v11;
	v7 =	vshra.s32 v59, $0x2;
	[tilespmem:$0x10] =	vst v5  }
0x90: {  	v51 =	vld [tilespmem:$0x160];
	v13 =	vor.u32 v21, v14;
	v37 =	vand.u32 $0xFFFFE000, v34;
	v4 =	vshra.s32 v63, $0x2;
	[tilespmem:$0x60] =	vst v24  }
0x91: {  	v33 =	vld [tilespmem:$0x130];
	v39 =	vshra.s32 v29, $0x2;
	v42 =	vand.u32 $0x1FFF, v29;
	v3 =	vand.u32 $0xFFFFE000, v61;
	[tilespmem:$0xB0] =	vst v0  }
0x92: {  	v38 =	vld [tilespmem:$0x190];
	v5 =	vand.u32 $0xFFFFE000, v26;
	v7 =	vand.u32 $0xFFFFE000, v7;
	[tilespmem:$0x110] =	vst v13;
	v35 =	vor.u32 v62, v3  }
0x93: {  	v31 =	vld [tilespmem:$0x170];
	v6 =	vand.u32 $0x1FFF, v20;
	v4 =	vand.u32 $0xFFFFE000, v4;
	v36 =	vor.u32 v27, v5;
	[tilespmem:$0x90] =	vst v35  }
0x94: {  	v40 =	vld [tilespmem:$0x150];
	v47 =	vand.u32 $0xFFFFE000, v39;
	v3 =	vor.u32 v6, v37;
	v6 =	vor.u32 v25, v41;
	[tilespmem:$0xD0] =	vst v36  }
0x95: {  	v7 =	vor.u32 v28, v7;
	v4 =	vor.u32 v32, v4;
	v50 =	vor.u32 v42, v47;
	[tilespmem:$0xE0] =	vst v3  }
0x96: {  	v43 =	vld [tilespmem:$0x140];
	v60 =	vshra.s32 v51, $0x2;
	v62 =	vand.u32 $0x1FFF, v51;
	v44 =	vshra.s32 v33, $0x2;
	[tilespmem:$0x120] =	vst v7  }
0x97: {  	v2 =	vand.u32 $0x1FFF, v33;
	v48 =	vand.u32 $0x1FFF, v38;
	[tilespmem:$0x100] =	vst v6;
	v53 =	vshra.s32 v38, $0x2  }
0x98: {  	v49 =	vld [tilespmem:$0x1A0];
	[tilespmem:$0xF0] =	vst v4;
	v45 =	vand.u32 $0x1FFF, v31;
	v46 =	vshra.s32 v31, $0x2;
	v3 =	vand.u32 $0xFFFFE000, v44  }
0x99: {  	[tilespmem:$0x180] =	vst v50;
	v55 =	vand.u32 $0x1FFF, v40;
	v56 =	vand.u32 $0xFFFFE000, v53;
	v2 =	vor.u32 v2, v3  }
0x9a: {  	v0 =	vshra.s32 v40, $0x2;
	v52 =	vand.u32 $0xFFFFE000, v46;
	v58 =	vor.u32 v48, v56;
	[tilespmem:$0x130] =	vst v2  }
0x9b: {  	v54 =	vshra.s32 v43, $0x2;
	v0 =	vand.u32 $0xFFFFE000, v0;
	v3 =	vor.u32 v45, v52;
	[tilespmem:$0x190] =	vst v58  }
0x9c: {  	v1 =	vand.u32 $0x1FFF, v43;
	v2 =	vand.u32 $0xFFFFE000, v54;
	v0 =	vor.u32 v55, v0;
	[tilespmem:$0x170] =	vst v3  }
0x9d: {  	v63 =	vand.u32 $0xFFFFE000, v60;
	v59 =	vshra.s32 v49, $0x2;
	v1 =	vor.u32 v1, v2;
	[tilespmem:$0x150] =	vst v0  }
0x9e: {  	v57 =	vand.u32 $0x1FFF, v49;
	v61 =	vand.u32 $0xFFFFE000, v59;
	v0 =	vor.u32 v62, v63;
	[tilespmem:$0x140] =	vst v1  }
0x9f: {  	v1 =	vor.u32 v57, v61;
	[tilespmem:$0x160] =	vst v0  }
0xa0: {  	[tilespmem:$0x1A0] =	vst v1  }
0xa1: {  	[tilespmem:s8], [sflag:$0x1] =	stream.indirect.gather [hbm4b:s3+s11], $0x80, s2, s11, $0xb8;
	[tilespmem:$0x8200] =	vst v63  }
0xa2: {  	_ = 	snop  }
0xa3: {  	[tilespmem:s6], [sflag:$0x2] =	stream.indirect.gather [hbm4b:s3+s11], $0x80, s11, s11, $0xb8;
	[tilespmem:$0x8200] =	vst v63  }
0xa4: {  	_ =	swait.ge [sflag:s12], $0x4000  }
0xa5: {  	[sflag:s12] =	ssyncset.done $0x0  }
0xa6: {  	[sflag:s12] =	ssyncadd.s32 $0xFFFFC000  }
0xa7: {  	[hbm4b:s14+s2] =	stream.linear.scatter [tilespmem:s8], [sflag:$0x3], $0x4000, $0x38;
	[tilespmem:$0x8200] =	vst v63  }
0xa8: {  	_ =	swait.ge [sflag:s7], $0x4000  }
0xa9: {  	[sflag:s7] =	ssyncset.done $0x0  }
0xaa: {  	[sflag:s7] =	ssyncadd.s32 $0xFFFFC000  }
0xab: {  	[tilespmem:s8], [sflag:$0x1] =	stream.indirect.gather [hbm4b:s3+s11], $0x80, s16, s11, $0xb8;
	[tilespmem:$0x8200] =	vst v63  }
0xac: {  	_ =	swait.ge [sflag:s13], $0x4000  }
0xad: {  	[sflag:s13] =	ssyncset.done $0x0  }
0xae: {  	[sflag:s13] =	ssyncadd.s32 $0xFFFFC000  }
0xaf: {  	[hbm4b:s10+s2] =	stream.linear.scatter [tilespmem:s6], [sflag:$0x4], $0x4000, $0x38;
	[tilespmem:$0x8200] =	vst v63  }
0xb0: {  	_ =	swait.ge [sflag:s9], $0x4000  }
0xb1: {  	[sflag:s9] =	ssyncset.done $0x0  }
0xb2: {  	[sflag:s9] =	ssyncadd.s32 $0xFFFFC000  }
0xb3: {  	[tilespmem:s6], [sflag:$0x2] =	stream.indirect.gather [hbm4b:s3+s11], $0x80, s15, s11, $0xb8;
	[tilespmem:$0x8200] =	vst v63  }
0xb4: {  	_ =	swait.ge [sflag:s12], $0x4000  }
0xb5: {  	[sflag:s12] =	ssyncset.done $0x0  }
0xb6: {  	[sflag:s12] =	ssyncadd.s32 $0xFFFFC000  }
0xb7: {  	[hbm4b:s5+s2] =	stream.linear.scatter [tilespmem:s8], [sflag:$0x3], $0x4000, $0x38;
	[tilespmem:$0x8200] =	vst v63  }
0xb8: {  	_ =	swait.ge [sflag:s13], $0x4000  }
0xb9: {  	[sflag:s13] =	ssyncset.done $0x0  }
0xba: {  	[sflag:s13] =	ssyncadd.s32 $0xFFFFC000  }
0xbb: {  	[hbm4b:s4+s2] =	stream.linear.scatter [tilespmem:s6], [sflag:$0x4], $0x4000, $0x38;
	[tilespmem:$0x8200] =	vst v63  }
0xbc: {  	_ =	swait.ge [sflag:s7], $0x4000  }
0xbd: {  	[sflag:s7] =	ssyncset.done $0x0  }
0xbe: {  	[sflag:s7] =	ssyncadd.s32 $0xFFFFC000  }
0xbf: {  	_ =	swait.ge [sflag:s9], $0x4000  }
0xc0: {  	[sflag:s9] =	ssyncset.done $0x0  }
0xc1: {  	[sflag:s9] =	ssyncadd.s32 $0xFFFFC000  }
0xc2: {  	_ =	sfence.sel $0x180000  }
0xc3: {  	[bflag:$0x0] =	sbarrier.arrive $0xFFFF  }
0xc4: {  	p0 =	sne.s32 s1, $0x0;
	_ =	strace $0x9000004A  }
0xc5: {  	s0 =	sadd.s32 @!p0 $0x100000, s0;
	[bflag:$0x2] =	sbarrier.arrive $0xFFFF  }
0xc6: {  	[sflag:s0] =	ssyncadd.tile.s32 @!p0 $0x1;
	_ =	shalt  }
.Lfunc_end2:
_tile_overlayer_lowered:
.L_overlay_start_2:
0xc7: {  	(tag) =	ssettag $0x2  }
0xc8: {  	s0 =	rddreg [dreg:$0x0];
	s2 =	stileid.u32  }
0xc9: {  	s1 =	rddreg [dreg:$0x1];
	p0 =	sne.s32 s2, $0x0  }
0xca: {  	s3 =	rddreg [dreg:$0x2];
	[bflag:$0x3] =	sbarrier.arrive $0xFFFF;
	s2 =	simm.s32 @!p0 $0x1C05  }
0xcb: {  	[timem:s3], [sflag:s2] =	dma.local @!p0 [hbm:s0], s1  }
0xcc: {  	s0 =	simm.s32 @!p0 $0x5  }
0xcd: {  	_ =	swait.ge @!p0 [sflag:s0], s1  }
0xce: {  	s1 =	ssub.s32 @!p0 $0x0, s1;
	[sflag:s0] =	ssyncset.done @!p0 $0x0  }
0xcf: {  	[sflag:s0] =	ssyncadd.s32 @!p0 s1  }
0xd0: {  	[bflag:$0x3] =	sbarrier.arrive $0xFFFF  }
0xd1: {  	_ =	shalt  }

// kernel: kernel.7.cloned.1.call-start
scs
__scs_entry_jumppad:
0x0: {  	(pc) =	sbr.rel $0x88, $3  }
0x1: {  	(tag) =	ssettag $0x0;
	lr =	simm.s32 $0x1  }
0x2: {  	[smem:$0x3F99] =	sst lr;
	_ =	strace $0xD0000000  }
0x3: {  	_ = 	snop  }
0x4: {  	_ = 	snop  }
0x5: {  	_ = 	snop  }
0x6: {  	_ = 	snop  }
0x7: {  	_ = 	snop  }
__scs_overlays_trampoline_lowered:
0x8: {  	[smem:$0x3FA8] =	sst s0  }
0x9: {  	[smem:$0x3FA9] =	sst s1  }
0xa: {  	[smem:$0x3FAA] =	sst s2  }
0xb: {  	[smem:$0x3FAB] =	sst s3  }
0xc: {  	[smem:$0x3FAC] =	sst s4  }
0xd: {  	[smem:$0x3FAD] =	sst s5  }
0xe: {  	[smem:$0x3FAE] =	sst s6  }
0xf: {  	[smem:$0x3FAF] =	sst s7  }
0x10: {  	[smem:$0x3FB0] =	sst s8  }
0x11: {  	[smem:$0x3FB1] =	sst s9;
	s0 =	simm.s32 @!p0 $0x0  }
0x12: {  	s1 =	sld [smem:$0x3F97];
	s0 =	simm.s32 @p0 $0x1  }
0x13: {  	[smem:$0x3FB2] =	sst s0;
	s0 =	simm.s32 @!p1 $0x0  }
0x14: {  	s2 =	sld [smem:$0x3F96];
	s0 =	simm.s32 @p1 $0x1  }
0x15: {  	[smem:$0x3FB3] =	sst s0;
	s0 =	simm.s32 @!p2 $0x0  }
0x16: {  	s3 =	sld [smem:$0x3FDB];
	s0 =	simm.s32 @p2 $0x1  }
0x17: {  	s4 =	simm.s32 $0x1BF5;
	[smem:$0x3FB5] =	sst s0  }
0x18: {  	s0 =	sld [smem:$0x3F98];
	_ =	swait.ge [sflag:s4], $0x0  }
0x19: {  	s7 =	sld [smem:$0x3F99]  }
0x1a: {  	s8 =	sadd.s32 $0xFFFFE003, lr  }
0x1b: {  	s9 =	sadd.s32 $0xFFFFFEF7, lr;
	s5 =	simm.s32 $0xFFFFFFFF;
	p2 =	slt.u32 s8, $0xFFFFF086  }
0x1c: {  	p1 =	slt.u32 s9, $0xF7A;
	s5 =	simm.s32 @!p2 $0x0  }
0x1d: {  	s5 =	simm.s32 @p1 $0x1;
	p0 =	seq.s32 s7, s2  }
0x1e: {  	s7 =	smul.u32 @!p0 $0xF7A, s2;
	p2 =	seq.s32 @!p0 s5, $0x0  }
0x1f: {  	s9 =	smul.u32 $0xF7A, s1;
	s8 =	simm.s32 @!p0 $0x1BF5;
	p2 =	por !p2, p0  }
0x20: {  	[sflag:s8] =	ssyncset.s32 @!p0 $0xFFFFF086;
	s6 =	sadd.s32 @!p0 s3, s7;
	s7 =	simm.s32 @!p0 $0x108  }
0x21: {  	s3 =	sadd.s32 s3, s9;
	s6 =	sadd.s32 @!p0 $0x88, s6;
	s7 =	simm.s32 @p2 $0x1082  }
0x22: {  	[simem:s7], [sflag:s8] =	dma.local @!p0 [hbm:s6], $0xF7A  }
0x23: {  	s9 =	sor.u32 $0xD0000000, s2;
	s6 =	simm.s32 $0x108;
	_ =	swait.ge @!p0 [sflag:s8], $0x0  }
0x24: {  	s3 =	sadd.s32 $0x88, s3;
	s6 =	simm.s32 @!p1 $0x1082;
	[sflag:s4] =	ssyncset.s32 $0xFFFFF086  }
0x25: {  	[simem:s6], [sflag:s4] =	dma.local [hbm:s3], $0xF7A  }
0x26: {  	[smem:$0x3F99] =	sst s1;
	(tag) =	ssettag s2;
	_ =	strace s9  }
0x27: {  	s1 =	sld [smem:$0x3FA9]  }
0x28: {  	s2 =	sld [smem:$0x3FAA]  }
0x29: {  	s4 =	sld [smem:$0x3FAC]  }
0x2a: {  	p0 =	seq.s32 s5, $0x0;
	s5 =	sld [smem:$0x3FAD]  }
0x2b: {  	s6 =	sld [smem:$0x3FAE]  }
0x2c: {  	s7 =	sld [smem:$0x3FAF]  }
0x2d: {  	s3 =	simm.s32 $0x108;
	s8 =	sld [smem:$0x3FB0]  }
0x2e: {  	s3 =	simm.s32 @!p0 $0x1082;
	s9 =	sld [smem:$0x3FB1]  }
0x2f: {  	lr =	sadd.s32 s0, s3;
	s0 =	sld [smem:$0x3FA8]  }
0x30: {  	s3 =	sld [smem:$0x3FAB]  }
0x31: {  	[smem:$0x3FB4] =	sst s10  }
0x32: {  	s10 =	sld [smem:$0x3FB2];
	_ =	sdelay $0x3  }
0x33: {  	p0 =	seq.s32 s10, $0x1;
	s10 =	sld [smem:$0x3FB4];
	_ =	sdelay $0x3  }
0x34: {  	[smem:$0x3FB4] =	sst s10  }
0x35: {  	s10 =	sld [smem:$0x3FB3];
	_ =	sdelay $0x3  }
0x36: {  	p1 =	seq.s32 s10, $0x1;
	s10 =	sld [smem:$0x3FB4];
	_ =	sdelay $0x3  }
0x37: {  	[smem:$0x3FB4] =	sst s10  }
0x38: {  	s10 =	sld [smem:$0x3FB5]  }
0x39: {  	_ = 	snop;
	(pc) =	sbr.ind lr, $3  }
0x3a: {  	_ = 	snop  }
0x3b: {  	_ = 	snop  }
0x3c: {  	p2 =	seq.s32 s10, $0x1;
	s10 =	sld [smem:$0x3FB4]  }
0x3d: {  	_ =	shalt  }
0x3e: {  	_ =	shalt  }
0x3f: {  	_ =	shalt  }
0x40: {  	_ =	shalt  }
0x41: {  	_ =	shalt  }
0x42: {  	_ =	shalt  }
0x43: {  	_ =	shalt  }
0x44: {  	_ =	shalt  }
0x45: {  	_ =	shalt  }
0x46: {  	_ =	shalt  }
0x47: {  	_ =	shalt  }
0x48: {  	_ =	shalt  }
0x49: {  	_ =	shalt  }
0x4a: {  	_ =	shalt  }
0x4b: {  	_ =	shalt  }
0x4c: {  	_ =	shalt  }
0x4d: {  	_ =	shalt  }
0x4e: {  	_ =	shalt  }
0x4f: {  	_ =	shalt  }
0x50: {  	_ =	shalt  }
0x51: {  	_ =	shalt  }
0x52: {  	_ =	shalt  }
0x53: {  	_ =	shalt  }
0x54: {  	_ =	shalt  }
0x55: {  	_ =	shalt  }
0x56: {  	_ =	shalt  }
0x57: {  	_ =	shalt  }
0x58: {  	_ =	shalt  }
0x59: {  	_ =	shalt  }
0x5a: {  	_ =	shalt  }
0x5b: {  	_ =	shalt  }
0x5c: {  	_ =	shalt  }
0x5d: {  	_ =	shalt  }
0x5e: {  	_ =	shalt  }
0x5f: {  	_ =	shalt  }
0x60: {  	_ =	shalt  }
0x61: {  	_ =	shalt  }
0x62: {  	_ =	shalt  }
0x63: {  	_ =	shalt  }
0x64: {  	_ =	shalt  }
0x65: {  	_ =	shalt  }
0x66: {  	_ =	shalt  }
0x67: {  	_ =	shalt  }
0x68: {  	_ =	shalt  }
0x69: {  	_ =	shalt  }
0x6a: {  	_ =	shalt  }
0x6b: {  	_ =	shalt  }
0x6c: {  	_ =	shalt  }
0x6d: {  	_ =	shalt  }
0x6e: {  	_ =	shalt  }
0x6f: {  	_ =	shalt  }
0x70: {  	_ =	shalt  }
0x71: {  	_ =	shalt  }
0x72: {  	_ =	shalt  }
0x73: {  	_ =	shalt  }
0x74: {  	_ =	shalt  }
0x75: {  	_ =	shalt  }
0x76: {  	_ =	shalt  }
0x77: {  	_ =	shalt  }
0x78: {  	_ =	shalt  }
0x79: {  	_ =	shalt  }
0x7a: {  	_ =	shalt  }
0x7b: {  	_ =	shalt  }
0x7c: {  	_ =	shalt  }
0x7d: {  	_ =	shalt  }
0x7e: {  	_ =	shalt  }
0x7f: {  	_ =	shalt  }
0x80: {  	_ =	shalt  }
0x81: {  	_ =	shalt  }
0x82: {  	_ =	shalt  }
0x83: {  	_ =	shalt  }
0x84: {  	_ =	shalt  }
0x85: {  	_ =	shalt  }
0x86: {  	_ =	shalt  }
0x87: {  	_ =	shalt  }
.Lfunc_end0:
.L_simem_size_0:
called_computation_lowered:
.L_overlay_start_0:
0x88: {  	s2 =	sld [smem:$0x3FD9]  }
0x89: {  	s3 =	sld [smem:$0x3FFE];
	_ =	sdelay $0x1  }
0x8a: {  	s1 =	srdreg.scid  }
0x8b: {  	s0 =	sand.u32 $0x1, s1  }
0x8c: {  	s17 =	sshll.u32 s0, $0xA;
	s2 =	sadd.s32 s3, s2  }
0x8d: {  	s2 =	sadd.s32 s2, s17  }
0x8e: {  	[smem:$0x3FC0] =	sst s2  }
0x8f: {  	_ = 	snop  }
0x90: {  	s2 =	sld [smem:$0x3FC9];
	(tm) =	ssettm $0x1  }
0x91: {  	s18 =	sld [smem:$0x3FFB];
	_ =	sdelay $0x3  }
0x92: {  	_ =	strace s18  }
0x93: {  	s3 =	sld [smem:$0x3FFC];
	_ =	sdelay $0x3  }
0x94: {  	_ =	strace s3  }
0x95: {  	s3 =	sld [smem:$0x3FFD];
	_ =	sdelay $0x3  }
0x96: {  	_ =	strace s3  }
0x97: {  	_ =	strace $0x8FFFFFFF  }
0x98: {  	s19 =	sld [smem:$0x3FDB];
	_ =	sdelay $0x1  }
0x99: {  	s4 =	simm.s32 $_scs_section_size  }
0x9a: {  	s5 =	simm.s32 $_size__tile_overlayer_lowered;
	s6 =	simm.s32 $_tile_overlayer_lowered  }
0x9b: {  	s22 =	simm.s32 $0x1BFF;
	s21 =	sshll.u32 s6, $0x1;
	s3 =	sadd.s32 s4, s19  }
0x9c: {  	s7 =	simm.s32 $0x0;
	s20 =	sshll.u32 s5, $0x1;
	s5 =	sadd.s32 s21, s3  }
0x9d: {  	[timem:s7], [sflag:s22] =	dma.local [hbm:s5], s20  }
0x9e: {  	_ =	swait.ge [sflag:s22], s20  }
0x9f: {  	s4 =	ssub.s32 $0x0, s20;
	[sflag:s22] =	ssyncset.done $0x0  }
0xa0: {  	[sflag:s22] =	ssyncadd.s32 s4;
	_ =	sdelay $0x1  }
0xa1: {  	s23 =	simm.s32 $0x1B8B  }
0xa2: {  	_ =	swait.ge [sflag:s23], $0x1  }
0xa3: {  	[sflag:s23] =	ssyncset.done $0x0  }
0xa4: {  	s25 =	simm.s32 $0x1B8E;
	s24 =	sld [smem:$0x3FFE];
	[sflag:s23] =	ssyncadd.s32 $0xFFFFFFFF  }
0xa5: {  	s26 =	simm.s32 $execute0_lowered;
	[smem:$0x3FD2] =	sst s25  }
0xa6: {  	s5 =	sshll.u32 s26, $0x1;
	_ =	strace $0x80000046;
	[dreg:$0x1] =	wrdreg $0xFFFFFFFF  }
0xa7: {  	s28 =	simm.s32 $_size_execute0_lowered;
	s3 =	sadd.s32 s3, s5;
	[dreg:$0x0] =	wrdreg $0x0  }
0xa8: {  	s5 =	sshll.u32 s28, $0x1;
	[dreg:$0x2] =	wrdreg s3  }
0xa9: {  	[dreg:$0x3] =	wrdreg s5  }
0xaa: {  	[dreg:$0x4] =	wrdreg $0xC0  }
0xab: {  	_ =	task [dreg:s7], $0x5FFFF  }
0xac: {  	[dreg:$0x1] =	wrdreg $0xFFFFFFFF  }
0xad: {  	[dreg:$0x0] =	wrdreg $0x60  }
0xae: {  	[dreg:$0x2] =	wrdreg s24  }
0xaf: {  	[dreg:$0x3] =	wrdreg s2  }
0xb0: {  	[dreg:$0x4] =	wrdreg $0x9  }
0xb1: {  	_ =	task.clear_ibuf [dreg:s7], $0x5FFFF;
	_ =	strace $0x90000046  }
0xb2: {  	s29 =	simm.s32 $0x9;
	_ =	strace $0x80000048  }
0xb3: {  	_ =	swait.ge [sflag:s29], $0x1  }
0xb4: {  	[sflag:s29] =	ssyncadd.s32 $0xFFFFFFFF  }
0xb5: {  	_ =	strace $0x90000048  }
0xb6: {  	_ =	sfence  }
0xb7: {  	s30 =	sld [smem:$0x0];
	_ =	sdelay $0x2  }
0xb8: {  	s31 =	sshll.u32 s1, $0xD;
	s1 =	sshrl.u32 s1, $0x2  }
0xb9: {  	s3 =	sand.u32 $0x4000, s31;
	s1 =	sadd.s32 s1, s30  }
0xba: {  	s0 =	sor.u32 s3, s0;
	s1 =	sshll.u32 s1, $0x11  }
0xbb: {  	s0 =	sor.u32 s1, s0  }
0xbc: {  	s0 =	sadd.s32 $0x8F2B, s0  }
0xbd: {  	[sflag:s0] =	ssyncadd.remote.s32 $0x1  }
0xbe: {  	_ =	sfence.sel $0xFFFF  }
0xbf: {  	[dreg:$0x0] =	wrdreg $0xFFFFFFFF;
	(pc) =	sbr.abs _section_cstart, $3  }
0xc0: {  	[dreg:$0x1] =	wrdreg $0xFFFFFFFF  }
0xc1: {  	_ =	task.clear_ibuf [dreg:s7], $0x2FFFF;
	_ =	strace $0x9FFFFFFF  }
0xc2: {  	(tm) =	ssettm $0x7FFFFFFF  }
0xc3: {  	_ =	shalt  }
tec
execute0_lowered:
.L_overlay_start_1:
0x0: {  	(tag) =	ssettag $0x1  }
0x1: {  	s4 =	rddreg [dreg:$0x0]  }
0x2: {  	s5 =	rddreg [dreg:$0x1]  }
0x3: {  	s0 =	rddreg [dreg:$0x2];
	s3 =	srdreg.scid;
	s2 =	simm.s32 $0x0  }
0x4: {  	s1 =	stileid.u32;
	s18 =	simm.s32 $0x5;
	s11 =	simm.s32 $0x80  }
0x5: {  	s12 =	simm.s32 $0x1;
	s16 =	simm.s32 $0x100;
	s3 =	sand.u32 $0x1, s3  }
0x6: {  	s6 =	sshll.u32 s1, $0xA;
	s7 =	sshll.u32 s3, $0x9;
	s31 =	ssub.s32 $0x2, s3  }
0x7: {  	[smem:$0x7FF] =	sst s2;
	s6 =	sor.u32 s7, s6;
	s9 =	sshrl.u32 s31, $0x1  }
0x8: {  	s8 =	sshll.u32 s6, $0x4;
	s7 =	ssub.s32 s31, s9;
	s6 =	sshrl.u32 s6, $0x3  }
0x9: {  	_ =	strace $0x80000047;
	s17 =	sadd.s32 s5, s6;
	s19 =	smax.u32 s7, $0x1  }
0xa: {  	[tilespmem:s2], [sflag:$0x5] =	stream.linear.gather [hbm4b:s17+s2], $0x200, $0x38;
	[tilespmem:$0x8200] =	vst v63  }
0xb: {  	s13 =	simm.s32 $0x2;
	s15 =	simm.s32 $0x180;
	p0 =	sne.s32 s19, $0x1  }
.Ltmp0:
0xc: {  	s3 =	sadd.s32 $0x1800, s4;
	s9 =	simm.s32 $0x4;
	(pc) =	sbr.rel @!p0 .LBB2_2-.Ltmp0, $4  }
0xd: {  	s4 =	sadd.s32 s8, s4;
	s8 =	simm.s32 $0x200;
	_ =	swait.ge [sflag:s18], $0x200  }
0xe: {  	s6 =	simm.s32 $0x4200;
	s7 =	simm.s32 $0x3;
	[sflag:s18] =	ssyncset.done $0x0  }
0xf: {  	s14 =	sadd.s32 $0x3E1800, s4;
	s10 =	sadd.s32 $0x3E2000, s4;
	[sflag:s18] =	ssyncadd.s32 $0xFFFFFE00  }
0x10: {  	s5 =	sadd.s32 $0x3E2800, s4;
	s4 =	sadd.s32 $0x3E3000, s4;
	s19 =	sadd.s32 $0xFFFFFFFF, s19;
	v0 =	vld [tilespmem:$0x1C0]  }
.LBB2_1:
0x11: {  	p0 =	sne.s32 s19, $0x1;
	s19 =	sadd.s32 $0xFFFFFFFF, s19;
	v1 =	vld [tilespmem:$0x1D0]  }
0x12: {  	v2 =	vld [tilespmem:$0x1E0]  }
0x13: {  	v3 =	vld [tilespmem:$0x1B0]  }
0x14: {  	v4 =	vld [tilespmem:$0x80]  }
0x15: {  	v5 =	vshra.s32 v0, $0x2;
	v6 =	vld [tilespmem:$0x1F0]  }
0x16: {  	v0 =	vand.u32 $0x1FFF, v0;
	v7 =	vld [tilespmem:$0x70];
	v5 =	vand.u32 $0xFFFFE000, v5;
	v8 =	vshra.s32 v1, $0x2  }
0x17: {  	v9 =	vld [tilespmem:$0x30];
	v0 =	vor.u32 v0, v5;
	v5 =	vand.u32 $0xFFFFE000, v8;
	v8 =	vshra.s32 v2, $0x2  }
0x18: {  	v1 =	vand.u32 $0x1FFF, v1;
	v2 =	vand.u32 $0x1FFF, v2;
	v10 =	vld [tilespmem:$0x20];
	v8 =	vand.u32 $0xFFFFE000, v8  }
0x19: {  	v1 =	vor.u32 v1, v5;
	v11 =	vld [tilespmem:$0x10];
	v12 =	vshra.s32 v4, $0x2;
	v2 =	vor.u32 v2, v8  }
0x1a: {  	v4 =	vand.u32 $0x1FFF, v4;
	v5 =	vld [tilespmem:$0x0];
	v8 =	vand.u32 $0xFFFFE000, v12;
	[tilespmem:$0x1D0] =	vst v1;
	v1 =	vand.u32 $0x1FFF, v6  }
0x1b: {  	v4 =	vor.u32 v4, v8;
	v8 =	vshra.s32 v3, $0x2;
	v3 =	vand.u32 $0x1FFF, v3;
	[tilespmem:$0x1E0] =	vst v2  }
0x1c: {  	v6 =	vshra.s32 v6, $0x2;
	v12 =	vshra.s32 v7, $0x2;
	v2 =	vshra.s32 v9, $0x2;
	v13 =	vld [tilespmem:$0xA0]  }
0x1d: {  	v12 =	vand.u32 $0xFFFFE000, v12;
	v14 =	vand.u32 $0x1FFF, v10;
	v2 =	vand.u32 $0xFFFFE000, v2;
	v15 =	vld [tilespmem:$0x60];
	[tilespmem:$0x1C0] =	vst v0  }
0x1e: {  	v7 =	vand.u32 $0x1FFF, v7;
	v9 =	vand.u32 $0x1FFF, v9;
	v0 =	vshra.s32 v10, $0x2;
	v10 =	vld [tilespmem:$0x50];
	[tilespmem:$0x80] =	vst v4  }
0x1f: {  	v6 =	vand.u32 $0xFFFFE000, v6;
	v8 =	vand.u32 $0xFFFFE000, v8;
	v4 =	vand.u32 $0x1FFF, v11;
	v16 =	vld [tilespmem:$0x40]  }
0x20: {  	v1 =	vor.u32 v1, v6;
	v2 =	vor.u32 v9, v2;
	v17 =	vshra.s32 v5, $0x2  }
0x21: {  	v9 =	vshra.s32 v11, $0x2;
	v5 =	vand.u32 $0x1FFF, v5;
	v6 =	vand.u32 $0xFFFFE000, v17;
	[tilespmem:$0x1F0] =	vst v1  }
0x22: {  	v1 =	vor.u32 v5, v6;
	v5 =	vand.u32 $0xFFFFE000, v9;
	v6 =	vshra.s32 v15, $0x2;
	v9 =	vld [tilespmem:$0xC0]  }
0x23: {  	v3 =	vor.u32 v3, v8;
	v0 =	vand.u32 $0xFFFFE000, v0;
	[tilespmem:$0x0] =	vst v1;
	v1 =	vand.u32 $0x1FFF, v13;
	v11 =	vld [tilespmem:$0xB0]  }
0x24: {  	v7 =	vor.u32 v7, v12;
	v8 =	vand.u32 $0x1FFF, v15;
	[tilespmem:$0x30] =	vst v2;
	v2 =	vshra.s32 v16, $0x2;
	v12 =	vld [tilespmem:$0x90]  }
0x25: {  	v15 =	vand.u32 $0x1FFF, v16;
	v16 =	vshra.s32 v10, $0x2;
	[tilespmem:$0x70] =	vst v7;
	v7 =	vshra.s32 v13, $0x2  }
0x26: {  	v6 =	vand.u32 $0xFFFFE000, v6;
	v2 =	vand.u32 $0xFFFFE000, v2;
	v13 =	vand.u32 $0xFFFFE000, v16;
	v16 =	vld [tilespmem:$0x110];
	[tilespmem:$0x1B0] =	vst v3  }
0x27: {  	v2 =	vor.u32 v15, v2;
	v3 =	vand.u32 $0xFFFFE000, v7;
	v7 =	vand.u32 $0x1FFF, v9;
	v15 =	vld [tilespmem:$0x100]  }
0x28: {  	v1 =	vor.u32 v1, v3;
	v3 =	vshra.s32 v9, $0x2;
	[tilespmem:$0x40] =	vst v2;
	v2 =	vand.u32 $0x1FFF, v10;
	v9 =	vld [tilespmem:$0xD0]  }
0x29: {  	v0 =	vor.u32 v14, v0;
	v4 =	vor.u32 v4, v5;
	[tilespmem:$0xA0] =	vst v1;
	v1 =	vand.u32 $0x1FFF, v11;
	v5 =	vld [tilespmem:$0x120]  }
0x2a: {  	v10 =	vand.u32 $0x1FFF, v12;
	v11 =	vshra.s32 v11, $0x2;
	[tilespmem:$0x20] =	vst v0;
	v0 =	vshra.s32 v12, $0x2;
	v12 =	vld [tilespmem:$0xF0]  }
0x2b: {  	v3 =	vand.u32 $0xFFFFE000, v3;
	[tilespmem:$0x10] =	vst v4;
	v4 =	vand.u32 $0xFFFFE000, v11;
	v11 =	vld [tilespmem:$0xE0];
	v14 =	vand.u32 $0x1FFF, v16  }
0x2c: {  	v3 =	vor.u32 v7, v3;
	v1 =	vor.u32 v1, v4;
	v4 =	vshra.s32 v16, $0x2  }
0x2d: {  	v6 =	vor.u32 v8, v6;
	v2 =	vor.u32 v2, v13;
	[tilespmem:$0xC0] =	vst v3;
	v3 =	vand.u32 $0x1FFF, v15  }
0x2e: {  	v7 =	vand.u32 $0x1FFF, v9;
	[tilespmem:$0x60] =	vst v6;
	v6 =	vshra.s32 v9, $0x2;
	v8 =	vand.u32 $0x1FFF, v5;
	v9 =	vld [tilespmem:$0x180]  }
0x2f: {  	v4 =	vand.u32 $0xFFFFE000, v4;
	v5 =	vshra.s32 v5, $0x2;
	[tilespmem:$0x50] =	vst v2;
	v2 =	vshra.s32 v15, $0x2;
	v13 =	vld [tilespmem:$0x170]  }
0x30: {  	v4 =	vor.u32 v14, v4;
	[tilespmem:$0xB0] =	vst v1;
	v1 =	vand.u32 $0xFFFFE000, v6;
	v6 =	vand.u32 $0x1FFF, v12;
	v14 =	vld [tilespmem:$0x130]  }
0x31: {  	v0 =	vand.u32 $0xFFFFE000, v0;
	v15 =	vshra.s32 v11, $0x2;
	[tilespmem:$0x110] =	vst v4;
	v4 =	vand.u32 $0xFFFFE000, v5  }
0x32: {  	v0 =	vor.u32 v10, v0;
	v1 =	vor.u32 v7, v1;
	v5 =	vand.u32 $0xFFFFE000, v15;
	v7 =	vld [tilespmem:$0x190]  }
0x33: {  	v10 =	vshra.s32 v12, $0x2;
	[tilespmem:$0x90] =	vst v0;
	v0 =	vand.u32 $0x1FFF, v11;
	v11 =	vld [tilespmem:$0x150];
	v12 =	vshra.s32 v9, $0x2  }
0x34: {  	[tilespmem:$0xD0] =	vst v1;
	v0 =	vor.u32 v0, v5;
	v1 =	vand.u32 $0xFFFFE000, v2;
	v2 =	vld [tilespmem:$0x140];
	v5 =	vand.u32 $0x1FFF, v9  }
0x35: {  	[tilespmem:$0xE0] =	vst v0;
	v0 =	vand.u32 $0xFFFFE000, v10;
	v1 =	vor.u32 v3, v1;
	v3 =	vor.u32 v8, v4  }
0x36: {  	v4 =	vand.u32 $0x1FFF, v14;
	v8 =	vand.u32 $0x1FFF, v13;
	[tilespmem:$0x120] =	vst v3;
	v3 =	vshra.s32 v14, $0x2  }
0x37: {  	v9 =	vand.u32 $0xFFFFE000, v12;
	[tilespmem:$0x100] =	vst v1;
	v1 =	vshra.s32 v13, $0x2;
	v10 =	vand.u32 $0x1FFF, v7;
	v12 =	vld [tilespmem:$0x1A0]  }
0x38: {  	v5 =	vor.u32 v5, v9;
	v0 =	vor.u32 v6, v0;
	v3 =	vand.u32 $0xFFFFE000, v3;
	v6 =	vld [tilespmem:$0x160]  }
0x39: {  	v1 =	vand.u32 $0xFFFFE000, v1;
	[tilespmem:$0xF0] =	vst v0;
	v0 =	vor.u32 v4, v3;
	v3 =	vshra.s32 v7, $0x2  }
0x3a: {  	v4 =	vand.u32 $0x1FFF, v11;
	v1 =	vor.u32 v8, v1;
	[tilespmem:$0x130] =	vst v0;
	v0 =	vshra.s32 v2, $0x2  }
0x3b: {  	v7 =	vshra.s32 v11, $0x2;
	v2 =	vand.u32 $0x1FFF, v2;
	v0 =	vand.u32 $0xFFFFE000, v0;
	[tilespmem:$0x180] =	vst v5  }
0x3c: {  	v0 =	vor.u32 v2, v0;
	[tilespmem:$0x170] =	vst v1;
	v1 =	vand.u32 $0xFFFFE000, v3;
	v2 =	vand.u32 $0x1FFF, v12  }
0x3d: {  	[tilespmem:$0x140] =	vst v0;
	v0 =	vand.u32 $0xFFFFE000, v7;
	v3 =	vand.u32 $0x1FFF, v6;
	v1 =	vor.u32 v10, v1  }
0x3e: {  	v0 =	vor.u32 v4, v0;
	v4 =	vshra.s32 v6, $0x2;
	[tilespmem:$0x190] =	vst v1;
	v1 =	vshra.s32 v12, $0x2  }
0x3f: {  	[tilespmem:$0x150] =	vst v0;
	v0 =	vand.u32 $0xFFFFE000, v4;
	v1 =	vand.u32 $0xFFFFE000, v1  }
0x40: {  	v0 =	vor.u32 v3, v0;
	v1 =	vor.u32 v2, v1  }
0x41: {  	[tilespmem:$0x1A0] =	vst v1  }
0x42: {  	[tilespmem:$0x160] =	vst v0  }
0x43: {  	[tilespmem:s8], [sflag:$0x1] =	stream.indirect.gather [hbm4b:s3+s11], $0x80, s2, s11, $0xb8;
	[tilespmem:$0x8200] =	vst v63  }
0x44: {  	_ = 	snop  }
0x45: {  	[tilespmem:s6], [sflag:$0x2] =	stream.indirect.gather [hbm4b:s3+s11], $0x80, s11, s11, $0xb8;
	[tilespmem:$0x8200] =	vst v63  }
0x46: {  	_ =	swait.ge [sflag:s12], $0x4000  }
0x47: {  	[sflag:s12] =	ssyncset.done $0x0  }
0x48: {  	[sflag:s12] =	ssyncadd.s32 $0xFFFFC000  }
0x49: {  	[hbm4b:s14+s2] =	stream.linear.scatter [tilespmem:s8], [sflag:$0x3], $0x4000, $0x38;
	[tilespmem:$0x8200] =	vst v63  }
0x4a: {  	_ =	swait.ge [sflag:s7], $0x4000  }
0x4b: {  	[sflag:s7] =	ssyncset.done $0x0  }
0x4c: {  	[sflag:s7] =	ssyncadd.s32 $0xFFFFC000  }
0x4d: {  	[tilespmem:s8], [sflag:$0x1] =	stream.indirect.gather [hbm4b:s3+s11], $0x80, s16, s11, $0xb8;
	[tilespmem:$0x8200] =	vst v63  }
0x4e: {  	_ =	swait.ge [sflag:s13], $0x4000  }
0x4f: {  	[sflag:s13] =	ssyncset.done $0x0  }
0x50: {  	[sflag:s13] =	ssyncadd.s32 $0xFFFFC000  }
0x51: {  	[hbm4b:s10+s2] =	stream.linear.scatter [tilespmem:s6], [sflag:$0x4], $0x4000, $0x38;
	[tilespmem:$0x8200] =	vst v63  }
0x52: {  	_ =	swait.ge [sflag:s9], $0x4000  }
0x53: {  	[sflag:s9] =	ssyncset.done $0x0  }
0x54: {  	[sflag:s9] =	ssyncadd.s32 $0xFFFFC000  }
0x55: {  	[tilespmem:s6], [sflag:$0x2] =	stream.indirect.gather [hbm4b:s3+s11], $0x80, s15, s11, $0xb8;
	[tilespmem:$0x8200] =	vst v63  }
0x56: {  	_ =	swait.ge [sflag:s12], $0x4000  }
0x57: {  	[sflag:s12] =	ssyncset.done $0x0  }
0x58: {  	[sflag:s12] =	ssyncadd.s32 $0xFFFFC000  }
0x59: {  	[hbm4b:s5+s2] =	stream.linear.scatter [tilespmem:s8], [sflag:$0x3], $0x4000, $0x38;
	[tilespmem:$0x8200] =	vst v63  }
0x5a: {  	_ =	swait.ge [sflag:s13], $0x4000  }
0x5b: {  	[sflag:s13] =	ssyncset.done $0x0  }
0x5c: {  	[sflag:s13] =	ssyncadd.s32 $0xFFFFC000  }
0x5d: {  	[hbm4b:s4+s2] =	stream.linear.scatter [tilespmem:s6], [sflag:$0x4], $0x4000, $0x38;
	[tilespmem:$0x8200] =	vst v63  }
0x5e: {  	_ =	swait.ge [sflag:s7], $0x4000  }
0x5f: {  	[sflag:s7] =	ssyncset.done $0x0  }
0x60: {  	[sflag:s7] =	ssyncadd.s32 $0xFFFFC000  }
0x61: {  	_ =	swait.ge [sflag:s9], $0x4000  }
0x62: {  	[sflag:s9] =	ssyncset.done $0x0  }
0x63: {  	[sflag:s9] =	ssyncadd.s32 $0xFFFFC000  }
0x64: {  	[tilespmem:s2], [sflag:$0x5] =	stream.linear.gather [hbm4b:s17+s2], $0x200, $0x38;
	[tilespmem:$0x8200] =	vst v63  }
.Ltmp1:
0x65: {  	_ = 	snop;
	(pc) =	sbr.rel @p0 .LBB2_1-.Ltmp1, $4  }
0x66: {  	_ =	swait.ge [sflag:s18], $0x200  }
0x67: {  	[sflag:s18] =	ssyncset.done $0x0  }
0x68: {  	[sflag:s18] =	ssyncadd.s32 $0xFFFFFE00  }
0x69: {  	v0 =	vld [tilespmem:$0x1C0]  }
.LBB2_2:
0x6a: {  	v1 =	vld [tilespmem:$0x1D0]  }
0x6b: {  	v2 =	vld [tilespmem:$0x1E0]  }
0x6c: {  	v3 =	vld [tilespmem:$0x1B0]  }
0x6d: {  	v4 =	vld [tilespmem:$0x80]  }
0x6e: {  	v6 =	vld [tilespmem:$0x1F0]  }
0x6f: {  	v7 =	vld [tilespmem:$0x70]  }
0x70: {  	v9 =	vld [tilespmem:$0x30]  }
0x71: {  	v10 =	vld [tilespmem:$0x20]  }
0x72: {  	v33 =	vld [tilespmem:$0x10]  }
0x73: {  	v12 =	vld [tilespmem:$0x0]  }
0x74: {  	v16 =	vld [tilespmem:$0x60];
	v5 =	vshra.s32 v0, $0x2  }
0x75: {  	v17 =	vld [tilespmem:$0xA0];
	v30 =	vand.u32 $0x1FFF, v0;
	v5 =	vand.u32 $0xFFFFE000, v5;
	v8 =	vshra.s32 v1, $0x2  }
0x76: {  	v19 =	vld [tilespmem:$0x40];
	v32 =	vshra.s32 v2, $0x2;
	v1 =	vand.u32 $0x1FFF, v1;
	v2 =	vand.u32 $0x1FFF, v2  }
0x77: {  	v37 =	vld [tilespmem:$0x50];
	v11 =	vshra.s32 v4, $0x2;
	v4 =	vand.u32 $0x1FFF, v4;
	v35 =	vand.u32 $0x1FFF, v6  }
0x78: {  	v41 =	vld [tilespmem:$0xC0];
	v36 =	vshra.s32 v3, $0x2;
	v3 =	vand.u32 $0x1FFF, v3;
	v13 =	vshra.s32 v9, $0x2  }
0x79: {  	v44 =	vld [tilespmem:$0xB0];
	v14 =	vshra.s32 v7, $0x2;
	v6 =	vshra.s32 v6, $0x2;
	v15 =	vand.u32 $0x1FFF, v10  }
0x7a: {  	v46 =	vld [tilespmem:$0x90];
	v10 =	vshra.s32 v10, $0x2;
	v9 =	vand.u32 $0x1FFF, v9;
	v7 =	vand.u32 $0x1FFF, v7  }
0x7b: {  	v18 =	vand.u32 $0x1FFF, v33;
	v38 =	vshra.s32 v12, $0x2;
	v12 =	vand.u32 $0x1FFF, v12  }
0x7c: {  	v51 =	vld [tilespmem:$0x110];
	v40 =	vshra.s32 v16, $0x2;
	v43 =	vand.u32 $0x1FFF, v17;
	v45 =	vshra.s32 v19, $0x2  }
0x7d: {  	v16 =	vand.u32 $0x1FFF, v16;
	v47 =	vand.u32 $0x1FFF, v19;
	v48 =	vshra.s32 v37, $0x2  }
0x7e: {  	v55 =	vld [tilespmem:$0x100];
	v17 =	vshra.s32 v17, $0x2;
	v54 =	vand.u32 $0x1FFF, v41;
	v56 =	vand.u32 $0x1FFF, v37  }
0x7f: {  	v58 =	vld [tilespmem:$0xD0];
	v57 =	vshra.s32 v41, $0x2;
	v60 =	vshra.s32 v44, $0x2;
	v61 =	vshra.s32 v46, $0x2  }
0x80: {  	v62 =	vand.u32 $0x1FFF, v46;
	v0 =	vor.u32 v30, v5;
	v31 =	vand.u32 $0xFFFFE000, v8  }
0x81: {  	v59 =	vld [tilespmem:$0x120];
	v21 =	vand.u32 $0x1FFF, v51;
	v8 =	vand.u32 $0xFFFFE000, v32;
	v1 =	vor.u32 v1, v31;
	[tilespmem:$0x1C0] =	vst v0  }
0x82: {  	v22 =	vshra.s32 v51, $0x2;
	v34 =	vand.u32 $0xFFFFE000, v11;
	v2 =	vor.u32 v2, v8;
	[tilespmem:$0x1D0] =	vst v1  }
0x83: {  	v25 =	vand.u32 $0x1FFF, v55;
	v6 =	vand.u32 $0xFFFFE000, v6;
	v4 =	vor.u32 v4, v34;
	[tilespmem:$0x1E0] =	vst v2  }
0x84: {  	v26 =	vshra.s32 v58, $0x2;
	v11 =	vand.u32 $0xFFFFE000, v38;
	v6 =	vor.u32 v35, v6;
	[tilespmem:$0x80] =	vst v4  }
0x85: {  	v27 =	vand.u32 $0x1FFF, v58;
	v13 =	vand.u32 $0xFFFFE000, v13;
	v39 =	vor.u32 v12, v11;
	[tilespmem:$0x1F0] =	vst v6  }
0x86: {  	v63 =	vld [tilespmem:$0xF0];
	v28 =	vand.u32 $0x1FFF, v59;
	v14 =	vand.u32 $0xFFFFE000, v14;
	v9 =	vor.u32 v9, v13;
	[tilespmem:$0x0] =	vst v39  }
0x87: {  	v5 =	vshra.s32 v33, $0x2;
	v49 =	vand.u32 $0xFFFFE000, v45;
	v7 =	vor.u32 v7, v14;
	[tilespmem:$0x30] =	vst v9  }
0x88: {  	v42 =	vand.u32 $0xFFFFE000, v10;
	v10 =	vand.u32 $0xFFFFE000, v57;
	v52 =	vor.u32 v47, v49;
	[tilespmem:$0x70] =	vst v7  }
0x89: {  	v20 =	vld [tilespmem:$0xE0];
	v50 =	vand.u32 $0xFFFFE000, v48;
	v53 =	vand.u32 $0xFFFFE000, v17;
	v10 =	vor.u32 v54, v10;
	[tilespmem:$0x40] =	vst v52  }
0x8a: {  	v30 =	vshra.s32 v55, $0x2;
	v8 =	vand.u32 $0xFFFFE000, v36;
	v23 =	vor.u32 v56, v50;
	[tilespmem:$0xC0] =	vst v10  }
0x8b: {  	v32 =	vand.u32 $0x1FFF, v63;
	v5 =	vand.u32 $0xFFFFE000, v5;
	v3 =	vor.u32 v3, v8;
	[tilespmem:$0x50] =	vst v23  }
0x8c: {  	v29 =	vld [tilespmem:$0x180];
	v11 =	vand.u32 $0xFFFFE000, v40;
	v0 =	vand.u32 $0x1FFF, v44;
	v6 =	vor.u32 v43, v53;
	[tilespmem:$0x1B0] =	vst v3  }
0x8d: {  	v13 =	vand.u32 $0xFFFFE000, v60;
	v14 =	vand.u32 $0xFFFFE000, v22;
	v2 =	vor.u32 v15, v42;
	[tilespmem:$0xA0] =	vst v6  }
0x8e: {  	v34 =	vshra.s32 v20, $0x2;
	v41 =	vand.u32 $0xFFFFE000, v30;
	v5 =	vor.u32 v18, v5;
	[tilespmem:$0x20] =	vst v2  }
0x8f: {  	v0 =	vor.u32 v0, v13;
	v24 =	vor.u32 v16, v11;
	v7 =	vshra.s32 v59, $0x2;
	[tilespmem:$0x10] =	vst v5  }
0x90: {  	v51 =	vld [tilespmem:$0x160];
	v13 =	vor.u32 v21, v14;
	v37 =	vand.u32 $0xFFFFE000, v34;
	v4 =	vshra.s32 v63, $0x2;
	[tilespmem:$0x60] =	vst v24  }
0x91: {  	v33 =	vld [tilespmem:$0x130];
	v39 =	vshra.s32 v29, $0x2;
	v42 =	vand.u32 $0x1FFF, v29;
	v3 =	vand.u32 $0xFFFFE000, v61;
	[tilespmem:$0xB0] =	vst v0  }
0x92: {  	v38 =	vld [tilespmem:$0x190];
	v5 =	vand.u32 $0xFFFFE000, v26;
	v7 =	vand.u32 $0xFFFFE000, v7;
	[tilespmem:$0x110] =	vst v13;
	v35 =	vor.u32 v62, v3  }
0x93: {  	v31 =	vld [tilespmem:$0x170];
	v6 =	vand.u32 $0x1FFF, v20;
	v4 =	vand.u32 $0xFFFFE000, v4;
	v36 =	vor.u32 v27, v5;
	[tilespmem:$0x90] =	vst v35  }
0x94: {  	v40 =	vld [tilespmem:$0x150];
	v47 =	vand.u32 $0xFFFFE000, v39;
	v3 =	vor.u32 v6, v37;
	v6 =	vor.u32 v25, v41;
	[tilespmem:$0xD0] =	vst v36  }
0x95: {  	v7 =	vor.u32 v28, v7;
	v4 =	vor.u32 v32, v4;
	v50 =	vor.u32 v42, v47;
	[tilespmem:$0xE0] =	vst v3  }
0x96: {  	v43 =	vld [tilespmem:$0x140];
	v60 =	vshra.s32 v51, $0x2;
	v62 =	vand.u32 $0x1FFF, v51;
	v44 =	vshra.s32 v33, $0x2;
	[tilespmem:$0x120] =	vst v7  }
0x97: {  	v2 =	vand.u32 $0x1FFF, v33;
	v48 =	vand.u32 $0x1FFF, v38;
	[tilespmem:$0x100] =	vst v6;
	v53 =	vshra.s32 v38, $0x2  }
0x98: {  	v49 =	vld [tilespmem:$0x1A0];
	[tilespmem:$0xF0] =	vst v4;
	v45 =	vand.u32 $0x1FFF, v31;
	v46 =	vshra.s32 v31, $0x2;
	v3 =	vand.u32 $0xFFFFE000, v44  }
0x99: {  	[tilespmem:$0x180] =	vst v50;
	v55 =	vand.u32 $0x1FFF, v40;
	v56 =	vand.u32 $0xFFFFE000, v53;
	v2 =	vor.u32 v2, v3  }
0x9a: {  	v0 =	vshra.s32 v40, $0x2;
	v52 =	vand.u32 $0xFFFFE000, v46;
	v58 =	vor.u32 v48, v56;
	[tilespmem:$0x130] =	vst v2  }
0x9b: {  	v54 =	vshra.s32 v43, $0x2;
	v0 =	vand.u32 $0xFFFFE000, v0;
	v3 =	vor.u32 v45, v52;
	[tilespmem:$0x190] =	vst v58  }
0x9c: {  	v1 =	vand.u32 $0x1FFF, v43;
	v2 =	vand.u32 $0xFFFFE000, v54;
	v0 =	vor.u32 v55, v0;
	[tilespmem:$0x170] =	vst v3  }
0x9d: {  	v63 =	vand.u32 $0xFFFFE000, v60;
	v59 =	vshra.s32 v49, $0x2;
	v1 =	vor.u32 v1, v2;
	[tilespmem:$0x150] =	vst v0  }
0x9e: {  	v57 =	vand.u32 $0x1FFF, v49;
	v61 =	vand.u32 $0xFFFFE000, v59;
	v0 =	vor.u32 v62, v63;
	[tilespmem:$0x140] =	vst v1  }
0x9f: {  	v1 =	vor.u32 v57, v61;
	[tilespmem:$0x160] =	vst v0  }
0xa0: {  	[tilespmem:$0x1A0] =	vst v1  }
0xa1: {  	[tilespmem:s8], [sflag:$0x1] =	stream.indirect.gather [hbm4b:s3+s11], $0x80, s2, s11, $0xb8;
	[tilespmem:$0x8200] =	vst v63  }
0xa2: {  	_ = 	snop  }
0xa3: {  	[tilespmem:s6], [sflag:$0x2] =	stream.indirect.gather [hbm4b:s3+s11], $0x80, s11, s11, $0xb8;
	[tilespmem:$0x8200] =	vst v63  }
0xa4: {  	_ =	swait.ge [sflag:s12], $0x4000  }
0xa5: {  	[sflag:s12] =	ssyncset.done $0x0  }
0xa6: {  	[sflag:s12] =	ssyncadd.s32 $0xFFFFC000  }
0xa7: {  	[hbm4b:s14+s2] =	stream.linear.scatter [tilespmem:s8], [sflag:$0x3], $0x4000, $0x38;
	[tilespmem:$0x8200] =	vst v63  }
0xa8: {  	_ =	swait.ge [sflag:s7], $0x4000  }
0xa9: {  	[sflag:s7] =	ssyncset.done $0x0  }
0xaa: {  	[sflag:s7] =	ssyncadd.s32 $0xFFFFC000  }
0xab: {  	[tilespmem:s8], [sflag:$0x1] =	stream.indirect.gather [hbm4b:s3+s11], $0x80, s16, s11, $0xb8;
	[tilespmem:$0x8200] =	vst v63  }
0xac: {  	_ =	swait.ge [sflag:s13], $0x4000  }
0xad: {  	[sflag:s13] =	ssyncset.done $0x0  }
0xae: {  	[sflag:s13] =	ssyncadd.s32 $0xFFFFC000  }
0xaf: {  	[hbm4b:s10+s2] =	stream.linear.scatter [tilespmem:s6], [sflag:$0x4], $0x4000, $0x38;
	[tilespmem:$0x8200] =	vst v63  }
0xb0: {  	_ =	swait.ge [sflag:s9], $0x4000  }
0xb1: {  	[sflag:s9] =	ssyncset.done $0x0  }
0xb2: {  	[sflag:s9] =	ssyncadd.s32 $0xFFFFC000  }
0xb3: {  	[tilespmem:s6], [sflag:$0x2] =	stream.indirect.gather [hbm4b:s3+s11], $0x80, s15, s11, $0xb8;
	[tilespmem:$0x8200] =	vst v63  }
0xb4: {  	_ =	swait.ge [sflag:s12], $0x4000  }
0xb5: {  	[sflag:s12] =	ssyncset.done $0x0  }
0xb6: {  	[sflag:s12] =	ssyncadd.s32 $0xFFFFC000  }
0xb7: {  	[hbm4b:s5+s2] =	stream.linear.scatter [tilespmem:s8], [sflag:$0x3], $0x4000, $0x38;
	[tilespmem:$0x8200] =	vst v63  }
0xb8: {  	_ =	swait.ge [sflag:s13], $0x4000  }
0xb9: {  	[sflag:s13] =	ssyncset.done $0x0  }
0xba: {  	[sflag:s13] =	ssyncadd.s32 $0xFFFFC000  }
0xbb: {  	[hbm4b:s4+s2] =	stream.linear.scatter [tilespmem:s6], [sflag:$0x4], $0x4000, $0x38;
	[tilespmem:$0x8200] =	vst v63  }
0xbc: {  	_ =	swait.ge [sflag:s7], $0x4000  }
0xbd: {  	[sflag:s7] =	ssyncset.done $0x0  }
0xbe: {  	[sflag:s7] =	ssyncadd.s32 $0xFFFFC000  }
0xbf: {  	_ =	swait.ge [sflag:s9], $0x4000  }
0xc0: {  	[sflag:s9] =	ssyncset.done $0x0  }
0xc1: {  	[sflag:s9] =	ssyncadd.s32 $0xFFFFC000  }
0xc2: {  	_ =	sfence.sel $0x180000  }
0xc3: {  	[bflag:$0x0] =	sbarrier.arrive $0xFFFF  }
0xc4: {  	p0 =	sne.s32 s1, $0x0;
	_ =	strace $0x90000047  }
0xc5: {  	s0 =	sadd.s32 @!p0 $0x100000, s0;
	[bflag:$0x2] =	sbarrier.arrive $0xFFFF  }
0xc6: {  	[sflag:s0] =	ssyncadd.tile.s32 @!p0 $0x1;
	_ =	shalt  }
.Lfunc_end2:
_tile_overlayer_lowered:
.L_overlay_start_2:
0xc7: {  	(tag) =	ssettag $0x2  }
0xc8: {  	s0 =	rddreg [dreg:$0x0];
	s2 =	stileid.u32  }
0xc9: {  	s1 =	rddreg [dreg:$0x1];
	p0 =	sne.s32 s2, $0x0  }
0xca: {  	s3 =	rddreg [dreg:$0x2];
	[bflag:$0x3] =	sbarrier.arrive $0xFFFF;
	s2 =	simm.s32 @!p0 $0x1C05  }
0xcb: {  	[timem:s3], [sflag:s2] =	dma.local @!p0 [hbm:s0], s1  }
0xcc: {  	s0 =	simm.s32 @!p0 $0x5  }
0xcd: {  	_ =	swait.ge @!p0 [sflag:s0], s1  }
0xce: {  	s1 =	ssub.s32 @!p0 $0x0, s1;
	[sflag:s0] =	ssyncset.done @!p0 $0x0  }
0xcf: {  	[sflag:s0] =	ssyncadd.s32 @!p0 s1  }
0xd0: {  	[bflag:$0x3] =	sbarrier.arrive $0xFFFF  }
0xd1: {  	_ =	shalt  }

</sc_bundles>
